<compile_context>
chip_gen: v7x
topology: tpu7x:2x2x1
jax: 0.10.2.dev20260603
libtpu: 0.0.44.dev20260713+nightly
codegen_flags: <defaults>
</compile_context>

<pallas_src>
import dataclasses
import functools

import jax
import jax.numpy as jnp
from jax import lax
from jax.experimental import pallas as pl
from jax.experimental.pallas import tpu as pltpu
from jax.experimental.pallas import tpu_sc as plsc

N = 10000
E = 320000
F = 128
H = 4
D = 32

NC = 2
NS = 16
L = 16
NW = NC * NS
C = 112
CPW = 90
E_PAD = NW * CPW * C
NP = 10016
RPT = NP // NS

BLK = 400
GRID = N // BLK


def _tc1_body(x_ref, w_ref, al_ref, ar_ref, feat_ref, elp_ref, erp_ref,
              mx_ref):
    i = pl.program_id(0)
    feat = jnp.dot(x_ref[...], w_ref[...],
                   preferred_element_type=jnp.float32,
                   precision=lax.Precision.HIGHEST)
    feat_ref[...] = feat
    elp = jnp.dot(feat, al_ref[...],
                  preferred_element_type=jnp.float32,
                  precision=lax.Precision.HIGHEST)
    erp = jnp.dot(feat, ar_ref[...],
                  preferred_element_type=jnp.float32,
                  precision=lax.Precision.HIGHEST)
    elp_ref[...] = elp
    erp_ref[...] = erp
    bl = jnp.broadcast_to(jnp.max(elp, axis=0, keepdims=True), (8, 16))
    br = jnp.broadcast_to(jnp.max(erp, axis=0, keepdims=True), (8, 16))
    bmax = jnp.concatenate([bl[0:4], br[0:4]], axis=0)

    @pl.when(i == 0)
    def _():
        mx_ref[...] = bmax

    @pl.when(i > 0)
    def _():
        mx_ref[...] = jnp.maximum(mx_ref[...], bmax)


_tc1 = pl.pallas_call(
    _tc1_body,
    grid=(GRID,),
    in_specs=[
        pl.BlockSpec((BLK, F), lambda i: (i, 0)),
        pl.BlockSpec((F, F), lambda i: (0, 0)),
        pl.BlockSpec((F, 16), lambda i: (0, 0)),
        pl.BlockSpec((F, 16), lambda i: (0, 0)),
    ],
    out_specs=[
        pl.BlockSpec((BLK, F), lambda i: (i, 0)),
        pl.BlockSpec((BLK, 16), lambda i: (i, 0)),
        pl.BlockSpec((BLK, 16), lambda i: (i, 0)),
        pl.BlockSpec((8, 16), lambda i: (0, 0)),
    ],
    out_shape=[
        jax.ShapeDtypeStruct((N, F), jnp.float32),
        jax.ShapeDtypeStruct((N, 16), jnp.float32),
        jax.ShapeDtypeStruct((N, 16), jnp.float32),
        jax.ShapeDtypeStruct((8, 16), jnp.float32),
    ],
)


_sc_mesh = plsc.VectorSubcoreMesh(core_axis_name="c", subcore_axis_name="s")

_sc_params = pltpu.CompilerParams()
if "needs_layout_passes" in pltpu.CompilerParams.__dataclass_fields__:
    _sc_params = dataclasses.replace(_sc_params, needs_layout_passes=False)
_sc_params = dataclasses.replace(_sc_params, use_tc_tiling_on_sc=False)


@functools.partial(
    pl.kernel,
    out_type=(
        jax.ShapeDtypeStruct((NC, NP, F), jnp.float32),
        jax.ShapeDtypeStruct((NC, NP, 16), jnp.float32),
    ),
    mesh=_sc_mesh,
    scratch_types=[
        pltpu.VMEM_SHARED((NP, F), jnp.float32),
        pltpu.VMEM_SHARED((NP, 16), jnp.float32),
        [pltpu.VMEM((2, C), jnp.int32)] * 2,
        [pltpu.VMEM((2, C), jnp.int32)] * 2,
        [pltpu.VMEM((C, F), jnp.float32)] * 2,
        [pltpu.VMEM((C, 16), jnp.float32)] * 2,
        [pltpu.VMEM((C, 16), jnp.float32)] * 2,
        [pltpu.VMEM((C, 16), jnp.float32)] * 2,
        [pltpu.SemaphoreType.DMA] * 2,
        [pltpu.SemaphoreType.DMA] * 2,
        [pltpu.SemaphoreType.DMA] * 2,
    ],
    compiler_params=_sc_params,
)
def _sc(feat_hbm, elp_hbm, erp_hbm, src_hbm, dst_hbm, zeros_hbm,
        zeros16_hbm,
        acc_out, den_out,
        acc_sh, den_sh, idx_v, sidx_v, rows_v, elsrc_v, erdst_v, wrow_v,
        semi, semg, sems):
    iota = lax.iota(jnp.int32, L)
    zero_v = iota * 0
    splat = [zero_v + h for h in range(8)]
    rowidx = [iota + g * L for g in range(C // L)]
    cid = lax.axis_index("c")
    sid = lax.axis_index("s")
    wid = cid * NS + sid
    row0 = sid * RPT

    pltpu.sync_copy(zeros_hbm.at[pl.ds(0, RPT)],
                    acc_sh.at[pl.ds(row0, RPT)])
    pltpu.sync_copy(zeros16_hbm, den_sh.at[pl.ds(row0, RPT)])
    plsc.subcore_barrier()

    base0 = wid * (CPW * C)

    def issue_idx(j, b):
        base = base0 + j * C
        pltpu.async_copy(src_hbm.at[pl.ds(base, C)], idx_v[b].at[0], semi[b])
        pltpu.async_copy(dst_hbm.at[pl.ds(base, C)], idx_v[b].at[1], semi[b])

    def wait_idx(b):
        pltpu.make_async_copy(src_hbm.at[pl.ds(0, C)], idx_v[b].at[0],
                              semi[b]).wait()
        pltpu.make_async_copy(dst_hbm.at[pl.ds(0, C)], idx_v[b].at[1],
                              semi[b]).wait()

    def issue_gath(b):
        pltpu.async_copy(feat_hbm.at[idx_v[b].at[0]], rows_v[b], semg[b])
        pltpu.async_copy(elp_hbm.at[idx_v[b].at[0]], elsrc_v[b], semg[b])
        pltpu.async_copy(erp_hbm.at[idx_v[b].at[1]], erdst_v[b], semg[b])

    def wait_gath(b):
        pltpu.make_async_copy(feat_hbm.at[idx_v[b].at[0]], rows_v[b],
                              semg[b]).wait()
        pltpu.make_async_copy(elp_hbm.at[idx_v[b].at[0]], elsrc_v[b],
                              semg[b]).wait()
        pltpu.make_async_copy(erp_hbm.at[idx_v[b].at[1]], erdst_v[b],
                              semg[b]).wait()

    def wait_scat(b):
        pltpu.make_async_copy(wrow_v[b], den_sh.at[sidx_v[b].at[1]],
                              sems[b]).wait()
        pltpu.make_async_copy(rows_v[b], acc_sh.at[sidx_v[b].at[1]],
                              sems[b]).wait()

    def copy_sidx(b):
        for g in range(C // L):
            sl = (1, pl.ds(g * L, L))
            sidx_v[b][sl] = idx_v[b][sl]

    def compute_chunk(b):
        for g in range(C // L):
            for h in range(H):
                a = plsc.load_gather(elsrc_v[b], [rowidx[g], splat[h]])
                bb = plsc.load_gather(erdst_v[b], [rowidx[g], splat[h]])
                e = a + bb
                e = jnp.maximum(e, 0.2 * e)
                plsc.store_scatter(wrow_v[b], [rowidx[g], splat[h]],
                                   jnp.exp(e))
        pltpu.async_copy(wrow_v[b], den_sh.at[sidx_v[b].at[1]], sems[b],
                         add=True)

        @pl.loop(0, C, unroll=4)
        def _edge(ei):
            w16 = wrow_v[b][ei, pl.ds(0, L)]
            for h in range(H):
                wb = lax.gather(
                    w16, splat[h][:, None],
                    lax.GatherDimensionNumbers(
                        offset_dims=(), collapsed_slice_dims=(0,),
                        start_index_map=(0,)),
                    (1,), mode=lax.GatherScatterMode.PROMISE_IN_BOUNDS)
                for half in range(2):
                    sl = (ei, pl.ds(h * D + half * L, L))
                    rows_v[b][sl] = rows_v[b][sl] * wb

        pltpu.async_copy(rows_v[b], acc_sh.at[sidx_v[b].at[1]], sems[b],
                         add=True)

    issue_idx(0, 0)
    issue_idx(1, 1)
    wait_idx(0)
    issue_gath(0)

    @pl.loop(0, CPW // 2)
    def _pair(k):
        j0 = 2 * k
        wait_gath(0)
        copy_sidx(0)

        @pl.when(k > 0)
        def _():
            wait_scat(1)

        wait_idx(1)
        issue_gath(1)

        @pl.when(k < CPW // 2 - 1)
        def _():
            issue_idx(j0 + 2, 0)

        compute_chunk(0)

        wait_gath(1)
        copy_sidx(1)
        wait_scat(0)

        @pl.when(k < CPW // 2 - 1)
        def _():
            wait_idx(0)
            issue_gath(0)
            issue_idx(j0 + 3, 1)

        compute_chunk(1)

    wait_scat(1)
    plsc.subcore_barrier()
    pltpu.sync_copy(acc_sh.at[pl.ds(row0, RPT)],
                    acc_out.at[cid, pl.ds(row0, RPT)])
    pltpu.sync_copy(den_sh.at[pl.ds(row0, RPT)],
                    den_out.at[cid, pl.ds(row0, RPT)])


def _tc2_body(acc_ref, den_ref, rm_ref, s_ref, bias_ref, out_ref):
    acc = acc_ref[0] + acc_ref[1]
    den = den_ref[0] + den_ref[1]
    r = 1.0 / jnp.maximum(den, 1e-9)
    rexp = jnp.dot(r, rm_ref[...],
                   preferred_element_type=jnp.float32,
                   precision=lax.Precision.HIGHEST)
    val = jnp.maximum(acc * rexp + bias_ref[...][0:1, :], 0.0)
    out_ref[...] = jnp.dot(val, s_ref[...],
                           preferred_element_type=jnp.float32,
                           precision=lax.Precision.HIGHEST)


_tc2 = pl.pallas_call(
    _tc2_body,
    grid=(GRID,),
    in_specs=[
        pl.BlockSpec((NC, BLK, F), lambda i: (0, i, 0)),
        pl.BlockSpec((NC, BLK, 16), lambda i: (0, i, 0)),
        pl.BlockSpec((16, F), lambda i: (0, 0)),
        pl.BlockSpec((F, D), lambda i: (0, 0)),
        pl.BlockSpec((8, F), lambda i: (0, 0)),
    ],
    out_specs=pl.BlockSpec((BLK, D), lambda i: (i, 0)),
    out_shape=jax.ShapeDtypeStruct((N, D), jnp.float32),
)


@jax.jit
def kernel(x, edge_index, W, attn_l, attn_r, bias):
    eye = jnp.eye(H, dtype=jnp.float32)
    a_l = (attn_l.reshape(H, D)[:, :, None] * eye[:, None, :]).reshape(F, H)
    a_r = (attn_r.reshape(H, D)[:, :, None] * eye[:, None, :]).reshape(F, H)
    a_l = jnp.pad(a_l, ((0, 0), (0, 12)))
    a_r = jnp.pad(a_r, ((0, 0), (0, 12)))

    feat, elp, erp, _ = _tc1(x, W, a_l, a_r)

    pad = E_PAD - E
    ei_pad = jnp.concatenate(
        [edge_index,
         jnp.stack([jnp.zeros((pad,), jnp.int32),
                    jnp.full((pad,), N, jnp.int32)])], axis=1)
    zeros = jnp.zeros((RPT, F), jnp.float32)
    zeros16 = jnp.zeros((RPT, 16), jnp.float32)

    acc, den = _sc(feat, elp, erp, ei_pad[0], ei_pad[1], zeros, zeros16)

    rm = jnp.repeat(jnp.eye(H, dtype=jnp.float32), D, axis=1)
    rm = jnp.concatenate([rm, jnp.zeros((16 - H, F), jnp.float32)], axis=0)
    s = jnp.kron(jnp.ones((H, 1), jnp.float32) / H,
                 jnp.eye(D, dtype=jnp.float32))
    bias_b = jnp.broadcast_to(bias.reshape(1, F), (8, F))

    return _tc2(acc, den, rm, s, bias_b)

# --- scband reference (transcript-rebuilt; emitter-appended) ---
"""Pipeline reference for scband-gat-63840393887761 (READ-ONLY COPY).

The authoritative reference and input builder live on the scoring server;
editing this copy changes nothing except your own understanding.
"""

import jax, jax.numpy as jnp
import numpy as np

N = 10000
E = 320000
IN_FEAT = 128
H = 4
D = 32


def setup_inputs(seed: int = 0) -> dict:
    key = jax.random.key(seed)
    k1, k2, k3, k4, k5 = jax.random.split(key, 5)
    x = jax.random.normal(k1, (N, IN_FEAT), dtype=jnp.float32)
    edge_index = jax.random.randint(k2, (2, E), 0, N, dtype=jnp.int32)
    W = jax.random.normal(k3, (IN_FEAT, H * D), dtype=jnp.float32) * 0.05
    attn_l = jax.random.normal(k4, (1, H, D), dtype=jnp.float32) * 0.05
    attn_r = jax.random.normal(k5, (1, H, D), dtype=jnp.float32) * 0.05
    bias = jnp.zeros((H * D,), dtype=jnp.float32)
    return {"x": x, "edge_index": edge_index, "W": W, "attn_l": attn_l, "attn_r": attn_r, "bias": bias}


def reference(x, edge_index, W, attn_l, attn_r, bias):
    # DGL GATConv: fc -> per-head attention logits -> leaky_relu -> edge softmax (per dst) -> weighted sum -> bias -> relu
    n = x.shape[0]
    feat = (x @ W).reshape(n, H, D)                      # [N, H, D]
    el = jnp.sum(feat * attn_l, axis=-1)                 # [N, H]
    er = jnp.sum(feat * attn_r, axis=-1)                 # [N, H]
    src = edge_index[0]
    dst = edge_index[1]
    e = el[src] + er[dst]                                # [E, H]
    e = jnp.where(e > 0, e, 0.2 * e)                     # leaky_relu, negative_slope=0.2
    # edge softmax over incoming edges of each dst node
    e_max = jax.ops.segment_max(e, dst, num_segments=n)  # [N, H]
    e_exp = jnp.exp(e - e_max[dst])                      # [E, H]
    denom = jax.ops.segment_sum(e_exp, dst, num_segments=n)
    alpha = e_exp / jnp.maximum(denom[dst], 1e-9)        # [E, H]
    msg = feat[src] * alpha[:, :, None]                  # [E, H, D]
    rst = jax.ops.segment_sum(msg, dst, num_segments=n)  # [N, H, D]
    rst = rst + bias.reshape(1, H, D)
    rst = jax.nn.relu(rst)                               # activation='relu'
    # wrapper: norm=None, dropout=0 (identity), then mean over heads
    out = jnp.mean(rst, axis=1)                          # [N, D]
    return out

if __name__ == "__main__":
    import jax
    _d = setup_inputs()
    print(jax.jit(kernel)(*tuple(_d.values())))

</pallas_src>

<mosaic_0001>
#map = affine_map<(d0, d1) -> (0, 0)>
#map1 = affine_map<(d0, d1) -> (0)>
#map2 = affine_map<(d0, d1) -> (0, 0, 0)>
module attributes {stable_mosaic.version = 14 : i64} {
  func.func @_sc(%arg0: i32, %arg1: i32, %arg2: memref<10000x128xf32, #tpu.memory_space<hbm>>, %arg3: memref<10000x16xf32, #tpu.memory_space<hbm>>, %arg4: memref<10000x16xf32, #tpu.memory_space<hbm>>, %arg5: memref<322560xi32, #tpu.memory_space<hbm>>, %arg6: memref<322560xi32, #tpu.memory_space<hbm>>, %arg7: memref<626x128xf32, #tpu.memory_space<hbm>>, %arg8: memref<626x16xf32, #tpu.memory_space<hbm>>, %arg9: memref<2x10016x128xf32, #tpu.memory_space<hbm>>, %arg10: memref<2x10016x16xf32, #tpu.memory_space<hbm>>, %arg11: memref<10016x128xf32, #tpu.memory_space<vmem_shared>>, %arg12: memref<10016x16xf32, #tpu.memory_space<vmem_shared>>, %arg13: memref<2x112xi32, #tpu.memory_space<vmem>>, %arg14: memref<2x112xi32, #tpu.memory_space<vmem>>, %arg15: memref<2x112xi32, #tpu.memory_space<vmem>>, %arg16: memref<2x112xi32, #tpu.memory_space<vmem>>, %arg17: memref<112x128xf32, #tpu.memory_space<vmem>>, %arg18: memref<112x128xf32, #tpu.memory_space<vmem>>, %arg19: memref<112x16xf32, #tpu.memory_space<vmem>>, %arg20: memref<112x16xf32, #tpu.memory_space<vmem>>, %arg21: memref<112x16xf32, #tpu.memory_space<vmem>>, %arg22: memref<112x16xf32, #tpu.memory_space<vmem>>, %arg23: memref<112x16xf32, #tpu.memory_space<vmem>>, %arg24: memref<112x16xf32, #tpu.memory_space<vmem>>, %arg25: memref<!tpu.dma_semaphore, #tpu.memory_space<semaphore_mem>>, %arg26: memref<!tpu.dma_semaphore, #tpu.memory_space<semaphore_mem>>, %arg27: memref<!tpu.dma_semaphore, #tpu.memory_space<semaphore_mem>>, %arg28: memref<!tpu.dma_semaphore, #tpu.memory_space<semaphore_mem>>, %arg29: memref<!tpu.dma_semaphore, #tpu.memory_space<semaphore_mem>>, %arg30: memref<!tpu.dma_semaphore, #tpu.memory_space<semaphore_mem>>) attributes {dimension_semantics = [#tpu.dimension_semantics<core_parallel>, #tpu.dimension_semantics<subcore_parallel>], iteration_bounds = array<i64: 2, 16>, scalar_prefetch = 0 : i64, scratch_operands = 20 : i64, tpu.core_type = #tpu.core_type<sc_vector_subcore>, window_params = [{transform_indices = #map}, {transform_indices = #map}, {transform_indices = #map}, {transform_indices = #map1}, {transform_indices = #map1}, {transform_indices = #map}, {transform_indices = #map}, {transform_indices = #map2}, {transform_indices = #map2}]} {
    %iota3A = tpu.iota {dimensions = array<i32: 0>} : vector<16xi32>
    %mul3A = arith.constant 0 : i32
    %mul3A_0 = vector.broadcast %mul3A : i32 to vector<16xi32>
    %mul3A_1 = arith.muli %iota3A, %mul3A_0 : vector<16xi32>
    %add3A = arith.constant 0 : i32
    %add3A_2 = vector.broadcast %add3A : i32 to vector<16xi32>
    %add3A_3 = arith.addi %mul3A_1, %add3A_2 : vector<16xi32>
    %add3A_4 = arith.constant 1 : i32
    %add3A_5 = vector.broadcast %add3A_4 : i32 to vector<16xi32>
    %add3A_6 = arith.addi %mul3A_1, %add3A_5 : vector<16xi32>
    %add3A_7 = arith.constant 2 : i32
    %add3A_8 = vector.broadcast %add3A_7 : i32 to vector<16xi32>
    %add3A_9 = arith.addi %mul3A_1, %add3A_8 : vector<16xi32>
    %add3A_10 = arith.constant 3 : i32
    %add3A_11 = vector.broadcast %add3A_10 : i32 to vector<16xi32>
    %add3A_12 = arith.addi %mul3A_1, %add3A_11 : vector<16xi32>
    %add3A_13 = arith.constant 4 : i32
    %add3A_14 = vector.broadcast %add3A_13 : i32 to vector<16xi32>
    %add3A_15 = arith.addi %mul3A_1, %add3A_14 : vector<16xi32>
    %add3A_16 = arith.constant 5 : i32
    %add3A_17 = vector.broadcast %add3A_16 : i32 to vector<16xi32>
    %add3A_18 = arith.addi %mul3A_1, %add3A_17 : vector<16xi32>
    %add3A_19 = arith.constant 6 : i32
    %add3A_20 = vector.broadcast %add3A_19 : i32 to vector<16xi32>
    %add3A_21 = arith.addi %mul3A_1, %add3A_20 : vector<16xi32>
    %add3A_22 = arith.constant 7 : i32
    %add3A_23 = vector.broadcast %add3A_22 : i32 to vector<16xi32>
    %add3A_24 = arith.addi %mul3A_1, %add3A_23 : vector<16xi32>
    %add3A_25 = arith.constant 0 : i32
    %add3A_26 = vector.broadcast %add3A_25 : i32 to vector<16xi32>
    %add3A_27 = arith.addi %iota3A, %add3A_26 : vector<16xi32>
    %add3A_28 = arith.constant 16 : i32
    %add3A_29 = vector.broadcast %add3A_28 : i32 to vector<16xi32>
    %add3A_30 = arith.addi %iota3A, %add3A_29 : vector<16xi32>
    %add3A_31 = arith.constant 32 : i32
    %add3A_32 = vector.broadcast %add3A_31 : i32 to vector<16xi32>
    %add3A_33 = arith.addi %iota3A, %add3A_32 : vector<16xi32>
    %add3A_34 = arith.constant 48 : i32
    %add3A_35 = vector.broadcast %add3A_34 : i32 to vector<16xi32>
    %add3A_36 = arith.addi %iota3A, %add3A_35 : vector<16xi32>
    %add3A_37 = arith.constant 64 : i32
    %add3A_38 = vector.broadcast %add3A_37 : i32 to vector<16xi32>
    %add3A_39 = arith.addi %iota3A, %add3A_38 : vector<16xi32>
    %add3A_40 = arith.constant 80 : i32
    %add3A_41 = vector.broadcast %add3A_40 : i32 to vector<16xi32>
    %add3A_42 = arith.addi %iota3A, %add3A_41 : vector<16xi32>
    %add3A_43 = arith.constant 96 : i32
    %add3A_44 = vector.broadcast %add3A_43 : i32 to vector<16xi32>
    %add3A_45 = arith.addi %iota3A, %add3A_44 : vector<16xi32>
    %mul3A_46 = arith.constant 16 : i32
    %mul3A_47 = arith.muli %arg0, %mul3A_46 : i32
    %add3A_48 = arith.addi %mul3A_47, %arg1 : i32
    %mul3A_49 = arith.constant 626 : i32
    %mul3A_50 = arith.muli %arg1, %mul3A_49 : i32
    "tpu.region"() ({
      %run_scoped3A = tpu.sem_alloc : memref<!tpu.dma_semaphore, #tpu.memory_space<semaphore_mem>>
      %dma_start3A_153 = arith.constant 0 : i32
      %dma_start3A_154 = tpu.memref_slice %arg11[%mul3A_50, %dma_start3A_153] : memref<10016x128xf32, #tpu.memory_space<vmem_shared>> -> memref<626x128xf32, #tpu.memory_space<vmem_shared>>
      %dma_start3A_155 = arith.constant 0 : i32
      %dma_start3A_156 = arith.constant 0 : i32
      %dma_start3A_157 = tpu.memref_slice %arg7[%dma_start3A_155, %dma_start3A_156] : memref<626x128xf32, #tpu.memory_space<hbm>> -> memref<626x128xf32, #tpu.memory_space<hbm>>
      tpu.enqueue_dma source(%dma_start3A_157 : memref<626x128xf32, #tpu.memory_space<hbm>>) target(%dma_start3A_154 : memref<626x128xf32, #tpu.memory_space<vmem_shared>>) target_semaphore(%run_scoped3A : memref<!tpu.dma_semaphore, #tpu.memory_space<semaphore_mem>>)
      %dma_wait3A_158 = arith.constant 0 : i32
      %dma_wait3A_159 = tpu.memref_slice %arg11[%mul3A_50, %dma_wait3A_158] : memref<10016x128xf32, #tpu.memory_space<vmem_shared>> -> memref<626x128xf32, #tpu.memory_space<vmem_shared>>
      %dma_wait3A_160 = arith.constant 0 : i32
      %dma_wait3A_161 = arith.constant 0 : i32
      %dma_wait3A_162 = tpu.memref_slice %arg7[%dma_wait3A_160, %dma_wait3A_161] : memref<626x128xf32, #tpu.memory_space<hbm>> -> memref<626x128xf32, #tpu.memory_space<hbm>>
      tpu.wait_dma2 semaphore(%run_scoped3A : memref<!tpu.dma_semaphore, #tpu.memory_space<semaphore_mem>>) src(%dma_wait3A_162 : memref<626x128xf32, #tpu.memory_space<hbm>>) dst(%dma_wait3A_159 : memref<626x128xf32, #tpu.memory_space<vmem_shared>>)
      tpu.yield
    }) : () -> ()
    "tpu.region"() ({
      %run_scoped3A = tpu.sem_alloc : memref<!tpu.dma_semaphore, #tpu.memory_space<semaphore_mem>>
      %dma_start3A_153 = arith.constant 0 : i32
      %dma_start3A_154 = tpu.memref_slice %arg12[%mul3A_50, %dma_start3A_153] : memref<10016x16xf32, #tpu.memory_space<vmem_shared>> -> memref<626x16xf32, #tpu.memory_space<vmem_shared>>
      tpu.enqueue_dma source(%arg8 : memref<626x16xf32, #tpu.memory_space<hbm>>) target(%dma_start3A_154 : memref<626x16xf32, #tpu.memory_space<vmem_shared>>) target_semaphore(%run_scoped3A : memref<!tpu.dma_semaphore, #tpu.memory_space<semaphore_mem>>)
      %dma_wait3A_155 = arith.constant 0 : i32
      %dma_wait3A_156 = tpu.memref_slice %arg12[%mul3A_50, %dma_wait3A_155] : memref<10016x16xf32, #tpu.memory_space<vmem_shared>> -> memref<626x16xf32, #tpu.memory_space<vmem_shared>>
      tpu.wait_dma2 semaphore(%run_scoped3A : memref<!tpu.dma_semaphore, #tpu.memory_space<semaphore_mem>>) src(%arg8 : memref<626x16xf32, #tpu.memory_space<hbm>>) dst(%dma_wait3A_156 : memref<626x16xf32, #tpu.memory_space<vmem_shared>>)
      tpu.yield
    }) : () -> ()
    %barrier3A = arith.constant 0 : index
    tpu.barrier barrier_id(%barrier3A)
    %mul3A_51 = arith.constant 10080 : i32
    %mul3A_52 = arith.muli %add3A_48, %mul3A_51 : i32
    %add3A_53 = arith.constant 0 : i32
    %add3A_54 = arith.addi %mul3A_52, %add3A_53 : i32
    %dma_start3A = arith.constant 0 : i32
    %dma_start3A_55 = arith.constant 0 : i32
    %dma_start3A_56 = tpu.memref_slice %arg13[%dma_start3A, %dma_start3A_55] : memref<2x112xi32, #tpu.memory_space<vmem>> -> memref<1x112xi32, #tpu.memory_space<vmem>>
    %dma_start3A_57 = tpu.memref_squeeze %dma_start3A_56 : memref<1x112xi32, #tpu.memory_space<vmem>> -> memref<112xi32, #tpu.memory_space<vmem>>
    %dma_start3A_58 = tpu.memref_slice %arg5[%add3A_54] : memref<322560xi32, #tpu.memory_space<hbm>> -> memref<112xi32, #tpu.memory_space<hbm>>
    %dma_start3A_59 = arith.constant 0 : i32
    %dma_start3A_60 = tpu.memref_slice %arg13[%dma_start3A, %dma_start3A_59] : memref<2x112xi32, #tpu.memory_space<vmem>> -> memref<1x112xi32, #tpu.memory_space<vmem>>
    %dma_start3A_61 = tpu.memref_squeeze %dma_start3A_60 : memref<1x112xi32, #tpu.memory_space<vmem>> -> memref<112xi32, #tpu.memory_space<vmem>>
    %dma_start3A_62 = tpu.memref_slice %arg5[%add3A_54] : memref<322560xi32, #tpu.memory_space<hbm>> -> memref<112xi32, #tpu.memory_space<hbm>>
    tpu.enqueue_dma source(%dma_start3A_62 : memref<112xi32, #tpu.memory_space<hbm>>) target(%dma_start3A_61 : memref<112xi32, #tpu.memory_space<vmem>>) target_semaphore(%arg25 : memref<!tpu.dma_semaphore, #tpu.memory_space<semaphore_mem>>)
    %dma_start3A_63 = arith.constant 1 : i32
    %dma_start3A_64 = arith.constant 0 : i32
    %dma_start3A_65 = tpu.memref_slice %arg13[%dma_start3A_63, %dma_start3A_64] : memref<2x112xi32, #tpu.memory_space<vmem>> -> memref<1x112xi32, #tpu.memory_space<vmem>>
    %dma_start3A_66 = tpu.memref_squeeze %dma_start3A_65 : memref<1x112xi32, #tpu.memory_space<vmem>> -> memref<112xi32, #tpu.memory_space<vmem>>
    %dma_start3A_67 = tpu.memref_slice %arg6[%add3A_54] : memref<322560xi32, #tpu.memory_space<hbm>> -> memref<112xi32, #tpu.memory_space<hbm>>
    %dma_start3A_68 = arith.constant 0 : i32
    %dma_start3A_69 = tpu.memref_slice %arg13[%dma_start3A_63, %dma_start3A_68] : memref<2x112xi32, #tpu.memory_space<vmem>> -> memref<1x112xi32, #tpu.memory_space<vmem>>
    %dma_start3A_70 = tpu.memref_squeeze %dma_start3A_69 : memref<1x112xi32, #tpu.memory_space<vmem>> -> memref<112xi32, #tpu.memory_space<vmem>>
    %dma_start3A_71 = tpu.memref_slice %arg6[%add3A_54] : memref<322560xi32, #tpu.memory_space<hbm>> -> memref<112xi32, #tpu.memory_space<hbm>>
    tpu.enqueue_dma source(%dma_start3A_71 : memref<112xi32, #tpu.memory_space<hbm>>) target(%dma_start3A_70 : memref<112xi32, #tpu.memory_space<vmem>>) target_semaphore(%arg25 : memref<!tpu.dma_semaphore, #tpu.memory_space<semaphore_mem>>)
    %add3A_72 = arith.constant 112 : i32
    %add3A_73 = arith.addi %mul3A_52, %add3A_72 : i32
    %dma_start3A_74 = arith.constant 0 : i32
    %dma_start3A_75 = arith.constant 0 : i32
    %dma_start3A_76 = tpu.memref_slice %arg14[%dma_start3A_74, %dma_start3A_75] : memref<2x112xi32, #tpu.memory_space<vmem>> -> memref<1x112xi32, #tpu.memory_space<vmem>>
    %dma_start3A_77 = tpu.memref_squeeze %dma_start3A_76 : memref<1x112xi32, #tpu.memory_space<vmem>> -> memref<112xi32, #tpu.memory_space<vmem>>
    %dma_start3A_78 = tpu.memref_slice %arg5[%add3A_73] : memref<322560xi32, #tpu.memory_space<hbm>> -> memref<112xi32, #tpu.memory_space<hbm>>
    %dma_start3A_79 = arith.constant 0 : i32
    %dma_start3A_80 = tpu.memref_slice %arg14[%dma_start3A_74, %dma_start3A_79] : memref<2x112xi32, #tpu.memory_space<vmem>> -> memref<1x112xi32, #tpu.memory_space<vmem>>
    %dma_start3A_81 = tpu.memref_squeeze %dma_start3A_80 : memref<1x112xi32, #tpu.memory_space<vmem>> -> memref<112xi32, #tpu.memory_space<vmem>>
    %dma_start3A_82 = tpu.memref_slice %arg5[%add3A_73] : memref<322560xi32, #tpu.memory_space<hbm>> -> memref<112xi32, #tpu.memory_space<hbm>>
    tpu.enqueue_dma source(%dma_start3A_82 : memref<112xi32, #tpu.memory_space<hbm>>) target(%dma_start3A_81 : memref<112xi32, #tpu.memory_space<vmem>>) target_semaphore(%arg26 : memref<!tpu.dma_semaphore, #tpu.memory_space<semaphore_mem>>)
    %dma_start3A_83 = arith.constant 1 : i32
    %dma_start3A_84 = arith.constant 0 : i32
    %dma_start3A_85 = tpu.memref_slice %arg14[%dma_start3A_83, %dma_start3A_84] : memref<2x112xi32, #tpu.memory_space<vmem>> -> memref<1x112xi32, #tpu.memory_space<vmem>>
    %dma_start3A_86 = tpu.memref_squeeze %dma_start3A_85 : memref<1x112xi32, #tpu.memory_space<vmem>> -> memref<112xi32, #tpu.memory_space<vmem>>
    %dma_start3A_87 = tpu.memref_slice %arg6[%add3A_73] : memref<322560xi32, #tpu.memory_space<hbm>> -> memref<112xi32, #tpu.memory_space<hbm>>
    %dma_start3A_88 = arith.constant 0 : i32
    %dma_start3A_89 = tpu.memref_slice %arg14[%dma_start3A_83, %dma_start3A_88] : memref<2x112xi32, #tpu.memory_space<vmem>> -> memref<1x112xi32, #tpu.memory_space<vmem>>
    %dma_start3A_90 = tpu.memref_squeeze %dma_start3A_89 : memref<1x112xi32, #tpu.memory_space<vmem>> -> memref<112xi32, #tpu.memory_space<vmem>>
    %dma_start3A_91 = tpu.memref_slice %arg6[%add3A_73] : memref<322560xi32, #tpu.memory_space<hbm>> -> memref<112xi32, #tpu.memory_space<hbm>>
    tpu.enqueue_dma source(%dma_start3A_91 : memref<112xi32, #tpu.memory_space<hbm>>) target(%dma_start3A_90 : memref<112xi32, #tpu.memory_space<vmem>>) target_semaphore(%arg26 : memref<!tpu.dma_semaphore, #tpu.memory_space<semaphore_mem>>)
    %dma_wait3A = arith.constant 0 : i32
    %dma_wait3A_92 = arith.constant 0 : i32
    %dma_wait3A_93 = tpu.memref_slice %arg13[%dma_wait3A, %dma_wait3A_92] : memref<2x112xi32, #tpu.memory_space<vmem>> -> memref<1x112xi32, #tpu.memory_space<vmem>>
    %dma_wait3A_94 = tpu.memref_squeeze %dma_wait3A_93 : memref<1x112xi32, #tpu.memory_space<vmem>> -> memref<112xi32, #tpu.memory_space<vmem>>
    %dma_wait3A_95 = arith.constant 0 : i32
    %dma_wait3A_96 = tpu.memref_slice %arg5[%dma_wait3A_95] : memref<322560xi32, #tpu.memory_space<hbm>> -> memref<112xi32, #tpu.memory_space<hbm>>
    %dma_wait3A_97 = arith.constant 0 : i32
    %dma_wait3A_98 = tpu.memref_slice %arg13[%dma_wait3A, %dma_wait3A_97] : memref<2x112xi32, #tpu.memory_space<vmem>> -> memref<1x112xi32, #tpu.memory_space<vmem>>
    %dma_wait3A_99 = tpu.memref_squeeze %dma_wait3A_98 : memref<1x112xi32, #tpu.memory_space<vmem>> -> memref<112xi32, #tpu.memory_space<vmem>>
    %dma_wait3A_100 = arith.constant 0 : i32
    %dma_wait3A_101 = tpu.memref_slice %arg5[%dma_wait3A_100] : memref<322560xi32, #tpu.memory_space<hbm>> -> memref<112xi32, #tpu.memory_space<hbm>>
    tpu.wait_dma2 semaphore(%arg25 : memref<!tpu.dma_semaphore, #tpu.memory_space<semaphore_mem>>) src(%dma_wait3A_101 : memref<112xi32, #tpu.memory_space<hbm>>) dst(%dma_wait3A_99 : memref<112xi32, #tpu.memory_space<vmem>>)
    %dma_wait3A_102 = arith.constant 1 : i32
    %dma_wait3A_103 = arith.constant 0 : i32
    %dma_wait3A_104 = tpu.memref_slice %arg13[%dma_wait3A_102, %dma_wait3A_103] : memref<2x112xi32, #tpu.memory_space<vmem>> -> memref<1x112xi32, #tpu.memory_space<vmem>>
    %dma_wait3A_105 = tpu.memref_squeeze %dma_wait3A_104 : memref<1x112xi32, #tpu.memory_space<vmem>> -> memref<112xi32, #tpu.memory_space<vmem>>
    %dma_wait3A_106 = arith.constant 0 : i32
    %dma_wait3A_107 = tpu.memref_slice %arg6[%dma_wait3A_106] : memref<322560xi32, #tpu.memory_space<hbm>> -> memref<112xi32, #tpu.memory_space<hbm>>
    %dma_wait3A_108 = arith.constant 0 : i32
    %dma_wait3A_109 = tpu.memref_slice %arg13[%dma_wait3A_102, %dma_wait3A_108] : memref<2x112xi32, #tpu.memory_space<vmem>> -> memref<1x112xi32, #tpu.memory_space<vmem>>
    %dma_wait3A_110 = tpu.memref_squeeze %dma_wait3A_109 : memref<1x112xi32, #tpu.memory_space<vmem>> -> memref<112xi32, #tpu.memory_space<vmem>>
    %dma_wait3A_111 = arith.constant 0 : i32
    %dma_wait3A_112 = tpu.memref_slice %arg6[%dma_wait3A_111] : memref<322560xi32, #tpu.memory_space<hbm>> -> memref<112xi32, #tpu.memory_space<hbm>>
    tpu.wait_dma2 semaphore(%arg25 : memref<!tpu.dma_semaphore, #tpu.memory_space<semaphore_mem>>) src(%dma_wait3A_112 : memref<112xi32, #tpu.memory_space<hbm>>) dst(%dma_wait3A_110 : memref<112xi32, #tpu.memory_space<vmem>>)
    %dma_start3A_113 = arith.constant 0 : i32
    %dma_start3A_114 = arith.constant 0 : i32
    %dma_start3A_115 = tpu.memref_slice %arg13[%dma_start3A_113, %dma_start3A_114] : memref<2x112xi32, #tpu.memory_space<vmem>> -> memref<1x112xi32, #tpu.memory_space<vmem>>
    %dma_start3A_116 = tpu.memref_squeeze %dma_start3A_115 : memref<1x112xi32, #tpu.memory_space<vmem>> -> memref<112xi32, #tpu.memory_space<vmem>>
    %dma_start3A_117 = arith.constant 0 : i32
    %dma_start3A_118 = arith.constant 0 : i32
    %dma_start3A_119 = tpu.memref_slice %arg2[%dma_start3A_117, %dma_start3A_118] : memref<10000x128xf32, #tpu.memory_space<hbm>> -> memref<10000x128xf32, #tpu.memory_space<hbm>>
    tpu.enqueue_indirect_dma source(%dma_start3A_119 : memref<10000x128xf32, #tpu.memory_space<hbm>>) target(%arg17 : memref<112x128xf32, #tpu.memory_space<vmem>>) offsets(%dma_start3A_116 : memref<112xi32, #tpu.memory_space<vmem>>) semaphore(%arg27 : memref<!tpu.dma_semaphore, #tpu.memory_space<semaphore_mem>>)
    %dma_start3A_120 = arith.constant 0 : i32
    %dma_start3A_121 = arith.constant 0 : i32
    %dma_start3A_122 = tpu.memref_slice %arg13[%dma_start3A_120, %dma_start3A_121] : memref<2x112xi32, #tpu.memory_space<vmem>> -> memref<1x112xi32, #tpu.memory_space<vmem>>
    %dma_start3A_123 = tpu.memref_squeeze %dma_start3A_122 : memref<1x112xi32, #tpu.memory_space<vmem>> -> memref<112xi32, #tpu.memory_space<vmem>>
    %dma_start3A_124 = arith.constant 0 : i32
    %dma_start3A_125 = arith.constant 0 : i32
    %dma_start3A_126 = tpu.memref_slice %arg3[%dma_start3A_124, %dma_start3A_125] : memref<10000x16xf32, #tpu.memory_space<hbm>> -> memref<10000x16xf32, #tpu.memory_space<hbm>>
    tpu.enqueue_indirect_dma source(%dma_start3A_126 : memref<10000x16xf32, #tpu.memory_space<hbm>>) target(%arg19 : memref<112x16xf32, #tpu.memory_space<vmem>>) offsets(%dma_start3A_123 : memref<112xi32, #tpu.memory_space<vmem>>) semaphore(%arg27 : memref<!tpu.dma_semaphore, #tpu.memory_space<semaphore_mem>>)
    %dma_start3A_127 = arith.constant 1 : i32
    %dma_start3A_128 = arith.constant 0 : i32
    %dma_start3A_129 = tpu.memref_slice %arg13[%dma_start3A_127, %dma_start3A_128] : memref<2x112xi32, #tpu.memory_space<vmem>> -> memref<1x112xi32, #tpu.memory_space<vmem>>
    %dma_start3A_130 = tpu.memref_squeeze %dma_start3A_129 : memref<1x112xi32, #tpu.memory_space<vmem>> -> memref<112xi32, #tpu.memory_space<vmem>>
    %dma_start3A_131 = arith.constant 0 : i32
    %dma_start3A_132 = arith.constant 0 : i32
    %dma_start3A_133 = tpu.memref_slice %arg4[%dma_start3A_131, %dma_start3A_132] : memref<10000x16xf32, #tpu.memory_space<hbm>> -> memref<10000x16xf32, #tpu.memory_space<hbm>>
    tpu.enqueue_indirect_dma source(%dma_start3A_133 : memref<10000x16xf32, #tpu.memory_space<hbm>>) target(%arg21 : memref<112x16xf32, #tpu.memory_space<vmem>>) offsets(%dma_start3A_130 : memref<112xi32, #tpu.memory_space<vmem>>) semaphore(%arg27 : memref<!tpu.dma_semaphore, #tpu.memory_space<semaphore_mem>>)
    %scan3A = arith.constant 0 : i32
    %scan3A_134 = arith.constant 45 : i32
    %scan3A_135 = arith.addi %scan3A, %scan3A_134 : i32
    %scan3A_136 = arith.constant 1 : i32
    scf.for %scan3A_153 = %scan3A to %scan3A_135 step %scan3A_136  : i32 {
      %mul3A_154 = arith.constant 1 : i32
      %mul3A_155 = arith.muli %scan3A_153, %mul3A_154 : i32
      %add3A_156 = arith.constant 0 : i32
      %add3A_157 = arith.addi %add3A_156, %mul3A_155 : i32
      %mul3A_158 = arith.constant 2 : i32
      %mul3A_159 = arith.muli %mul3A_158, %add3A_157 : i32
      %dma_wait3A_160 = arith.constant 0 : i32
      %dma_wait3A_161 = arith.constant 0 : i32
      %dma_wait3A_162 = tpu.memref_slice %arg13[%dma_wait3A_160, %dma_wait3A_161] : memref<2x112xi32, #tpu.memory_space<vmem>> -> memref<1x112xi32, #tpu.memory_space<vmem>>
      %dma_wait3A_163 = tpu.memref_squeeze %dma_wait3A_162 : memref<1x112xi32, #tpu.memory_space<vmem>> -> memref<112xi32, #tpu.memory_space<vmem>>
      %dma_wait3A_164 = arith.constant 0 : i32
      %dma_wait3A_165 = arith.constant 0 : i32
      %dma_wait3A_166 = tpu.memref_slice %arg2[%dma_wait3A_164, %dma_wait3A_165] : memref<10000x128xf32, #tpu.memory_space<hbm>> -> memref<10000x128xf32, #tpu.memory_space<hbm>>
      tpu.wait_indirect_dma semaphore(%arg27 : memref<!tpu.dma_semaphore, #tpu.memory_space<semaphore_mem>>) src(%dma_wait3A_166 : memref<10000x128xf32, #tpu.memory_space<hbm>>) dst(%arg17 : memref<112x128xf32, #tpu.memory_space<vmem>>)
      %dma_wait3A_167 = arith.constant 0 : i32
      %dma_wait3A_168 = arith.constant 0 : i32
      %dma_wait3A_169 = tpu.memref_slice %arg13[%dma_wait3A_167, %dma_wait3A_168] : memref<2x112xi32, #tpu.memory_space<vmem>> -> memref<1x112xi32, #tpu.memory_space<vmem>>
      %dma_wait3A_170 = tpu.memref_squeeze %dma_wait3A_169 : memref<1x112xi32, #tpu.memory_space<vmem>> -> memref<112xi32, #tpu.memory_space<vmem>>
      %dma_wait3A_171 = arith.constant 0 : i32
      %dma_wait3A_172 = arith.constant 0 : i32
      %dma_wait3A_173 = tpu.memref_slice %arg3[%dma_wait3A_171, %dma_wait3A_172] : memref<10000x16xf32, #tpu.memory_space<hbm>> -> memref<10000x16xf32, #tpu.memory_space<hbm>>
      tpu.wait_indirect_dma semaphore(%arg27 : memref<!tpu.dma_semaphore, #tpu.memory_space<semaphore_mem>>) src(%dma_wait3A_173 : memref<10000x16xf32, #tpu.memory_space<hbm>>) dst(%arg19 : memref<112x16xf32, #tpu.memory_space<vmem>>)
      %dma_wait3A_174 = arith.constant 1 : i32
      %dma_wait3A_175 = arith.constant 0 : i32
      %dma_wait3A_176 = tpu.memref_slice %arg13[%dma_wait3A_174, %dma_wait3A_175] : memref<2x112xi32, #tpu.memory_space<vmem>> -> memref<1x112xi32, #tpu.memory_space<vmem>>
      %dma_wait3A_177 = tpu.memref_squeeze %dma_wait3A_176 : memref<1x112xi32, #tpu.memory_space<vmem>> -> memref<112xi32, #tpu.memory_space<vmem>>
      %dma_wait3A_178 = arith.constant 0 : i32
      %dma_wait3A_179 = arith.constant 0 : i32
      %dma_wait3A_180 = tpu.memref_slice %arg4[%dma_wait3A_178, %dma_wait3A_179] : memref<10000x16xf32, #tpu.memory_space<hbm>> -> memref<10000x16xf32, #tpu.memory_space<hbm>>
      tpu.wait_indirect_dma semaphore(%arg27 : memref<!tpu.dma_semaphore, #tpu.memory_space<semaphore_mem>>) src(%dma_wait3A_180 : memref<10000x16xf32, #tpu.memory_space<hbm>>) dst(%arg21 : memref<112x16xf32, #tpu.memory_space<vmem>>)
      %get3A = arith.constant 1 : i32
      %get3A_181 = arith.index_cast %get3A : i32 to index
      %get3A_182 = arith.constant 0 : index
      %get3A_183 = tpu.vector_load %arg13[%get3A_181, %get3A_182] {strides = array<i32>} : memref<2x112xi32, #tpu.memory_space<vmem>>, vector<16xi32>,
      %swap3A = arith.constant 1 : i32
      %swap3A_184 = arith.index_cast %swap3A : i32 to index
      %swap3A_185 = arith.constant 0 : index
      %swap3A_186 = tpu.vector_load %arg15[%swap3A_184, %swap3A_185] {strides = array<i32>} : memref<2x112xi32, #tpu.memory_space<vmem>>, vector<16xi32>,
      tpu.vector_store %arg15[%swap3A_184, %swap3A_185], %get3A_183 {strides = array<i32>} : memref<2x112xi32, #tpu.memory_space<vmem>>, vector<16xi32>,
      %get3A_187 = arith.constant 1 : i32
      %get3A_188 = arith.index_cast %get3A_187 : i32 to index
      %get3A_189 = arith.constant 16 : index
      %get3A_190 = tpu.vector_load %arg13[%get3A_188, %get3A_189] {strides = array<i32>} : memref<2x112xi32, #tpu.memory_space<vmem>>, vector<16xi32>,
      %swap3A_191 = arith.constant 1 : i32
      %swap3A_192 = arith.index_cast %swap3A_191 : i32 to index
      %swap3A_193 = arith.constant 16 : index
      %swap3A_194 = tpu.vector_load %arg15[%swap3A_192, %swap3A_193] {strides = array<i32>} : memref<2x112xi32, #tpu.memory_space<vmem>>, vector<16xi32>,
      tpu.vector_store %arg15[%swap3A_192, %swap3A_193], %get3A_190 {strides = array<i32>} : memref<2x112xi32, #tpu.memory_space<vmem>>, vector<16xi32>,
      %get3A_195 = arith.constant 1 : i32
      %get3A_196 = arith.index_cast %get3A_195 : i32 to index
      %get3A_197 = arith.constant 32 : index
      %get3A_198 = tpu.vector_load %arg13[%get3A_196, %get3A_197] {strides = array<i32>} : memref<2x112xi32, #tpu.memory_space<vmem>>, vector<16xi32>,
      %swap3A_199 = arith.constant 1 : i32
      %swap3A_200 = arith.index_cast %swap3A_199 : i32 to index
      %swap3A_201 = arith.constant 32 : index
      %swap3A_202 = tpu.vector_load %arg15[%swap3A_200, %swap3A_201] {strides = array<i32>} : memref<2x112xi32, #tpu.memory_space<vmem>>, vector<16xi32>,
      tpu.vector_store %arg15[%swap3A_200, %swap3A_201], %get3A_198 {strides = array<i32>} : memref<2x112xi32, #tpu.memory_space<vmem>>, vector<16xi32>,
      %get3A_203 = arith.constant 1 : i32
      %get3A_204 = arith.index_cast %get3A_203 : i32 to index
      %get3A_205 = arith.constant 48 : index
      %get3A_206 = tpu.vector_load %arg13[%get3A_204, %get3A_205] {strides = array<i32>} : memref<2x112xi32, #tpu.memory_space<vmem>>, vector<16xi32>,
      %swap3A_207 = arith.constant 1 : i32
      %swap3A_208 = arith.index_cast %swap3A_207 : i32 to index
      %swap3A_209 = arith.constant 48 : index
      %swap3A_210 = tpu.vector_load %arg15[%swap3A_208, %swap3A_209] {strides = array<i32>} : memref<2x112xi32, #tpu.memory_space<vmem>>, vector<16xi32>,
      tpu.vector_store %arg15[%swap3A_208, %swap3A_209], %get3A_206 {strides = array<i32>} : memref<2x112xi32, #tpu.memory_space<vmem>>, vector<16xi32>,
      %get3A_211 = arith.constant 1 : i32
      %get3A_212 = arith.index_cast %get3A_211 : i32 to index
      %get3A_213 = arith.constant 64 : index
      %get3A_214 = tpu.vector_load %arg13[%get3A_212, %get3A_213] {strides = array<i32>} : memref<2x112xi32, #tpu.memory_space<vmem>>, vector<16xi32>,
      %swap3A_215 = arith.constant 1 : i32
      %swap3A_216 = arith.index_cast %swap3A_215 : i32 to index
      %swap3A_217 = arith.constant 64 : index
      %swap3A_218 = tpu.vector_load %arg15[%swap3A_216, %swap3A_217] {strides = array<i32>} : memref<2x112xi32, #tpu.memory_space<vmem>>, vector<16xi32>,
      tpu.vector_store %arg15[%swap3A_216, %swap3A_217], %get3A_214 {strides = array<i32>} : memref<2x112xi32, #tpu.memory_space<vmem>>, vector<16xi32>,
      %get3A_219 = arith.constant 1 : i32
      %get3A_220 = arith.index_cast %get3A_219 : i32 to index
      %get3A_221 = arith.constant 80 : index
      %get3A_222 = tpu.vector_load %arg13[%get3A_220, %get3A_221] {strides = array<i32>} : memref<2x112xi32, #tpu.memory_space<vmem>>, vector<16xi32>,
      %swap3A_223 = arith.constant 1 : i32
      %swap3A_224 = arith.index_cast %swap3A_223 : i32 to index
      %swap3A_225 = arith.constant 80 : index
      %swap3A_226 = tpu.vector_load %arg15[%swap3A_224, %swap3A_225] {strides = array<i32>} : memref<2x112xi32, #tpu.memory_space<vmem>>, vector<16xi32>,
      tpu.vector_store %arg15[%swap3A_224, %swap3A_225], %get3A_222 {strides = array<i32>} : memref<2x112xi32, #tpu.memory_space<vmem>>, vector<16xi32>,
      %get3A_227 = arith.constant 1 : i32
      %get3A_228 = arith.index_cast %get3A_227 : i32 to index
      %get3A_229 = arith.constant 96 : index
      %get3A_230 = tpu.vector_load %arg13[%get3A_228, %get3A_229] {strides = array<i32>} : memref<2x112xi32, #tpu.memory_space<vmem>>, vector<16xi32>,
      %swap3A_231 = arith.constant 1 : i32
      %swap3A_232 = arith.index_cast %swap3A_231 : i32 to index
      %swap3A_233 = arith.constant 96 : index
      %swap3A_234 = tpu.vector_load %arg15[%swap3A_232, %swap3A_233] {strides = array<i32>} : memref<2x112xi32, #tpu.memory_space<vmem>>, vector<16xi32>,
      tpu.vector_store %arg15[%swap3A_232, %swap3A_233], %get3A_230 {strides = array<i32>} : memref<2x112xi32, #tpu.memory_space<vmem>>, vector<16xi32>,
      %gt3A = arith.constant 0 : i32
      %gt3A_235 = arith.cmpi sgt, %add3A_157, %gt3A : i32
      %convert_element_type3A = arith.extui %gt3A_235 : i1 to i32
      %cond3A = arith.constant 0 : i32
      %cond3A_236 = arith.cmpi ne, %convert_element_type3A, %cond3A : i32
      scf.if %cond3A_236 {
        %dma_wait3A_863 = arith.constant 1 : i32
        %dma_wait3A_864 = arith.constant 0 : i32
        %dma_wait3A_865 = tpu.memref_slice %arg16[%dma_wait3A_863, %dma_wait3A_864] : memref<2x112xi32, #tpu.memory_space<vmem>> -> memref<1x112xi32, #tpu.memory_space<vmem>>
        %dma_wait3A_866 = tpu.memref_squeeze %dma_wait3A_865 : memref<1x112xi32, #tpu.memory_space<vmem>> -> memref<112xi32, #tpu.memory_space<vmem>>
        %dma_wait3A_867 = arith.constant 0 : i32
        %dma_wait3A_868 = arith.constant 0 : i32
        %dma_wait3A_869 = tpu.memref_slice %arg12[%dma_wait3A_867, %dma_wait3A_868] : memref<10016x16xf32, #tpu.memory_space<vmem_shared>> -> memref<10016x16xf32, #tpu.memory_space<vmem_shared>>
        tpu.wait_indirect_dma semaphore(%arg30 : memref<!tpu.dma_semaphore, #tpu.memory_space<semaphore_mem>>) src(%arg24 : memref<112x16xf32, #tpu.memory_space<vmem>>) dst(%dma_wait3A_869 : memref<10016x16xf32, #tpu.memory_space<vmem_shared>>)
        %dma_wait3A_870 = arith.constant 1 : i32
        %dma_wait3A_871 = arith.constant 0 : i32
        %dma_wait3A_872 = tpu.memref_slice %arg16[%dma_wait3A_870, %dma_wait3A_871] : memref<2x112xi32, #tpu.memory_space<vmem>> -> memref<1x112xi32, #tpu.memory_space<vmem>>
        %dma_wait3A_873 = tpu.memref_squeeze %dma_wait3A_872 : memref<1x112xi32, #tpu.memory_space<vmem>> -> memref<112xi32, #tpu.memory_space<vmem>>
        %dma_wait3A_874 = arith.constant 0 : i32
        %dma_wait3A_875 = arith.constant 0 : i32
        %dma_wait3A_876 = tpu.memref_slice %arg11[%dma_wait3A_874, %dma_wait3A_875] : memref<10016x128xf32, #tpu.memory_space<vmem_shared>> -> memref<10016x128xf32, #tpu.memory_space<vmem_shared>>
        tpu.wait_indirect_dma semaphore(%arg30 : memref<!tpu.dma_semaphore, #tpu.memory_space<semaphore_mem>>) src(%arg18 : memref<112x128xf32, #tpu.memory_space<vmem>>) dst(%dma_wait3A_876 : memref<10016x128xf32, #tpu.memory_space<vmem_shared>>)
      } else {
      }
      %dma_wait3A_237 = arith.constant 0 : i32
      %dma_wait3A_238 = arith.constant 0 : i32
      %dma_wait3A_239 = tpu.memref_slice %arg14[%dma_wait3A_237, %dma_wait3A_238] : memref<2x112xi32, #tpu.memory_space<vmem>> -> memref<1x112xi32, #tpu.memory_space<vmem>>
      %dma_wait3A_240 = tpu.memref_squeeze %dma_wait3A_239 : memref<1x112xi32, #tpu.memory_space<vmem>> -> memref<112xi32, #tpu.memory_space<vmem>>
      %dma_wait3A_241 = arith.constant 0 : i32
      %dma_wait3A_242 = tpu.memref_slice %arg5[%dma_wait3A_241] : memref<322560xi32, #tpu.memory_space<hbm>> -> memref<112xi32, #tpu.memory_space<hbm>>
      %dma_wait3A_243 = arith.constant 0 : i32
      %dma_wait3A_244 = tpu.memref_slice %arg14[%dma_wait3A_237, %dma_wait3A_243] : memref<2x112xi32, #tpu.memory_space<vmem>> -> memref<1x112xi32, #tpu.memory_space<vmem>>
      %dma_wait3A_245 = tpu.memref_squeeze %dma_wait3A_244 : memref<1x112xi32, #tpu.memory_space<vmem>> -> memref<112xi32, #tpu.memory_space<vmem>>
      %dma_wait3A_246 = arith.constant 0 : i32
      %dma_wait3A_247 = tpu.memref_slice %arg5[%dma_wait3A_246] : memref<322560xi32, #tpu.memory_space<hbm>> -> memref<112xi32, #tpu.memory_space<hbm>>
      tpu.wait_dma2 semaphore(%arg26 : memref<!tpu.dma_semaphore, #tpu.memory_space<semaphore_mem>>) src(%dma_wait3A_247 : memref<112xi32, #tpu.memory_space<hbm>>) dst(%dma_wait3A_245 : memref<112xi32, #tpu.memory_space<vmem>>)
      %dma_wait3A_248 = arith.constant 1 : i32
      %dma_wait3A_249 = arith.constant 0 : i32
      %dma_wait3A_250 = tpu.memref_slice %arg14[%dma_wait3A_248, %dma_wait3A_249] : memref<2x112xi32, #tpu.memory_space<vmem>> -> memref<1x112xi32, #tpu.memory_space<vmem>>
      %dma_wait3A_251 = tpu.memref_squeeze %dma_wait3A_250 : memref<1x112xi32, #tpu.memory_space<vmem>> -> memref<112xi32, #tpu.memory_space<vmem>>
      %dma_wait3A_252 = arith.constant 0 : i32
      %dma_wait3A_253 = tpu.memref_slice %arg6[%dma_wait3A_252] : memref<322560xi32, #tpu.memory_space<hbm>> -> memref<112xi32, #tpu.memory_space<hbm>>
      %dma_wait3A_254 = arith.constant 0 : i32
      %dma_wait3A_255 = tpu.memref_slice %arg14[%dma_wait3A_248, %dma_wait3A_254] : memref<2x112xi32, #tpu.memory_space<vmem>> -> memref<1x112xi32, #tpu.memory_space<vmem>>
      %dma_wait3A_256 = tpu.memref_squeeze %dma_wait3A_255 : memref<1x112xi32, #tpu.memory_space<vmem>> -> memref<112xi32, #tpu.memory_space<vmem>>
      %dma_wait3A_257 = arith.constant 0 : i32
      %dma_wait3A_258 = tpu.memref_slice %arg6[%dma_wait3A_257] : memref<322560xi32, #tpu.memory_space<hbm>> -> memref<112xi32, #tpu.memory_space<hbm>>
      tpu.wait_dma2 semaphore(%arg26 : memref<!tpu.dma_semaphore, #tpu.memory_space<semaphore_mem>>) src(%dma_wait3A_258 : memref<112xi32, #tpu.memory_space<hbm>>) dst(%dma_wait3A_256 : memref<112xi32, #tpu.memory_space<vmem>>)
      %dma_start3A_259 = arith.constant 0 : i32
      %dma_start3A_260 = arith.constant 0 : i32
      %dma_start3A_261 = tpu.memref_slice %arg14[%dma_start3A_259, %dma_start3A_260] : memref<2x112xi32, #tpu.memory_space<vmem>> -> memref<1x112xi32, #tpu.memory_space<vmem>>
      %dma_start3A_262 = tpu.memref_squeeze %dma_start3A_261 : memref<1x112xi32, #tpu.memory_space<vmem>> -> memref<112xi32, #tpu.memory_space<vmem>>
      %dma_start3A_263 = arith.constant 0 : i32
      %dma_start3A_264 = arith.constant 0 : i32
      %dma_start3A_265 = tpu.memref_slice %arg2[%dma_start3A_263, %dma_start3A_264] : memref<10000x128xf32, #tpu.memory_space<hbm>> -> memref<10000x128xf32, #tpu.memory_space<hbm>>
      tpu.enqueue_indirect_dma source(%dma_start3A_265 : memref<10000x128xf32, #tpu.memory_space<hbm>>) target(%arg18 : memref<112x128xf32, #tpu.memory_space<vmem>>) offsets(%dma_start3A_262 : memref<112xi32, #tpu.memory_space<vmem>>) semaphore(%arg28 : memref<!tpu.dma_semaphore, #tpu.memory_space<semaphore_mem>>)
      %dma_start3A_266 = arith.constant 0 : i32
      %dma_start3A_267 = arith.constant 0 : i32
      %dma_start3A_268 = tpu.memref_slice %arg14[%dma_start3A_266, %dma_start3A_267] : memref<2x112xi32, #tpu.memory_space<vmem>> -> memref<1x112xi32, #tpu.memory_space<vmem>>
      %dma_start3A_269 = tpu.memref_squeeze %dma_start3A_268 : memref<1x112xi32, #tpu.memory_space<vmem>> -> memref<112xi32, #tpu.memory_space<vmem>>
      %dma_start3A_270 = arith.constant 0 : i32
      %dma_start3A_271 = arith.constant 0 : i32
      %dma_start3A_272 = tpu.memref_slice %arg3[%dma_start3A_270, %dma_start3A_271] : memref<10000x16xf32, #tpu.memory_space<hbm>> -> memref<10000x16xf32, #tpu.memory_space<hbm>>
      tpu.enqueue_indirect_dma source(%dma_start3A_272 : memref<10000x16xf32, #tpu.memory_space<hbm>>) target(%arg20 : memref<112x16xf32, #tpu.memory_space<vmem>>) offsets(%dma_start3A_269 : memref<112xi32, #tpu.memory_space<vmem>>) semaphore(%arg28 : memref<!tpu.dma_semaphore, #tpu.memory_space<semaphore_mem>>)
      %dma_start3A_273 = arith.constant 1 : i32
      %dma_start3A_274 = arith.constant 0 : i32
      %dma_start3A_275 = tpu.memref_slice %arg14[%dma_start3A_273, %dma_start3A_274] : memref<2x112xi32, #tpu.memory_space<vmem>> -> memref<1x112xi32, #tpu.memory_space<vmem>>
      %dma_start3A_276 = tpu.memref_squeeze %dma_start3A_275 : memref<1x112xi32, #tpu.memory_space<vmem>> -> memref<112xi32, #tpu.memory_space<vmem>>
      %dma_start3A_277 = arith.constant 0 : i32
      %dma_start3A_278 = arith.constant 0 : i32
      %dma_start3A_279 = tpu.memref_slice %arg4[%dma_start3A_277, %dma_start3A_278] : memref<10000x16xf32, #tpu.memory_space<hbm>> -> memref<10000x16xf32, #tpu.memory_space<hbm>>
      tpu.enqueue_indirect_dma source(%dma_start3A_279 : memref<10000x16xf32, #tpu.memory_space<hbm>>) target(%arg22 : memref<112x16xf32, #tpu.memory_space<vmem>>) offsets(%dma_start3A_276 : memref<112xi32, #tpu.memory_space<vmem>>) semaphore(%arg28 : memref<!tpu.dma_semaphore, #tpu.memory_space<semaphore_mem>>)
      %lt3A = arith.constant 44 : i32
      %lt3A_280 = arith.cmpi slt, %add3A_157, %lt3A : i32
      %convert_element_type3A_281 = arith.extui %lt3A_280 : i1 to i32
      %cond3A_282 = arith.constant 0 : i32
      %cond3A_283 = arith.cmpi ne, %convert_element_type3A_281, %cond3A_282 : i32
      scf.if %cond3A_283 {
        %add3A_863 = arith.constant 2 : i32
        %add3A_864 = arith.addi %mul3A_159, %add3A_863 : i32
        %mul3A_865 = arith.constant 112 : i32
        %mul3A_866 = arith.muli %add3A_864, %mul3A_865 : i32
        %add3A_867 = arith.addi %mul3A_52, %mul3A_866 : i32
        %dma_start3A_868 = arith.constant 0 : i32
        %dma_start3A_869 = arith.constant 0 : i32
        %dma_start3A_870 = tpu.memref_slice %arg13[%dma_start3A_868, %dma_start3A_869] : memref<2x112xi32, #tpu.memory_space<vmem>> -> memref<1x112xi32, #tpu.memory_space<vmem>>
        %dma_start3A_871 = tpu.memref_squeeze %dma_start3A_870 : memref<1x112xi32, #tpu.memory_space<vmem>> -> memref<112xi32, #tpu.memory_space<vmem>>
        %dma_start3A_872 = tpu.memref_slice %arg5[%add3A_867] : memref<322560xi32, #tpu.memory_space<hbm>> -> memref<112xi32, #tpu.memory_space<hbm>>
        %dma_start3A_873 = arith.constant 0 : i32
        %dma_start3A_874 = tpu.memref_slice %arg13[%dma_start3A_868, %dma_start3A_873] : memref<2x112xi32, #tpu.memory_space<vmem>> -> memref<1x112xi32, #tpu.memory_space<vmem>>
        %dma_start3A_875 = tpu.memref_squeeze %dma_start3A_874 : memref<1x112xi32, #tpu.memory_space<vmem>> -> memref<112xi32, #tpu.memory_space<vmem>>
        %dma_start3A_876 = tpu.memref_slice %arg5[%add3A_867] : memref<322560xi32, #tpu.memory_space<hbm>> -> memref<112xi32, #tpu.memory_space<hbm>>
        tpu.enqueue_dma source(%dma_start3A_876 : memref<112xi32, #tpu.memory_space<hbm>>) target(%dma_start3A_875 : memref<112xi32, #tpu.memory_space<vmem>>) target_semaphore(%arg25 : memref<!tpu.dma_semaphore, #tpu.memory_space<semaphore_mem>>)
        %dma_start3A_877 = arith.constant 1 : i32
        %dma_start3A_878 = arith.constant 0 : i32
        %dma_start3A_879 = tpu.memref_slice %arg13[%dma_start3A_877, %dma_start3A_878] : memref<2x112xi32, #tpu.memory_space<vmem>> -> memref<1x112xi32, #tpu.memory_space<vmem>>
        %dma_start3A_880 = tpu.memref_squeeze %dma_start3A_879 : memref<1x112xi32, #tpu.memory_space<vmem>> -> memref<112xi32, #tpu.memory_space<vmem>>
        %dma_start3A_881 = tpu.memref_slice %arg6[%add3A_867] : memref<322560xi32, #tpu.memory_space<hbm>> -> memref<112xi32, #tpu.memory_space<hbm>>
        %dma_start3A_882 = arith.constant 0 : i32
        %dma_start3A_883 = tpu.memref_slice %arg13[%dma_start3A_877, %dma_start3A_882] : memref<2x112xi32, #tpu.memory_space<vmem>> -> memref<1x112xi32, #tpu.memory_space<vmem>>
        %dma_start3A_884 = tpu.memref_squeeze %dma_start3A_883 : memref<1x112xi32, #tpu.memory_space<vmem>> -> memref<112xi32, #tpu.memory_space<vmem>>
        %dma_start3A_885 = tpu.memref_slice %arg6[%add3A_867] : memref<322560xi32, #tpu.memory_space<hbm>> -> memref<112xi32, #tpu.memory_space<hbm>>
        tpu.enqueue_dma source(%dma_start3A_885 : memref<112xi32, #tpu.memory_space<hbm>>) target(%dma_start3A_884 : memref<112xi32, #tpu.memory_space<vmem>>) target_semaphore(%arg25 : memref<!tpu.dma_semaphore, #tpu.memory_space<semaphore_mem>>)
      } else {
      }
      %gather3A = tpu.vector_load_idx %arg19[%add3A_27, %add3A_3] : memref<112x16xf32, #tpu.memory_space<vmem>>[vector<16xi32>, vector<16xi32>], vector<16xf32>,
      %gather3A_284 = tpu.vector_load_idx %arg21[%add3A_27, %add3A_3] : memref<112x16xf32, #tpu.memory_space<vmem>>[vector<16xi32>, vector<16xi32>], vector<16xf32>,
      %add3A_285 = arith.addf %gather3A, %gather3A_284 : vector<16xf32>
      %mul3A_286 = arith.constant 2.000000e-01 : f32
      %mul3A_287 = vector.broadcast %mul3A_286 : f32 to vector<16xf32>
      %mul3A_288 = arith.mulf %mul3A_287, %add3A_285 : vector<16xf32>
      %max3A = arith.maximumf %add3A_285, %mul3A_288 : vector<16xf32>
      %exp3A = math.exp %max3A : vector<16xf32>
      tpu.vector_store_idx %arg23[%add3A_27, %add3A_3], %exp3A : memref<112x16xf32, #tpu.memory_space<vmem>>[vector<16xi32>, vector<16xi32>], vector<16xf32>,
      %gather3A_289 = tpu.vector_load_idx %arg19[%add3A_27, %add3A_6] : memref<112x16xf32, #tpu.memory_space<vmem>>[vector<16xi32>, vector<16xi32>], vector<16xf32>,
      %gather3A_290 = tpu.vector_load_idx %arg21[%add3A_27, %add3A_6] : memref<112x16xf32, #tpu.memory_space<vmem>>[vector<16xi32>, vector<16xi32>], vector<16xf32>,
      %add3A_291 = arith.addf %gather3A_289, %gather3A_290 : vector<16xf32>
      %mul3A_292 = arith.constant 2.000000e-01 : f32
      %mul3A_293 = vector.broadcast %mul3A_292 : f32 to vector<16xf32>
      %mul3A_294 = arith.mulf %mul3A_293, %add3A_291 : vector<16xf32>
      %max3A_295 = arith.maximumf %add3A_291, %mul3A_294 : vector<16xf32>
      %exp3A_296 = math.exp %max3A_295 : vector<16xf32>
      tpu.vector_store_idx %arg23[%add3A_27, %add3A_6], %exp3A_296 : memref<112x16xf32, #tpu.memory_space<vmem>>[vector<16xi32>, vector<16xi32>], vector<16xf32>,
      %gather3A_297 = tpu.vector_load_idx %arg19[%add3A_27, %add3A_9] : memref<112x16xf32, #tpu.memory_space<vmem>>[vector<16xi32>, vector<16xi32>], vector<16xf32>,
      %gather3A_298 = tpu.vector_load_idx %arg21[%add3A_27, %add3A_9] : memref<112x16xf32, #tpu.memory_space<vmem>>[vector<16xi32>, vector<16xi32>], vector<16xf32>,
      %add3A_299 = arith.addf %gather3A_297, %gather3A_298 : vector<16xf32>
      %mul3A_300 = arith.constant 2.000000e-01 : f32
      %mul3A_301 = vector.broadcast %mul3A_300 : f32 to vector<16xf32>
      %mul3A_302 = arith.mulf %mul3A_301, %add3A_299 : vector<16xf32>
      %max3A_303 = arith.maximumf %add3A_299, %mul3A_302 : vector<16xf32>
      %exp3A_304 = math.exp %max3A_303 : vector<16xf32>
      tpu.vector_store_idx %arg23[%add3A_27, %add3A_9], %exp3A_304 : memref<112x16xf32, #tpu.memory_space<vmem>>[vector<16xi32>, vector<16xi32>], vector<16xf32>,
      %gather3A_305 = tpu.vector_load_idx %arg19[%add3A_27, %add3A_12] : memref<112x16xf32, #tpu.memory_space<vmem>>[vector<16xi32>, vector<16xi32>], vector<16xf32>,
      %gather3A_306 = tpu.vector_load_idx %arg21[%add3A_27, %add3A_12] : memref<112x16xf32, #tpu.memory_space<vmem>>[vector<16xi32>, vector<16xi32>], vector<16xf32>,
      %add3A_307 = arith.addf %gather3A_305, %gather3A_306 : vector<16xf32>
      %mul3A_308 = arith.constant 2.000000e-01 : f32
      %mul3A_309 = vector.broadcast %mul3A_308 : f32 to vector<16xf32>
      %mul3A_310 = arith.mulf %mul3A_309, %add3A_307 : vector<16xf32>
      %max3A_311 = arith.maximumf %add3A_307, %mul3A_310 : vector<16xf32>
      %exp3A_312 = math.exp %max3A_311 : vector<16xf32>
      tpu.vector_store_idx %arg23[%add3A_27, %add3A_12], %exp3A_312 : memref<112x16xf32, #tpu.memory_space<vmem>>[vector<16xi32>, vector<16xi32>], vector<16xf32>,
      %gather3A_313 = tpu.vector_load_idx %arg19[%add3A_30, %add3A_3] : memref<112x16xf32, #tpu.memory_space<vmem>>[vector<16xi32>, vector<16xi32>], vector<16xf32>,
      %gather3A_314 = tpu.vector_load_idx %arg21[%add3A_30, %add3A_3] : memref<112x16xf32, #tpu.memory_space<vmem>>[vector<16xi32>, vector<16xi32>], vector<16xf32>,
      %add3A_315 = arith.addf %gather3A_313, %gather3A_314 : vector<16xf32>
      %mul3A_316 = arith.constant 2.000000e-01 : f32
      %mul3A_317 = vector.broadcast %mul3A_316 : f32 to vector<16xf32>
      %mul3A_318 = arith.mulf %mul3A_317, %add3A_315 : vector<16xf32>
      %max3A_319 = arith.maximumf %add3A_315, %mul3A_318 : vector<16xf32>
      %exp3A_320 = math.exp %max3A_319 : vector<16xf32>
      tpu.vector_store_idx %arg23[%add3A_30, %add3A_3], %exp3A_320 : memref<112x16xf32, #tpu.memory_space<vmem>>[vector<16xi32>, vector<16xi32>], vector<16xf32>,
      %gather3A_321 = tpu.vector_load_idx %arg19[%add3A_30, %add3A_6] : memref<112x16xf32, #tpu.memory_space<vmem>>[vector<16xi32>, vector<16xi32>], vector<16xf32>,
      %gather3A_322 = tpu.vector_load_idx %arg21[%add3A_30, %add3A_6] : memref<112x16xf32, #tpu.memory_space<vmem>>[vector<16xi32>, vector<16xi32>], vector<16xf32>,
      %add3A_323 = arith.addf %gather3A_321, %gather3A_322 : vector<16xf32>
      %mul3A_324 = arith.constant 2.000000e-01 : f32
      %mul3A_325 = vector.broadcast %mul3A_324 : f32 to vector<16xf32>
      %mul3A_326 = arith.mulf %mul3A_325, %add3A_323 : vector<16xf32>
      %max3A_327 = arith.maximumf %add3A_323, %mul3A_326 : vector<16xf32>
      %exp3A_328 = math.exp %max3A_327 : vector<16xf32>
      tpu.vector_store_idx %arg23[%add3A_30, %add3A_6], %exp3A_328 : memref<112x16xf32, #tpu.memory_space<vmem>>[vector<16xi32>, vector<16xi32>], vector<16xf32>,
      %gather3A_329 = tpu.vector_load_idx %arg19[%add3A_30, %add3A_9] : memref<112x16xf32, #tpu.memory_space<vmem>>[vector<16xi32>, vector<16xi32>], vector<16xf32>,
      %gather3A_330 = tpu.vector_load_idx %arg21[%add3A_30, %add3A_9] : memref<112x16xf32, #tpu.memory_space<vmem>>[vector<16xi32>, vector<16xi32>], vector<16xf32>,
      %add3A_331 = arith.addf %gather3A_329, %gather3A_330 : vector<16xf32>
      %mul3A_332 = arith.constant 2.000000e-01 : f32
      %mul3A_333 = vector.broadcast %mul3A_332 : f32 to vector<16xf32>
      %mul3A_334 = arith.mulf %mul3A_333, %add3A_331 : vector<16xf32>
      %max3A_335 = arith.maximumf %add3A_331, %mul3A_334 : vector<16xf32>
      %exp3A_336 = math.exp %max3A_335 : vector<16xf32>
      tpu.vector_store_idx %arg23[%add3A_30, %add3A_9], %exp3A_336 : memref<112x16xf32, #tpu.memory_space<vmem>>[vector<16xi32>, vector<16xi32>], vector<16xf32>,
      %gather3A_337 = tpu.vector_load_idx %arg19[%add3A_30, %add3A_12] : memref<112x16xf32, #tpu.memory_space<vmem>>[vector<16xi32>, vector<16xi32>], vector<16xf32>,
      %gather3A_338 = tpu.vector_load_idx %arg21[%add3A_30, %add3A_12] : memref<112x16xf32, #tpu.memory_space<vmem>>[vector<16xi32>, vector<16xi32>], vector<16xf32>,
      %add3A_339 = arith.addf %gather3A_337, %gather3A_338 : vector<16xf32>
      %mul3A_340 = arith.constant 2.000000e-01 : f32
      %mul3A_341 = vector.broadcast %mul3A_340 : f32 to vector<16xf32>
      %mul3A_342 = arith.mulf %mul3A_341, %add3A_339 : vector<16xf32>
      %max3A_343 = arith.maximumf %add3A_339, %mul3A_342 : vector<16xf32>
      %exp3A_344 = math.exp %max3A_343 : vector<16xf32>
      tpu.vector_store_idx %arg23[%add3A_30, %add3A_12], %exp3A_344 : memref<112x16xf32, #tpu.memory_space<vmem>>[vector<16xi32>, vector<16xi32>], vector<16xf32>,
      %gather3A_345 = tpu.vector_load_idx %arg19[%add3A_33, %add3A_3] : memref<112x16xf32, #tpu.memory_space<vmem>>[vector<16xi32>, vector<16xi32>], vector<16xf32>,
      %gather3A_346 = tpu.vector_load_idx %arg21[%add3A_33, %add3A_3] : memref<112x16xf32, #tpu.memory_space<vmem>>[vector<16xi32>, vector<16xi32>], vector<16xf32>,
      %add3A_347 = arith.addf %gather3A_345, %gather3A_346 : vector<16xf32>
      %mul3A_348 = arith.constant 2.000000e-01 : f32
      %mul3A_349 = vector.broadcast %mul3A_348 : f32 to vector<16xf32>
      %mul3A_350 = arith.mulf %mul3A_349, %add3A_347 : vector<16xf32>
      %max3A_351 = arith.maximumf %add3A_347, %mul3A_350 : vector<16xf32>
      %exp3A_352 = math.exp %max3A_351 : vector<16xf32>
      tpu.vector_store_idx %arg23[%add3A_33, %add3A_3], %exp3A_352 : memref<112x16xf32, #tpu.memory_space<vmem>>[vector<16xi32>, vector<16xi32>], vector<16xf32>,
      %gather3A_353 = tpu.vector_load_idx %arg19[%add3A_33, %add3A_6] : memref<112x16xf32, #tpu.memory_space<vmem>>[vector<16xi32>, vector<16xi32>], vector<16xf32>,
      %gather3A_354 = tpu.vector_load_idx %arg21[%add3A_33, %add3A_6] : memref<112x16xf32, #tpu.memory_space<vmem>>[vector<16xi32>, vector<16xi32>], vector<16xf32>,
      %add3A_355 = arith.addf %gather3A_353, %gather3A_354 : vector<16xf32>
      %mul3A_356 = arith.constant 2.000000e-01 : f32
      %mul3A_357 = vector.broadcast %mul3A_356 : f32 to vector<16xf32>
      %mul3A_358 = arith.mulf %mul3A_357, %add3A_355 : vector<16xf32>
      %max3A_359 = arith.maximumf %add3A_355, %mul3A_358 : vector<16xf32>
      %exp3A_360 = math.exp %max3A_359 : vector<16xf32>
      tpu.vector_store_idx %arg23[%add3A_33, %add3A_6], %exp3A_360 : memref<112x16xf32, #tpu.memory_space<vmem>>[vector<16xi32>, vector<16xi32>], vector<16xf32>,
      %gather3A_361 = tpu.vector_load_idx %arg19[%add3A_33, %add3A_9] : memref<112x16xf32, #tpu.memory_space<vmem>>[vector<16xi32>, vector<16xi32>], vector<16xf32>,
      %gather3A_362 = tpu.vector_load_idx %arg21[%add3A_33, %add3A_9] : memref<112x16xf32, #tpu.memory_space<vmem>>[vector<16xi32>, vector<16xi32>], vector<16xf32>,
      %add3A_363 = arith.addf %gather3A_361, %gather3A_362 : vector<16xf32>
      %mul3A_364 = arith.constant 2.000000e-01 : f32
      %mul3A_365 = vector.broadcast %mul3A_364 : f32 to vector<16xf32>
      %mul3A_366 = arith.mulf %mul3A_365, %add3A_363 : vector<16xf32>
      %max3A_367 = arith.maximumf %add3A_363, %mul3A_366 : vector<16xf32>
      %exp3A_368 = math.exp %max3A_367 : vector<16xf32>
      tpu.vector_store_idx %arg23[%add3A_33, %add3A_9], %exp3A_368 : memref<112x16xf32, #tpu.memory_space<vmem>>[vector<16xi32>, vector<16xi32>], vector<16xf32>,
      %gather3A_369 = tpu.vector_load_idx %arg19[%add3A_33, %add3A_12] : memref<112x16xf32, #tpu.memory_space<vmem>>[vector<16xi32>, vector<16xi32>], vector<16xf32>,
      %gather3A_370 = tpu.vector_load_idx %arg21[%add3A_33, %add3A_12] : memref<112x16xf32, #tpu.memory_space<vmem>>[vector<16xi32>, vector<16xi32>], vector<16xf32>,
      %add3A_371 = arith.addf %gather3A_369, %gather3A_370 : vector<16xf32>
      %mul3A_372 = arith.constant 2.000000e-01 : f32
      %mul3A_373 = vector.broadcast %mul3A_372 : f32 to vector<16xf32>
      %mul3A_374 = arith.mulf %mul3A_373, %add3A_371 : vector<16xf32>
      %max3A_375 = arith.maximumf %add3A_371, %mul3A_374 : vector<16xf32>
      %exp3A_376 = math.exp %max3A_375 : vector<16xf32>
      tpu.vector_store_idx %arg23[%add3A_33, %add3A_12], %exp3A_376 : memref<112x16xf32, #tpu.memory_space<vmem>>[vector<16xi32>, vector<16xi32>], vector<16xf32>,
      %gather3A_377 = tpu.vector_load_idx %arg19[%add3A_36, %add3A_3] : memref<112x16xf32, #tpu.memory_space<vmem>>[vector<16xi32>, vector<16xi32>], vector<16xf32>,
      %gather3A_378 = tpu.vector_load_idx %arg21[%add3A_36, %add3A_3] : memref<112x16xf32, #tpu.memory_space<vmem>>[vector<16xi32>, vector<16xi32>], vector<16xf32>,
      %add3A_379 = arith.addf %gather3A_377, %gather3A_378 : vector<16xf32>
      %mul3A_380 = arith.constant 2.000000e-01 : f32
      %mul3A_381 = vector.broadcast %mul3A_380 : f32 to vector<16xf32>
      %mul3A_382 = arith.mulf %mul3A_381, %add3A_379 : vector<16xf32>
      %max3A_383 = arith.maximumf %add3A_379, %mul3A_382 : vector<16xf32>
      %exp3A_384 = math.exp %max3A_383 : vector<16xf32>
      tpu.vector_store_idx %arg23[%add3A_36, %add3A_3], %exp3A_384 : memref<112x16xf32, #tpu.memory_space<vmem>>[vector<16xi32>, vector<16xi32>], vector<16xf32>,
      %gather3A_385 = tpu.vector_load_idx %arg19[%add3A_36, %add3A_6] : memref<112x16xf32, #tpu.memory_space<vmem>>[vector<16xi32>, vector<16xi32>], vector<16xf32>,
      %gather3A_386 = tpu.vector_load_idx %arg21[%add3A_36, %add3A_6] : memref<112x16xf32, #tpu.memory_space<vmem>>[vector<16xi32>, vector<16xi32>], vector<16xf32>,
      %add3A_387 = arith.addf %gather3A_385, %gather3A_386 : vector<16xf32>
      %mul3A_388 = arith.constant 2.000000e-01 : f32
      %mul3A_389 = vector.broadcast %mul3A_388 : f32 to vector<16xf32>
      %mul3A_390 = arith.mulf %mul3A_389, %add3A_387 : vector<16xf32>
      %max3A_391 = arith.maximumf %add3A_387, %mul3A_390 : vector<16xf32>
      %exp3A_392 = math.exp %max3A_391 : vector<16xf32>
      tpu.vector_store_idx %arg23[%add3A_36, %add3A_6], %exp3A_392 : memref<112x16xf32, #tpu.memory_space<vmem>>[vector<16xi32>, vector<16xi32>], vector<16xf32>,
      %gather3A_393 = tpu.vector_load_idx %arg19[%add3A_36, %add3A_9] : memref<112x16xf32, #tpu.memory_space<vmem>>[vector<16xi32>, vector<16xi32>], vector<16xf32>,
      %gather3A_394 = tpu.vector_load_idx %arg21[%add3A_36, %add3A_9] : memref<112x16xf32, #tpu.memory_space<vmem>>[vector<16xi32>, vector<16xi32>], vector<16xf32>,
      %add3A_395 = arith.addf %gather3A_393, %gather3A_394 : vector<16xf32>
      %mul3A_396 = arith.constant 2.000000e-01 : f32
      %mul3A_397 = vector.broadcast %mul3A_396 : f32 to vector<16xf32>
      %mul3A_398 = arith.mulf %mul3A_397, %add3A_395 : vector<16xf32>
      %max3A_399 = arith.maximumf %add3A_395, %mul3A_398 : vector<16xf32>
      %exp3A_400 = math.exp %max3A_399 : vector<16xf32>
      tpu.vector_store_idx %arg23[%add3A_36, %add3A_9], %exp3A_400 : memref<112x16xf32, #tpu.memory_space<vmem>>[vector<16xi32>, vector<16xi32>], vector<16xf32>,
      %gather3A_401 = tpu.vector_load_idx %arg19[%add3A_36, %add3A_12] : memref<112x16xf32, #tpu.memory_space<vmem>>[vector<16xi32>, vector<16xi32>], vector<16xf32>,
      %gather3A_402 = tpu.vector_load_idx %arg21[%add3A_36, %add3A_12] : memref<112x16xf32, #tpu.memory_space<vmem>>[vector<16xi32>, vector<16xi32>], vector<16xf32>,
      %add3A_403 = arith.addf %gather3A_401, %gather3A_402 : vector<16xf32>
      %mul3A_404 = arith.constant 2.000000e-01 : f32
      %mul3A_405 = vector.broadcast %mul3A_404 : f32 to vector<16xf32>
      %mul3A_406 = arith.mulf %mul3A_405, %add3A_403 : vector<16xf32>
      %max3A_407 = arith.maximumf %add3A_403, %mul3A_406 : vector<16xf32>
      %exp3A_408 = math.exp %max3A_407 : vector<16xf32>
      tpu.vector_store_idx %arg23[%add3A_36, %add3A_12], %exp3A_408 : memref<112x16xf32, #tpu.memory_space<vmem>>[vector<16xi32>, vector<16xi32>], vector<16xf32>,
      %gather3A_409 = tpu.vector_load_idx %arg19[%add3A_39, %add3A_3] : memref<112x16xf32, #tpu.memory_space<vmem>>[vector<16xi32>, vector<16xi32>], vector<16xf32>,
      %gather3A_410 = tpu.vector_load_idx %arg21[%add3A_39, %add3A_3] : memref<112x16xf32, #tpu.memory_space<vmem>>[vector<16xi32>, vector<16xi32>], vector<16xf32>,
      %add3A_411 = arith.addf %gather3A_409, %gather3A_410 : vector<16xf32>
      %mul3A_412 = arith.constant 2.000000e-01 : f32
      %mul3A_413 = vector.broadcast %mul3A_412 : f32 to vector<16xf32>
      %mul3A_414 = arith.mulf %mul3A_413, %add3A_411 : vector<16xf32>
      %max3A_415 = arith.maximumf %add3A_411, %mul3A_414 : vector<16xf32>
      %exp3A_416 = math.exp %max3A_415 : vector<16xf32>
      tpu.vector_store_idx %arg23[%add3A_39, %add3A_3], %exp3A_416 : memref<112x16xf32, #tpu.memory_space<vmem>>[vector<16xi32>, vector<16xi32>], vector<16xf32>,
      %gather3A_417 = tpu.vector_load_idx %arg19[%add3A_39, %add3A_6] : memref<112x16xf32, #tpu.memory_space<vmem>>[vector<16xi32>, vector<16xi32>], vector<16xf32>,
      %gather3A_418 = tpu.vector_load_idx %arg21[%add3A_39, %add3A_6] : memref<112x16xf32, #tpu.memory_space<vmem>>[vector<16xi32>, vector<16xi32>], vector<16xf32>,
      %add3A_419 = arith.addf %gather3A_417, %gather3A_418 : vector<16xf32>
      %mul3A_420 = arith.constant 2.000000e-01 : f32
      %mul3A_421 = vector.broadcast %mul3A_420 : f32 to vector<16xf32>
      %mul3A_422 = arith.mulf %mul3A_421, %add3A_419 : vector<16xf32>
      %max3A_423 = arith.maximumf %add3A_419, %mul3A_422 : vector<16xf32>
      %exp3A_424 = math.exp %max3A_423 : vector<16xf32>
      tpu.vector_store_idx %arg23[%add3A_39, %add3A_6], %exp3A_424 : memref<112x16xf32, #tpu.memory_space<vmem>>[vector<16xi32>, vector<16xi32>], vector<16xf32>,
      %gather3A_425 = tpu.vector_load_idx %arg19[%add3A_39, %add3A_9] : memref<112x16xf32, #tpu.memory_space<vmem>>[vector<16xi32>, vector<16xi32>], vector<16xf32>,
      %gather3A_426 = tpu.vector_load_idx %arg21[%add3A_39, %add3A_9] : memref<112x16xf32, #tpu.memory_space<vmem>>[vector<16xi32>, vector<16xi32>], vector<16xf32>,
      %add3A_427 = arith.addf %gather3A_425, %gather3A_426 : vector<16xf32>
      %mul3A_428 = arith.constant 2.000000e-01 : f32
      %mul3A_429 = vector.broadcast %mul3A_428 : f32 to vector<16xf32>
      %mul3A_430 = arith.mulf %mul3A_429, %add3A_427 : vector<16xf32>
      %max3A_431 = arith.maximumf %add3A_427, %mul3A_430 : vector<16xf32>
      %exp3A_432 = math.exp %max3A_431 : vector<16xf32>
      tpu.vector_store_idx %arg23[%add3A_39, %add3A_9], %exp3A_432 : memref<112x16xf32, #tpu.memory_space<vmem>>[vector<16xi32>, vector<16xi32>], vector<16xf32>,
      %gather3A_433 = tpu.vector_load_idx %arg19[%add3A_39, %add3A_12] : memref<112x16xf32, #tpu.memory_space<vmem>>[vector<16xi32>, vector<16xi32>], vector<16xf32>,
      %gather3A_434 = tpu.vector_load_idx %arg21[%add3A_39, %add3A_12] : memref<112x16xf32, #tpu.memory_space<vmem>>[vector<16xi32>, vector<16xi32>], vector<16xf32>,
      %add3A_435 = arith.addf %gather3A_433, %gather3A_434 : vector<16xf32>
      %mul3A_436 = arith.constant 2.000000e-01 : f32
      %mul3A_437 = vector.broadcast %mul3A_436 : f32 to vector<16xf32>
      %mul3A_438 = arith.mulf %mul3A_437, %add3A_435 : vector<16xf32>
      %max3A_439 = arith.maximumf %add3A_435, %mul3A_438 : vector<16xf32>
      %exp3A_440 = math.exp %max3A_439 : vector<16xf32>
      tpu.vector_store_idx %arg23[%add3A_39, %add3A_12], %exp3A_440 : memref<112x16xf32, #tpu.memory_space<vmem>>[vector<16xi32>, vector<16xi32>], vector<16xf32>,
      %gather3A_441 = tpu.vector_load_idx %arg19[%add3A_42, %add3A_3] : memref<112x16xf32, #tpu.memory_space<vmem>>[vector<16xi32>, vector<16xi32>], vector<16xf32>,
      %gather3A_442 = tpu.vector_load_idx %arg21[%add3A_42, %add3A_3] : memref<112x16xf32, #tpu.memory_space<vmem>>[vector<16xi32>, vector<16xi32>], vector<16xf32>,
      %add3A_443 = arith.addf %gather3A_441, %gather3A_442 : vector<16xf32>
      %mul3A_444 = arith.constant 2.000000e-01 : f32
      %mul3A_445 = vector.broadcast %mul3A_444 : f32 to vector<16xf32>
      %mul3A_446 = arith.mulf %mul3A_445, %add3A_443 : vector<16xf32>
      %max3A_447 = arith.maximumf %add3A_443, %mul3A_446 : vector<16xf32>
      %exp3A_448 = math.exp %max3A_447 : vector<16xf32>
      tpu.vector_store_idx %arg23[%add3A_42, %add3A_3], %exp3A_448 : memref<112x16xf32, #tpu.memory_space<vmem>>[vector<16xi32>, vector<16xi32>], vector<16xf32>,
      %gather3A_449 = tpu.vector_load_idx %arg19[%add3A_42, %add3A_6] : memref<112x16xf32, #tpu.memory_space<vmem>>[vector<16xi32>, vector<16xi32>], vector<16xf32>,
      %gather3A_450 = tpu.vector_load_idx %arg21[%add3A_42, %add3A_6] : memref<112x16xf32, #tpu.memory_space<vmem>>[vector<16xi32>, vector<16xi32>], vector<16xf32>,
      %add3A_451 = arith.addf %gather3A_449, %gather3A_450 : vector<16xf32>
      %mul3A_452 = arith.constant 2.000000e-01 : f32
      %mul3A_453 = vector.broadcast %mul3A_452 : f32 to vector<16xf32>
      %mul3A_454 = arith.mulf %mul3A_453, %add3A_451 : vector<16xf32>
      %max3A_455 = arith.maximumf %add3A_451, %mul3A_454 : vector<16xf32>
      %exp3A_456 = math.exp %max3A_455 : vector<16xf32>
      tpu.vector_store_idx %arg23[%add3A_42, %add3A_6], %exp3A_456 : memref<112x16xf32, #tpu.memory_space<vmem>>[vector<16xi32>, vector<16xi32>], vector<16xf32>,
      %gather3A_457 = tpu.vector_load_idx %arg19[%add3A_42, %add3A_9] : memref<112x16xf32, #tpu.memory_space<vmem>>[vector<16xi32>, vector<16xi32>], vector<16xf32>,
      %gather3A_458 = tpu.vector_load_idx %arg21[%add3A_42, %add3A_9] : memref<112x16xf32, #tpu.memory_space<vmem>>[vector<16xi32>, vector<16xi32>], vector<16xf32>,
      %add3A_459 = arith.addf %gather3A_457, %gather3A_458 : vector<16xf32>
      %mul3A_460 = arith.constant 2.000000e-01 : f32
      %mul3A_461 = vector.broadcast %mul3A_460 : f32 to vector<16xf32>
      %mul3A_462 = arith.mulf %mul3A_461, %add3A_459 : vector<16xf32>
      %max3A_463 = arith.maximumf %add3A_459, %mul3A_462 : vector<16xf32>
      %exp3A_464 = math.exp %max3A_463 : vector<16xf32>
      tpu.vector_store_idx %arg23[%add3A_42, %add3A_9], %exp3A_464 : memref<112x16xf32, #tpu.memory_space<vmem>>[vector<16xi32>, vector<16xi32>], vector<16xf32>,
      %gather3A_465 = tpu.vector_load_idx %arg19[%add3A_42, %add3A_12] : memref<112x16xf32, #tpu.memory_space<vmem>>[vector<16xi32>, vector<16xi32>], vector<16xf32>,
      %gather3A_466 = tpu.vector_load_idx %arg21[%add3A_42, %add3A_12] : memref<112x16xf32, #tpu.memory_space<vmem>>[vector<16xi32>, vector<16xi32>], vector<16xf32>,
      %add3A_467 = arith.addf %gather3A_465, %gather3A_466 : vector<16xf32>
      %mul3A_468 = arith.constant 2.000000e-01 : f32
      %mul3A_469 = vector.broadcast %mul3A_468 : f32 to vector<16xf32>
      %mul3A_470 = arith.mulf %mul3A_469, %add3A_467 : vector<16xf32>
      %max3A_471 = arith.maximumf %add3A_467, %mul3A_470 : vector<16xf32>
      %exp3A_472 = math.exp %max3A_471 : vector<16xf32>
      tpu.vector_store_idx %arg23[%add3A_42, %add3A_12], %exp3A_472 : memref<112x16xf32, #tpu.memory_space<vmem>>[vector<16xi32>, vector<16xi32>], vector<16xf32>,
      %gather3A_473 = tpu.vector_load_idx %arg19[%add3A_45, %add3A_3] : memref<112x16xf32, #tpu.memory_space<vmem>>[vector<16xi32>, vector<16xi32>], vector<16xf32>,
      %gather3A_474 = tpu.vector_load_idx %arg21[%add3A_45, %add3A_3] : memref<112x16xf32, #tpu.memory_space<vmem>>[vector<16xi32>, vector<16xi32>], vector<16xf32>,
      %add3A_475 = arith.addf %gather3A_473, %gather3A_474 : vector<16xf32>
      %mul3A_476 = arith.constant 2.000000e-01 : f32
      %mul3A_477 = vector.broadcast %mul3A_476 : f32 to vector<16xf32>
      %mul3A_478 = arith.mulf %mul3A_477, %add3A_475 : vector<16xf32>
      %max3A_479 = arith.maximumf %add3A_475, %mul3A_478 : vector<16xf32>
      %exp3A_480 = math.exp %max3A_479 : vector<16xf32>
      tpu.vector_store_idx %arg23[%add3A_45, %add3A_3], %exp3A_480 : memref<112x16xf32, #tpu.memory_space<vmem>>[vector<16xi32>, vector<16xi32>], vector<16xf32>,
      %gather3A_481 = tpu.vector_load_idx %arg19[%add3A_45, %add3A_6] : memref<112x16xf32, #tpu.memory_space<vmem>>[vector<16xi32>, vector<16xi32>], vector<16xf32>,
      %gather3A_482 = tpu.vector_load_idx %arg21[%add3A_45, %add3A_6] : memref<112x16xf32, #tpu.memory_space<vmem>>[vector<16xi32>, vector<16xi32>], vector<16xf32>,
      %add3A_483 = arith.addf %gather3A_481, %gather3A_482 : vector<16xf32>
      %mul3A_484 = arith.constant 2.000000e-01 : f32
      %mul3A_485 = vector.broadcast %mul3A_484 : f32 to vector<16xf32>
      %mul3A_486 = arith.mulf %mul3A_485, %add3A_483 : vector<16xf32>
      %max3A_487 = arith.maximumf %add3A_483, %mul3A_486 : vector<16xf32>
      %exp3A_488 = math.exp %max3A_487 : vector<16xf32>
      tpu.vector_store_idx %arg23[%add3A_45, %add3A_6], %exp3A_488 : memref<112x16xf32, #tpu.memory_space<vmem>>[vector<16xi32>, vector<16xi32>], vector<16xf32>,
      %gather3A_489 = tpu.vector_load_idx %arg19[%add3A_45, %add3A_9] : memref<112x16xf32, #tpu.memory_space<vmem>>[vector<16xi32>, vector<16xi32>], vector<16xf32>,
      %gather3A_490 = tpu.vector_load_idx %arg21[%add3A_45, %add3A_9] : memref<112x16xf32, #tpu.memory_space<vmem>>[vector<16xi32>, vector<16xi32>], vector<16xf32>,
      %add3A_491 = arith.addf %gather3A_489, %gather3A_490 : vector<16xf32>
      %mul3A_492 = arith.constant 2.000000e-01 : f32
      %mul3A_493 = vector.broadcast %mul3A_492 : f32 to vector<16xf32>
      %mul3A_494 = arith.mulf %mul3A_493, %add3A_491 : vector<16xf32>
      %max3A_495 = arith.maximumf %add3A_491, %mul3A_494 : vector<16xf32>
      %exp3A_496 = math.exp %max3A_495 : vector<16xf32>
      tpu.vector_store_idx %arg23[%add3A_45, %add3A_9], %exp3A_496 : memref<112x16xf32, #tpu.memory_space<vmem>>[vector<16xi32>, vector<16xi32>], vector<16xf32>,
      %gather3A_497 = tpu.vector_load_idx %arg19[%add3A_45, %add3A_12] : memref<112x16xf32, #tpu.memory_space<vmem>>[vector<16xi32>, vector<16xi32>], vector<16xf32>,
      %gather3A_498 = tpu.vector_load_idx %arg21[%add3A_45, %add3A_12] : memref<112x16xf32, #tpu.memory_space<vmem>>[vector<16xi32>, vector<16xi32>], vector<16xf32>,
      %add3A_499 = arith.addf %gather3A_497, %gather3A_498 : vector<16xf32>
      %mul3A_500 = arith.constant 2.000000e-01 : f32
      %mul3A_501 = vector.broadcast %mul3A_500 : f32 to vector<16xf32>
      %mul3A_502 = arith.mulf %mul3A_501, %add3A_499 : vector<16xf32>
      %max3A_503 = arith.maximumf %add3A_499, %mul3A_502 : vector<16xf32>
      %exp3A_504 = math.exp %max3A_503 : vector<16xf32>
      tpu.vector_store_idx %arg23[%add3A_45, %add3A_12], %exp3A_504 : memref<112x16xf32, #tpu.memory_space<vmem>>[vector<16xi32>, vector<16xi32>], vector<16xf32>,
      %dma_start3A_505 = arith.constant 1 : i32
      %dma_start3A_506 = arith.constant 0 : i32
      %dma_start3A_507 = tpu.memref_slice %arg15[%dma_start3A_505, %dma_start3A_506] : memref<2x112xi32, #tpu.memory_space<vmem>> -> memref<1x112xi32, #tpu.memory_space<vmem>>
      %dma_start3A_508 = tpu.memref_squeeze %dma_start3A_507 : memref<1x112xi32, #tpu.memory_space<vmem>> -> memref<112xi32, #tpu.memory_space<vmem>>
      %dma_start3A_509 = arith.constant 0 : i32
      %dma_start3A_510 = arith.constant 0 : i32
      %dma_start3A_511 = tpu.memref_slice %arg12[%dma_start3A_509, %dma_start3A_510] : memref<10016x16xf32, #tpu.memory_space<vmem_shared>> -> memref<10016x16xf32, #tpu.memory_space<vmem_shared>>
      tpu.enqueue_indirect_dma source(%arg23 : memref<112x16xf32, #tpu.memory_space<vmem>>) target(%dma_start3A_511 : memref<10016x16xf32, #tpu.memory_space<vmem_shared>>) offsets(%dma_start3A_508 : memref<112xi32, #tpu.memory_space<vmem>>) semaphore(%arg29 : memref<!tpu.dma_semaphore, #tpu.memory_space<semaphore_mem>>) {add = true}
      %scan3A_512 = arith.constant 0 : i32
      %scan3A_513 = arith.constant 112 : i32
      %scan3A_514 = arith.addi %scan3A_512, %scan3A_513 : i32
      %scan3A_515 = arith.constant 4 : i32
      scf.for %scan3A_863 = %scan3A_512 to %scan3A_514 step %scan3A_515  : i32 {
        %mul3A_864 = arith.constant 1 : i32
        %mul3A_865 = arith.muli %scan3A_863, %mul3A_864 : i32
        %add3A_866 = arith.constant 0 : i32
        %add3A_867 = arith.addi %add3A_866, %mul3A_865 : i32
        %get3A_868 = arith.index_cast %add3A_867 : i32 to index
        %get3A_869 = arith.constant 0 : index
        %get3A_870 = tpu.vector_load %arg23[%get3A_868, %get3A_869] {strides = array<i32>} : memref<112x16xf32, #tpu.memory_space<vmem>>, vector<16xf32>,
        %broadcast_in_dim3A = vector.shape_cast %add3A_3 : vector<16xi32> to vector<16x1xi32>
        %gather3A_871 = vector.shape_cast %broadcast_in_dim3A : vector<16x1xi32> to vector<16xi32>
        %gather3A_872 = tpu.dynamic_gather %get3A_870[%gather3A_871] in [0] : vector<16xf32>, vector<16xi32> -> vector<16xf32>
        %get3A_873 = arith.index_cast %add3A_867 : i32 to index
        %get3A_874 = arith.constant 0 : index
        %get3A_875 = tpu.vector_load %arg17[%get3A_873, %get3A_874] {strides = array<i32>} : memref<112x128xf32, #tpu.memory_space<vmem>>, vector<16xf32>,
        %mul3A_876 = arith.mulf %get3A_875, %gather3A_872 : vector<16xf32>
        %swap3A_877 = arith.index_cast %add3A_867 : i32 to index
        %swap3A_878 = arith.constant 0 : index
        %swap3A_879 = tpu.vector_load %arg17[%swap3A_877, %swap3A_878] {strides = array<i32>} : memref<112x128xf32, #tpu.memory_space<vmem>>, vector<16xf32>,
        tpu.vector_store %arg17[%swap3A_877, %swap3A_878], %mul3A_876 {strides = array<i32>} : memref<112x128xf32, #tpu.memory_space<vmem>>, vector<16xf32>,
        %get3A_880 = arith.index_cast %add3A_867 : i32 to index
        %get3A_881 = arith.constant 16 : index
        %get3A_882 = tpu.vector_load %arg17[%get3A_880, %get3A_881] {strides = array<i32>} : memref<112x128xf32, #tpu.memory_space<vmem>>, vector<16xf32>,
        %mul3A_883 = arith.mulf %get3A_882, %gather3A_872 : vector<16xf32>
        %swap3A_884 = arith.index_cast %add3A_867 : i32 to index
        %swap3A_885 = arith.constant 16 : index
        %swap3A_886 = tpu.vector_load %arg17[%swap3A_884, %swap3A_885] {strides = array<i32>} : memref<112x128xf32, #tpu.memory_space<vmem>>, vector<16xf32>,
        tpu.vector_store %arg17[%swap3A_884, %swap3A_885], %mul3A_883 {strides = array<i32>} : memref<112x128xf32, #tpu.memory_space<vmem>>, vector<16xf32>,
        %broadcast_in_dim3A_887 = vector.shape_cast %add3A_6 : vector<16xi32> to vector<16x1xi32>
        %gather3A_888 = vector.shape_cast %broadcast_in_dim3A_887 : vector<16x1xi32> to vector<16xi32>
        %gather3A_889 = tpu.dynamic_gather %get3A_870[%gather3A_888] in [0] : vector<16xf32>, vector<16xi32> -> vector<16xf32>
        %get3A_890 = arith.index_cast %add3A_867 : i32 to index
        %get3A_891 = arith.constant 32 : index
        %get3A_892 = tpu.vector_load %arg17[%get3A_890, %get3A_891] {strides = array<i32>} : memref<112x128xf32, #tpu.memory_space<vmem>>, vector<16xf32>,
        %mul3A_893 = arith.mulf %get3A_892, %gather3A_889 : vector<16xf32>
        %swap3A_894 = arith.index_cast %add3A_867 : i32 to index
        %swap3A_895 = arith.constant 32 : index
        %swap3A_896 = tpu.vector_load %arg17[%swap3A_894, %swap3A_895] {strides = array<i32>} : memref<112x128xf32, #tpu.memory_space<vmem>>, vector<16xf32>,
        tpu.vector_store %arg17[%swap3A_894, %swap3A_895], %mul3A_893 {strides = array<i32>} : memref<112x128xf32, #tpu.memory_space<vmem>>, vector<16xf32>,
        %get3A_897 = arith.index_cast %add3A_867 : i32 to index
        %get3A_898 = arith.constant 48 : index
        %get3A_899 = tpu.vector_load %arg17[%get3A_897, %get3A_898] {strides = array<i32>} : memref<112x128xf32, #tpu.memory_space<vmem>>, vector<16xf32>,
        %mul3A_900 = arith.mulf %get3A_899, %gather3A_889 : vector<16xf32>
        %swap3A_901 = arith.index_cast %add3A_867 : i32 to index
        %swap3A_902 = arith.constant 48 : index
        %swap3A_903 = tpu.vector_load %arg17[%swap3A_901, %swap3A_902] {strides = array<i32>} : memref<112x128xf32, #tpu.memory_space<vmem>>, vector<16xf32>,
        tpu.vector_store %arg17[%swap3A_901, %swap3A_902], %mul3A_900 {strides = array<i32>} : memref<112x128xf32, #tpu.memory_space<vmem>>, vector<16xf32>,
        %broadcast_in_dim3A_904 = vector.shape_cast %add3A_9 : vector<16xi32> to vector<16x1xi32>
        %gather3A_905 = vector.shape_cast %broadcast_in_dim3A_904 : vector<16x1xi32> to vector<16xi32>
        %gather3A_906 = tpu.dynamic_gather %get3A_870[%gather3A_905] in [0] : vector<16xf32>, vector<16xi32> -> vector<16xf32>
        %get3A_907 = arith.index_cast %add3A_867 : i32 to index
        %get3A_908 = arith.constant 64 : index
        %get3A_909 = tpu.vector_load %arg17[%get3A_907, %get3A_908] {strides = array<i32>} : memref<112x128xf32, #tpu.memory_space<vmem>>, vector<16xf32>,
        %mul3A_910 = arith.mulf %get3A_909, %gather3A_906 : vector<16xf32>
        %swap3A_911 = arith.index_cast %add3A_867 : i32 to index
        %swap3A_912 = arith.constant 64 : index
        %swap3A_913 = tpu.vector_load %arg17[%swap3A_911, %swap3A_912] {strides = array<i32>} : memref<112x128xf32, #tpu.memory_space<vmem>>, vector<16xf32>,
        tpu.vector_store %arg17[%swap3A_911, %swap3A_912], %mul3A_910 {strides = array<i32>} : memref<112x128xf32, #tpu.memory_space<vmem>>, vector<16xf32>,
        %get3A_914 = arith.index_cast %add3A_867 : i32 to index
        %get3A_915 = arith.constant 80 : index
        %get3A_916 = tpu.vector_load %arg17[%get3A_914, %get3A_915] {strides = array<i32>} : memref<112x128xf32, #tpu.memory_space<vmem>>, vector<16xf32>,
        %mul3A_917 = arith.mulf %get3A_916, %gather3A_906 : vector<16xf32>
        %swap3A_918 = arith.index_cast %add3A_867 : i32 to index
        %swap3A_919 = arith.constant 80 : index
        %swap3A_920 = tpu.vector_load %arg17[%swap3A_918, %swap3A_919] {strides = array<i32>} : memref<112x128xf32, #tpu.memory_space<vmem>>, vector<16xf32>,
        tpu.vector_store %arg17[%swap3A_918, %swap3A_919], %mul3A_917 {strides = array<i32>} : memref<112x128xf32, #tpu.memory_space<vmem>>, vector<16xf32>,
        %broadcast_in_dim3A_921 = vector.shape_cast %add3A_12 : vector<16xi32> to vector<16x1xi32>
        %gather3A_922 = vector.shape_cast %broadcast_in_dim3A_921 : vector<16x1xi32> to vector<16xi32>
        %gather3A_923 = tpu.dynamic_gather %get3A_870[%gather3A_922] in [0] : vector<16xf32>, vector<16xi32> -> vector<16xf32>
        %get3A_924 = arith.index_cast %add3A_867 : i32 to index
        %get3A_925 = arith.constant 96 : index
        %get3A_926 = tpu.vector_load %arg17[%get3A_924, %get3A_925] {strides = array<i32>} : memref<112x128xf32, #tpu.memory_space<vmem>>, vector<16xf32>,
        %mul3A_927 = arith.mulf %get3A_926, %gather3A_923 : vector<16xf32>
        %swap3A_928 = arith.index_cast %add3A_867 : i32 to index
        %swap3A_929 = arith.constant 96 : index
        %swap3A_930 = tpu.vector_load %arg17[%swap3A_928, %swap3A_929] {strides = array<i32>} : memref<112x128xf32, #tpu.memory_space<vmem>>, vector<16xf32>,
        tpu.vector_store %arg17[%swap3A_928, %swap3A_929], %mul3A_927 {strides = array<i32>} : memref<112x128xf32, #tpu.memory_space<vmem>>, vector<16xf32>,
        %get3A_931 = arith.index_cast %add3A_867 : i32 to index
        %get3A_932 = arith.constant 112 : index
        %get3A_933 = tpu.vector_load %arg17[%get3A_931, %get3A_932] {strides = array<i32>} : memref<112x128xf32, #tpu.memory_space<vmem>>, vector<16xf32>,
        %mul3A_934 = arith.mulf %get3A_933, %gather3A_923 : vector<16xf32>
        %swap3A_935 = arith.index_cast %add3A_867 : i32 to index
        %swap3A_936 = arith.constant 112 : index
        %swap3A_937 = tpu.vector_load %arg17[%swap3A_935, %swap3A_936] {strides = array<i32>} : memref<112x128xf32, #tpu.memory_space<vmem>>, vector<16xf32>,
        tpu.vector_store %arg17[%swap3A_935, %swap3A_936], %mul3A_934 {strides = array<i32>} : memref<112x128xf32, #tpu.memory_space<vmem>>, vector<16xf32>,
        %scan3A_938 = arith.constant 1 : i32
        %scan3A_939 = arith.addi %scan3A_863, %scan3A_938 : i32
        %mul3A_940 = arith.constant 1 : i32
        %mul3A_941 = arith.muli %scan3A_939, %mul3A_940 : i32
        %add3A_942 = arith.constant 0 : i32
        %add3A_943 = arith.addi %add3A_942, %mul3A_941 : i32
        %get3A_944 = arith.index_cast %add3A_943 : i32 to index
        %get3A_945 = arith.constant 0 : index
        %get3A_946 = tpu.vector_load %arg23[%get3A_944, %get3A_945] {strides = array<i32>} : memref<112x16xf32, #tpu.memory_space<vmem>>, vector<16xf32>,
        %broadcast_in_dim3A_947 = vector.shape_cast %add3A_3 : vector<16xi32> to vector<16x1xi32>
        %gather3A_948 = vector.shape_cast %broadcast_in_dim3A_947 : vector<16x1xi32> to vector<16xi32>
        %gather3A_949 = tpu.dynamic_gather %get3A_946[%gather3A_948] in [0] : vector<16xf32>, vector<16xi32> -> vector<16xf32>
        %get3A_950 = arith.index_cast %add3A_943 : i32 to index
        %get3A_951 = arith.constant 0 : index
        %get3A_952 = tpu.vector_load %arg17[%get3A_950, %get3A_951] {strides = array<i32>} : memref<112x128xf32, #tpu.memory_space<vmem>>, vector<16xf32>,
        %mul3A_953 = arith.mulf %get3A_952, %gather3A_949 : vector<16xf32>
        %swap3A_954 = arith.index_cast %add3A_943 : i32 to index
        %swap3A_955 = arith.constant 0 : index
        %swap3A_956 = tpu.vector_load %arg17[%swap3A_954, %swap3A_955] {strides = array<i32>} : memref<112x128xf32, #tpu.memory_space<vmem>>, vector<16xf32>,
        tpu.vector_store %arg17[%swap3A_954, %swap3A_955], %mul3A_953 {strides = array<i32>} : memref<112x128xf32, #tpu.memory_space<vmem>>, vector<16xf32>,
        %get3A_957 = arith.index_cast %add3A_943 : i32 to index
        %get3A_958 = arith.constant 16 : index
        %get3A_959 = tpu.vector_load %arg17[%get3A_957, %get3A_958] {strides = array<i32>} : memref<112x128xf32, #tpu.memory_space<vmem>>, vector<16xf32>,
        %mul3A_960 = arith.mulf %get3A_959, %gather3A_949 : vector<16xf32>
        %swap3A_961 = arith.index_cast %add3A_943 : i32 to index
        %swap3A_962 = arith.constant 16 : index
        %swap3A_963 = tpu.vector_load %arg17[%swap3A_961, %swap3A_962] {strides = array<i32>} : memref<112x128xf32, #tpu.memory_space<vmem>>, vector<16xf32>,
        tpu.vector_store %arg17[%swap3A_961, %swap3A_962], %mul3A_960 {strides = array<i32>} : memref<112x128xf32, #tpu.memory_space<vmem>>, vector<16xf32>,
        %broadcast_in_dim3A_964 = vector.shape_cast %add3A_6 : vector<16xi32> to vector<16x1xi32>
        %gather3A_965 = vector.shape_cast %broadcast_in_dim3A_964 : vector<16x1xi32> to vector<16xi32>
        %gather3A_966 = tpu.dynamic_gather %get3A_946[%gather3A_965] in [0] : vector<16xf32>, vector<16xi32> -> vector<16xf32>
        %get3A_967 = arith.index_cast %add3A_943 : i32 to index
        %get3A_968 = arith.constant 32 : index
        %get3A_969 = tpu.vector_load %arg17[%get3A_967, %get3A_968] {strides = array<i32>} : memref<112x128xf32, #tpu.memory_space<vmem>>, vector<16xf32>,
        %mul3A_970 = arith.mulf %get3A_969, %gather3A_966 : vector<16xf32>
        %swap3A_971 = arith.index_cast %add3A_943 : i32 to index
        %swap3A_972 = arith.constant 32 : index
        %swap3A_973 = tpu.vector_load %arg17[%swap3A_971, %swap3A_972] {strides = array<i32>} : memref<112x128xf32, #tpu.memory_space<vmem>>, vector<16xf32>,
        tpu.vector_store %arg17[%swap3A_971, %swap3A_972], %mul3A_970 {strides = array<i32>} : memref<112x128xf32, #tpu.memory_space<vmem>>, vector<16xf32>,
        %get3A_974 = arith.index_cast %add3A_943 : i32 to index
        %get3A_975 = arith.constant 48 : index
        %get3A_976 = tpu.vector_load %arg17[%get3A_974, %get3A_975] {strides = array<i32>} : memref<112x128xf32, #tpu.memory_space<vmem>>, vector<16xf32>,
        %mul3A_977 = arith.mulf %get3A_976, %gather3A_966 : vector<16xf32>
        %swap3A_978 = arith.index_cast %add3A_943 : i32 to index
        %swap3A_979 = arith.constant 48 : index
        %swap3A_980 = tpu.vector_load %arg17[%swap3A_978, %swap3A_979] {strides = array<i32>} : memref<112x128xf32, #tpu.memory_space<vmem>>, vector<16xf32>,
        tpu.vector_store %arg17[%swap3A_978, %swap3A_979], %mul3A_977 {strides = array<i32>} : memref<112x128xf32, #tpu.memory_space<vmem>>, vector<16xf32>,
        %broadcast_in_dim3A_981 = vector.shape_cast %add3A_9 : vector<16xi32> to vector<16x1xi32>
        %gather3A_982 = vector.shape_cast %broadcast_in_dim3A_981 : vector<16x1xi32> to vector<16xi32>
        %gather3A_983 = tpu.dynamic_gather %get3A_946[%gather3A_982] in [0] : vector<16xf32>, vector<16xi32> -> vector<16xf32>
        %get3A_984 = arith.index_cast %add3A_943 : i32 to index
        %get3A_985 = arith.constant 64 : index
        %get3A_986 = tpu.vector_load %arg17[%get3A_984, %get3A_985] {strides = array<i32>} : memref<112x128xf32, #tpu.memory_space<vmem>>, vector<16xf32>,
        %mul3A_987 = arith.mulf %get3A_986, %gather3A_983 : vector<16xf32>
        %swap3A_988 = arith.index_cast %add3A_943 : i32 to index
        %swap3A_989 = arith.constant 64 : index
        %swap3A_990 = tpu.vector_load %arg17[%swap3A_988, %swap3A_989] {strides = array<i32>} : memref<112x128xf32, #tpu.memory_space<vmem>>, vector<16xf32>,
        tpu.vector_store %arg17[%swap3A_988, %swap3A_989], %mul3A_987 {strides = array<i32>} : memref<112x128xf32, #tpu.memory_space<vmem>>, vector<16xf32>,
        %get3A_991 = arith.index_cast %add3A_943 : i32 to index
        %get3A_992 = arith.constant 80 : index
        %get3A_993 = tpu.vector_load %arg17[%get3A_991, %get3A_992] {strides = array<i32>} : memref<112x128xf32, #tpu.memory_space<vmem>>, vector<16xf32>,
        %mul3A_994 = arith.mulf %get3A_993, %gather3A_983 : vector<16xf32>
        %swap3A_995 = arith.index_cast %add3A_943 : i32 to index
        %swap3A_996 = arith.constant 80 : index
        %swap3A_997 = tpu.vector_load %arg17[%swap3A_995, %swap3A_996] {strides = array<i32>} : memref<112x128xf32, #tpu.memory_space<vmem>>, vector<16xf32>,
        tpu.vector_store %arg17[%swap3A_995, %swap3A_996], %mul3A_994 {strides = array<i32>} : memref<112x128xf32, #tpu.memory_space<vmem>>, vector<16xf32>,
        %broadcast_in_dim3A_998 = vector.shape_cast %add3A_12 : vector<16xi32> to vector<16x1xi32>
        %gather3A_999 = vector.shape_cast %broadcast_in_dim3A_998 : vector<16x1xi32> to vector<16xi32>
        %gather3A_1000 = tpu.dynamic_gather %get3A_946[%gather3A_999] in [0] : vector<16xf32>, vector<16xi32> -> vector<16xf32>
        %get3A_1001 = arith.index_cast %add3A_943 : i32 to index
        %get3A_1002 = arith.constant 96 : index
        %get3A_1003 = tpu.vector_load %arg17[%get3A_1001, %get3A_1002] {strides = array<i32>} : memref<112x128xf32, #tpu.memory_space<vmem>>, vector<16xf32>,
        %mul3A_1004 = arith.mulf %get3A_1003, %gather3A_1000 : vector<16xf32>
        %swap3A_1005 = arith.index_cast %add3A_943 : i32 to index
        %swap3A_1006 = arith.constant 96 : index
        %swap3A_1007 = tpu.vector_load %arg17[%swap3A_1005, %swap3A_1006] {strides = array<i32>} : memref<112x128xf32, #tpu.memory_space<vmem>>, vector<16xf32>,
        tpu.vector_store %arg17[%swap3A_1005, %swap3A_1006], %mul3A_1004 {strides = array<i32>} : memref<112x128xf32, #tpu.memory_space<vmem>>, vector<16xf32>,
        %get3A_1008 = arith.index_cast %add3A_943 : i32 to index
        %get3A_1009 = arith.constant 112 : index
        %get3A_1010 = tpu.vector_load %arg17[%get3A_1008, %get3A_1009] {strides = array<i32>} : memref<112x128xf32, #tpu.memory_space<vmem>>, vector<16xf32>,
        %mul3A_1011 = arith.mulf %get3A_1010, %gather3A_1000 : vector<16xf32>
        %swap3A_1012 = arith.index_cast %add3A_943 : i32 to index
        %swap3A_1013 = arith.constant 112 : index
        %swap3A_1014 = tpu.vector_load %arg17[%swap3A_1012, %swap3A_1013] {strides = array<i32>} : memref<112x128xf32, #tpu.memory_space<vmem>>, vector<16xf32>,
        tpu.vector_store %arg17[%swap3A_1012, %swap3A_1013], %mul3A_1011 {strides = array<i32>} : memref<112x128xf32, #tpu.memory_space<vmem>>, vector<16xf32>,
        %scan3A_1015 = arith.constant 2 : i32
        %scan3A_1016 = arith.addi %scan3A_863, %scan3A_1015 : i32
        %mul3A_1017 = arith.constant 1 : i32
        %mul3A_1018 = arith.muli %scan3A_1016, %mul3A_1017 : i32
        %add3A_1019 = arith.constant 0 : i32
        %add3A_1020 = arith.addi %add3A_1019, %mul3A_1018 : i32
        %get3A_1021 = arith.index_cast %add3A_1020 : i32 to index
        %get3A_1022 = arith.constant 0 : index
        %get3A_1023 = tpu.vector_load %arg23[%get3A_1021, %get3A_1022] {strides = array<i32>} : memref<112x16xf32, #tpu.memory_space<vmem>>, vector<16xf32>,
        %broadcast_in_dim3A_1024 = vector.shape_cast %add3A_3 : vector<16xi32> to vector<16x1xi32>
        %gather3A_1025 = vector.shape_cast %broadcast_in_dim3A_1024 : vector<16x1xi32> to vector<16xi32>
        %gather3A_1026 = tpu.dynamic_gather %get3A_1023[%gather3A_1025] in [0] : vector<16xf32>, vector<16xi32> -> vector<16xf32>
        %get3A_1027 = arith.index_cast %add3A_1020 : i32 to index
        %get3A_1028 = arith.constant 0 : index
        %get3A_1029 = tpu.vector_load %arg17[%get3A_1027, %get3A_1028] {strides = array<i32>} : memref<112x128xf32, #tpu.memory_space<vmem>>, vector<16xf32>,
        %mul3A_1030 = arith.mulf %get3A_1029, %gather3A_1026 : vector<16xf32>
        %swap3A_1031 = arith.index_cast %add3A_1020 : i32 to index
        %swap3A_1032 = arith.constant 0 : index
        %swap3A_1033 = tpu.vector_load %arg17[%swap3A_1031, %swap3A_1032] {strides = array<i32>} : memref<112x128xf32, #tpu.memory_space<vmem>>, vector<16xf32>,
        tpu.vector_store %arg17[%swap3A_1031, %swap3A_1032], %mul3A_1030 {strides = array<i32>} : memref<112x128xf32, #tpu.memory_space<vmem>>, vector<16xf32>,
        %get3A_1034 = arith.index_cast %add3A_1020 : i32 to index
        %get3A_1035 = arith.constant 16 : index
        %get3A_1036 = tpu.vector_load %arg17[%get3A_1034, %get3A_1035] {strides = array<i32>} : memref<112x128xf32, #tpu.memory_space<vmem>>, vector<16xf32>,
        %mul3A_1037 = arith.mulf %get3A_1036, %gather3A_1026 : vector<16xf32>
        %swap3A_1038 = arith.index_cast %add3A_1020 : i32 to index
        %swap3A_1039 = arith.constant 16 : index
        %swap3A_1040 = tpu.vector_load %arg17[%swap3A_1038, %swap3A_1039] {strides = array<i32>} : memref<112x128xf32, #tpu.memory_space<vmem>>, vector<16xf32>,
        tpu.vector_store %arg17[%swap3A_1038, %swap3A_1039], %mul3A_1037 {strides = array<i32>} : memref<112x128xf32, #tpu.memory_space<vmem>>, vector<16xf32>,
        %broadcast_in_dim3A_1041 = vector.shape_cast %add3A_6 : vector<16xi32> to vector<16x1xi32>
        %gather3A_1042 = vector.shape_cast %broadcast_in_dim3A_1041 : vector<16x1xi32> to vector<16xi32>
        %gather3A_1043 = tpu.dynamic_gather %get3A_1023[%gather3A_1042] in [0] : vector<16xf32>, vector<16xi32> -> vector<16xf32>
        %get3A_1044 = arith.index_cast %add3A_1020 : i32 to index
        %get3A_1045 = arith.constant 32 : index
        %get3A_1046 = tpu.vector_load %arg17[%get3A_1044, %get3A_1045] {strides = array<i32>} : memref<112x128xf32, #tpu.memory_space<vmem>>, vector<16xf32>,
        %mul3A_1047 = arith.mulf %get3A_1046, %gather3A_1043 : vector<16xf32>
        %swap3A_1048 = arith.index_cast %add3A_1020 : i32 to index
        %swap3A_1049 = arith.constant 32 : index
        %swap3A_1050 = tpu.vector_load %arg17[%swap3A_1048, %swap3A_1049] {strides = array<i32>} : memref<112x128xf32, #tpu.memory_space<vmem>>, vector<16xf32>,
        tpu.vector_store %arg17[%swap3A_1048, %swap3A_1049], %mul3A_1047 {strides = array<i32>} : memref<112x128xf32, #tpu.memory_space<vmem>>, vector<16xf32>,
        %get3A_1051 = arith.index_cast %add3A_1020 : i32 to index
        %get3A_1052 = arith.constant 48 : index
        %get3A_1053 = tpu.vector_load %arg17[%get3A_1051, %get3A_1052] {strides = array<i32>} : memref<112x128xf32, #tpu.memory_space<vmem>>, vector<16xf32>,
        %mul3A_1054 = arith.mulf %get3A_1053, %gather3A_1043 : vector<16xf32>
        %swap3A_1055 = arith.index_cast %add3A_1020 : i32 to index
        %swap3A_1056 = arith.constant 48 : index
        %swap3A_1057 = tpu.vector_load %arg17[%swap3A_1055, %swap3A_1056] {strides = array<i32>} : memref<112x128xf32, #tpu.memory_space<vmem>>, vector<16xf32>,
        tpu.vector_store %arg17[%swap3A_1055, %swap3A_1056], %mul3A_1054 {strides = array<i32>} : memref<112x128xf32, #tpu.memory_space<vmem>>, vector<16xf32>,
        %broadcast_in_dim3A_1058 = vector.shape_cast %add3A_9 : vector<16xi32> to vector<16x1xi32>
        %gather3A_1059 = vector.shape_cast %broadcast_in_dim3A_1058 : vector<16x1xi32> to vector<16xi32>
        %gather3A_1060 = tpu.dynamic_gather %get3A_1023[%gather3A_1059] in [0] : vector<16xf32>, vector<16xi32> -> vector<16xf32>
        %get3A_1061 = arith.index_cast %add3A_1020 : i32 to index
        %get3A_1062 = arith.constant 64 : index
        %get3A_1063 = tpu.vector_load %arg17[%get3A_1061, %get3A_1062] {strides = array<i32>} : memref<112x128xf32, #tpu.memory_space<vmem>>, vector<16xf32>,
        %mul3A_1064 = arith.mulf %get3A_1063, %gather3A_1060 : vector<16xf32>
        %swap3A_1065 = arith.index_cast %add3A_1020 : i32 to index
        %swap3A_1066 = arith.constant 64 : index
        %swap3A_1067 = tpu.vector_load %arg17[%swap3A_1065, %swap3A_1066] {strides = array<i32>} : memref<112x128xf32, #tpu.memory_space<vmem>>, vector<16xf32>,
        tpu.vector_store %arg17[%swap3A_1065, %swap3A_1066], %mul3A_1064 {strides = array<i32>} : memref<112x128xf32, #tpu.memory_space<vmem>>, vector<16xf32>,
        %get3A_1068 = arith.index_cast %add3A_1020 : i32 to index
        %get3A_1069 = arith.constant 80 : index
        %get3A_1070 = tpu.vector_load %arg17[%get3A_1068, %get3A_1069] {strides = array<i32>} : memref<112x128xf32, #tpu.memory_space<vmem>>, vector<16xf32>,
        %mul3A_1071 = arith.mulf %get3A_1070, %gather3A_1060 : vector<16xf32>
        %swap3A_1072 = arith.index_cast %add3A_1020 : i32 to index
        %swap3A_1073 = arith.constant 80 : index
        %swap3A_1074 = tpu.vector_load %arg17[%swap3A_1072, %swap3A_1073] {strides = array<i32>} : memref<112x128xf32, #tpu.memory_space<vmem>>, vector<16xf32>,
        tpu.vector_store %arg17[%swap3A_1072, %swap3A_1073], %mul3A_1071 {strides = array<i32>} : memref<112x128xf32, #tpu.memory_space<vmem>>, vector<16xf32>,
        %broadcast_in_dim3A_1075 = vector.shape_cast %add3A_12 : vector<16xi32> to vector<16x1xi32>
        %gather3A_1076 = vector.shape_cast %broadcast_in_dim3A_1075 : vector<16x1xi32> to vector<16xi32>
        %gather3A_1077 = tpu.dynamic_gather %get3A_1023[%gather3A_1076] in [0] : vector<16xf32>, vector<16xi32> -> vector<16xf32>
        %get3A_1078 = arith.index_cast %add3A_1020 : i32 to index
        %get3A_1079 = arith.constant 96 : index
        %get3A_1080 = tpu.vector_load %arg17[%get3A_1078, %get3A_1079] {strides = array<i32>} : memref<112x128xf32, #tpu.memory_space<vmem>>, vector<16xf32>,
        %mul3A_1081 = arith.mulf %get3A_1080, %gather3A_1077 : vector<16xf32>
        %swap3A_1082 = arith.index_cast %add3A_1020 : i32 to index
        %swap3A_1083 = arith.constant 96 : index
        %swap3A_1084 = tpu.vector_load %arg17[%swap3A_1082, %swap3A_1083] {strides = array<i32>} : memref<112x128xf32, #tpu.memory_space<vmem>>, vector<16xf32>,
        tpu.vector_store %arg17[%swap3A_1082, %swap3A_1083], %mul3A_1081 {strides = array<i32>} : memref<112x128xf32, #tpu.memory_space<vmem>>, vector<16xf32>,
        %get3A_1085 = arith.index_cast %add3A_1020 : i32 to index
        %get3A_1086 = arith.constant 112 : index
        %get3A_1087 = tpu.vector_load %arg17[%get3A_1085, %get3A_1086] {strides = array<i32>} : memref<112x128xf32, #tpu.memory_space<vmem>>, vector<16xf32>,
        %mul3A_1088 = arith.mulf %get3A_1087, %gather3A_1077 : vector<16xf32>
        %swap3A_1089 = arith.index_cast %add3A_1020 : i32 to index
        %swap3A_1090 = arith.constant 112 : index
        %swap3A_1091 = tpu.vector_load %arg17[%swap3A_1089, %swap3A_1090] {strides = array<i32>} : memref<112x128xf32, #tpu.memory_space<vmem>>, vector<16xf32>,
        tpu.vector_store %arg17[%swap3A_1089, %swap3A_1090], %mul3A_1088 {strides = array<i32>} : memref<112x128xf32, #tpu.memory_space<vmem>>, vector<16xf32>,
        %scan3A_1092 = arith.constant 3 : i32
        %scan3A_1093 = arith.addi %scan3A_863, %scan3A_1092 : i32
        %mul3A_1094 = arith.constant 1 : i32
        %mul3A_1095 = arith.muli %scan3A_1093, %mul3A_1094 : i32
        %add3A_1096 = arith.constant 0 : i32
        %add3A_1097 = arith.addi %add3A_1096, %mul3A_1095 : i32
        %get3A_1098 = arith.index_cast %add3A_1097 : i32 to index
        %get3A_1099 = arith.constant 0 : index
        %get3A_1100 = tpu.vector_load %arg23[%get3A_1098, %get3A_1099] {strides = array<i32>} : memref<112x16xf32, #tpu.memory_space<vmem>>, vector<16xf32>,
        %broadcast_in_dim3A_1101 = vector.shape_cast %add3A_3 : vector<16xi32> to vector<16x1xi32>
        %gather3A_1102 = vector.shape_cast %broadcast_in_dim3A_1101 : vector<16x1xi32> to vector<16xi32>
        %gather3A_1103 = tpu.dynamic_gather %get3A_1100[%gather3A_1102] in [0] : vector<16xf32>, vector<16xi32> -> vector<16xf32>
        %get3A_1104 = arith.index_cast %add3A_1097 : i32 to index
        %get3A_1105 = arith.constant 0 : index
        %get3A_1106 = tpu.vector_load %arg17[%get3A_1104, %get3A_1105] {strides = array<i32>} : memref<112x128xf32, #tpu.memory_space<vmem>>, vector<16xf32>,
        %mul3A_1107 = arith.mulf %get3A_1106, %gather3A_1103 : vector<16xf32>
        %swap3A_1108 = arith.index_cast %add3A_1097 : i32 to index
        %swap3A_1109 = arith.constant 0 : index
        %swap3A_1110 = tpu.vector_load %arg17[%swap3A_1108, %swap3A_1109] {strides = array<i32>} : memref<112x128xf32, #tpu.memory_space<vmem>>, vector<16xf32>,
        tpu.vector_store %arg17[%swap3A_1108, %swap3A_1109], %mul3A_1107 {strides = array<i32>} : memref<112x128xf32, #tpu.memory_space<vmem>>, vector<16xf32>,
        %get3A_1111 = arith.index_cast %add3A_1097 : i32 to index
        %get3A_1112 = arith.constant 16 : index
        %get3A_1113 = tpu.vector_load %arg17[%get3A_1111, %get3A_1112] {strides = array<i32>} : memref<112x128xf32, #tpu.memory_space<vmem>>, vector<16xf32>,
        %mul3A_1114 = arith.mulf %get3A_1113, %gather3A_1103 : vector<16xf32>
        %swap3A_1115 = arith.index_cast %add3A_1097 : i32 to index
        %swap3A_1116 = arith.constant 16 : index
        %swap3A_1117 = tpu.vector_load %arg17[%swap3A_1115, %swap3A_1116] {strides = array<i32>} : memref<112x128xf32, #tpu.memory_space<vmem>>, vector<16xf32>,
        tpu.vector_store %arg17[%swap3A_1115, %swap3A_1116], %mul3A_1114 {strides = array<i32>} : memref<112x128xf32, #tpu.memory_space<vmem>>, vector<16xf32>,
        %broadcast_in_dim3A_1118 = vector.shape_cast %add3A_6 : vector<16xi32> to vector<16x1xi32>
        %gather3A_1119 = vector.shape_cast %broadcast_in_dim3A_1118 : vector<16x1xi32> to vector<16xi32>
        %gather3A_1120 = tpu.dynamic_gather %get3A_1100[%gather3A_1119] in [0] : vector<16xf32>, vector<16xi32> -> vector<16xf32>
        %get3A_1121 = arith.index_cast %add3A_1097 : i32 to index
        %get3A_1122 = arith.constant 32 : index
        %get3A_1123 = tpu.vector_load %arg17[%get3A_1121, %get3A_1122] {strides = array<i32>} : memref<112x128xf32, #tpu.memory_space<vmem>>, vector<16xf32>,
        %mul3A_1124 = arith.mulf %get3A_1123, %gather3A_1120 : vector<16xf32>
        %swap3A_1125 = arith.index_cast %add3A_1097 : i32 to index
        %swap3A_1126 = arith.constant 32 : index
        %swap3A_1127 = tpu.vector_load %arg17[%swap3A_1125, %swap3A_1126] {strides = array<i32>} : memref<112x128xf32, #tpu.memory_space<vmem>>, vector<16xf32>,
        tpu.vector_store %arg17[%swap3A_1125, %swap3A_1126], %mul3A_1124 {strides = array<i32>} : memref<112x128xf32, #tpu.memory_space<vmem>>, vector<16xf32>,
        %get3A_1128 = arith.index_cast %add3A_1097 : i32 to index
        %get3A_1129 = arith.constant 48 : index
        %get3A_1130 = tpu.vector_load %arg17[%get3A_1128, %get3A_1129] {strides = array<i32>} : memref<112x128xf32, #tpu.memory_space<vmem>>, vector<16xf32>,
        %mul3A_1131 = arith.mulf %get3A_1130, %gather3A_1120 : vector<16xf32>
        %swap3A_1132 = arith.index_cast %add3A_1097 : i32 to index
        %swap3A_1133 = arith.constant 48 : index
        %swap3A_1134 = tpu.vector_load %arg17[%swap3A_1132, %swap3A_1133] {strides = array<i32>} : memref<112x128xf32, #tpu.memory_space<vmem>>, vector<16xf32>,
        tpu.vector_store %arg17[%swap3A_1132, %swap3A_1133], %mul3A_1131 {strides = array<i32>} : memref<112x128xf32, #tpu.memory_space<vmem>>, vector<16xf32>,
        %broadcast_in_dim3A_1135 = vector.shape_cast %add3A_9 : vector<16xi32> to vector<16x1xi32>
        %gather3A_1136 = vector.shape_cast %broadcast_in_dim3A_1135 : vector<16x1xi32> to vector<16xi32>
        %gather3A_1137 = tpu.dynamic_gather %get3A_1100[%gather3A_1136] in [0] : vector<16xf32>, vector<16xi32> -> vector<16xf32>
        %get3A_1138 = arith.index_cast %add3A_1097 : i32 to index
        %get3A_1139 = arith.constant 64 : index
        %get3A_1140 = tpu.vector_load %arg17[%get3A_1138, %get3A_1139] {strides = array<i32>} : memref<112x128xf32, #tpu.memory_space<vmem>>, vector<16xf32>,
        %mul3A_1141 = arith.mulf %get3A_1140, %gather3A_1137 : vector<16xf32>
        %swap3A_1142 = arith.index_cast %add3A_1097 : i32 to index
        %swap3A_1143 = arith.constant 64 : index
        %swap3A_1144 = tpu.vector_load %arg17[%swap3A_1142, %swap3A_1143] {strides = array<i32>} : memref<112x128xf32, #tpu.memory_space<vmem>>, vector<16xf32>,
        tpu.vector_store %arg17[%swap3A_1142, %swap3A_1143], %mul3A_1141 {strides = array<i32>} : memref<112x128xf32, #tpu.memory_space<vmem>>, vector<16xf32>,
        %get3A_1145 = arith.index_cast %add3A_1097 : i32 to index
        %get3A_1146 = arith.constant 80 : index
        %get3A_1147 = tpu.vector_load %arg17[%get3A_1145, %get3A_1146] {strides = array<i32>} : memref<112x128xf32, #tpu.memory_space<vmem>>, vector<16xf32>,
        %mul3A_1148 = arith.mulf %get3A_1147, %gather3A_1137 : vector<16xf32>
        %swap3A_1149 = arith.index_cast %add3A_1097 : i32 to index
        %swap3A_1150 = arith.constant 80 : index
        %swap3A_1151 = tpu.vector_load %arg17[%swap3A_1149, %swap3A_1150] {strides = array<i32>} : memref<112x128xf32, #tpu.memory_space<vmem>>, vector<16xf32>,
        tpu.vector_store %arg17[%swap3A_1149, %swap3A_1150], %mul3A_1148 {strides = array<i32>} : memref<112x128xf32, #tpu.memory_space<vmem>>, vector<16xf32>,
        %broadcast_in_dim3A_1152 = vector.shape_cast %add3A_12 : vector<16xi32> to vector<16x1xi32>
        %gather3A_1153 = vector.shape_cast %broadcast_in_dim3A_1152 : vector<16x1xi32> to vector<16xi32>
        %gather3A_1154 = tpu.dynamic_gather %get3A_1100[%gather3A_1153] in [0] : vector<16xf32>, vector<16xi32> -> vector<16xf32>
        %get3A_1155 = arith.index_cast %add3A_1097 : i32 to index
        %get3A_1156 = arith.constant 96 : index
        %get3A_1157 = tpu.vector_load %arg17[%get3A_1155, %get3A_1156] {strides = array<i32>} : memref<112x128xf32, #tpu.memory_space<vmem>>, vector<16xf32>,
        %mul3A_1158 = arith.mulf %get3A_1157, %gather3A_1154 : vector<16xf32>
        %swap3A_1159 = arith.index_cast %add3A_1097 : i32 to index
        %swap3A_1160 = arith.constant 96 : index
        %swap3A_1161 = tpu.vector_load %arg17[%swap3A_1159, %swap3A_1160] {strides = array<i32>} : memref<112x128xf32, #tpu.memory_space<vmem>>, vector<16xf32>,
        tpu.vector_store %arg17[%swap3A_1159, %swap3A_1160], %mul3A_1158 {strides = array<i32>} : memref<112x128xf32, #tpu.memory_space<vmem>>, vector<16xf32>,
        %get3A_1162 = arith.index_cast %add3A_1097 : i32 to index
        %get3A_1163 = arith.constant 112 : index
        %get3A_1164 = tpu.vector_load %arg17[%get3A_1162, %get3A_1163] {strides = array<i32>} : memref<112x128xf32, #tpu.memory_space<vmem>>, vector<16xf32>,
        %mul3A_1165 = arith.mulf %get3A_1164, %gather3A_1154 : vector<16xf32>
        %swap3A_1166 = arith.index_cast %add3A_1097 : i32 to index
        %swap3A_1167 = arith.constant 112 : index
        %swap3A_1168 = tpu.vector_load %arg17[%swap3A_1166, %swap3A_1167] {strides = array<i32>} : memref<112x128xf32, #tpu.memory_space<vmem>>, vector<16xf32>,
        tpu.vector_store %arg17[%swap3A_1166, %swap3A_1167], %mul3A_1165 {strides = array<i32>} : memref<112x128xf32, #tpu.memory_space<vmem>>, vector<16xf32>,
      }
      %scan3A_516 = arith.constant 112 : i32
      %dma_start3A_517 = arith.constant 1 : i32
      %dma_start3A_518 = arith.constant 0 : i32
      %dma_start3A_519 = tpu.memref_slice %arg15[%dma_start3A_517, %dma_start3A_518] : memref<2x112xi32, #tpu.memory_space<vmem>> -> memref<1x112xi32, #tpu.memory_space<vmem>>
      %dma_start3A_520 = tpu.memref_squeeze %dma_start3A_519 : memref<1x112xi32, #tpu.memory_space<vmem>> -> memref<112xi32, #tpu.memory_space<vmem>>
      %dma_start3A_521 = arith.constant 0 : i32
      %dma_start3A_522 = arith.constant 0 : i32
      %dma_start3A_523 = tpu.memref_slice %arg11[%dma_start3A_521, %dma_start3A_522] : memref<10016x128xf32, #tpu.memory_space<vmem_shared>> -> memref<10016x128xf32, #tpu.memory_space<vmem_shared>>
      tpu.enqueue_indirect_dma source(%arg17 : memref<112x128xf32, #tpu.memory_space<vmem>>) target(%dma_start3A_523 : memref<10016x128xf32, #tpu.memory_space<vmem_shared>>) offsets(%dma_start3A_520 : memref<112xi32, #tpu.memory_space<vmem>>) semaphore(%arg29 : memref<!tpu.dma_semaphore, #tpu.memory_space<semaphore_mem>>) {add = true}
      %dma_wait3A_524 = arith.constant 0 : i32
      %dma_wait3A_525 = arith.constant 0 : i32
      %dma_wait3A_526 = tpu.memref_slice %arg14[%dma_wait3A_524, %dma_wait3A_525] : memref<2x112xi32, #tpu.memory_space<vmem>> -> memref<1x112xi32, #tpu.memory_space<vmem>>
      %dma_wait3A_527 = tpu.memref_squeeze %dma_wait3A_526 : memref<1x112xi32, #tpu.memory_space<vmem>> -> memref<112xi32, #tpu.memory_space<vmem>>
      %dma_wait3A_528 = arith.constant 0 : i32
      %dma_wait3A_529 = arith.constant 0 : i32
      %dma_wait3A_530 = tpu.memref_slice %arg2[%dma_wait3A_528, %dma_wait3A_529] : memref<10000x128xf32, #tpu.memory_space<hbm>> -> memref<10000x128xf32, #tpu.memory_space<hbm>>
      tpu.wait_indirect_dma semaphore(%arg28 : memref<!tpu.dma_semaphore, #tpu.memory_space<semaphore_mem>>) src(%dma_wait3A_530 : memref<10000x128xf32, #tpu.memory_space<hbm>>) dst(%arg18 : memref<112x128xf32, #tpu.memory_space<vmem>>)
      %dma_wait3A_531 = arith.constant 0 : i32
      %dma_wait3A_532 = arith.constant 0 : i32
      %dma_wait3A_533 = tpu.memref_slice %arg14[%dma_wait3A_531, %dma_wait3A_532] : memref<2x112xi32, #tpu.memory_space<vmem>> -> memref<1x112xi32, #tpu.memory_space<vmem>>
      %dma_wait3A_534 = tpu.memref_squeeze %dma_wait3A_533 : memref<1x112xi32, #tpu.memory_space<vmem>> -> memref<112xi32, #tpu.memory_space<vmem>>
      %dma_wait3A_535 = arith.constant 0 : i32
      %dma_wait3A_536 = arith.constant 0 : i32
      %dma_wait3A_537 = tpu.memref_slice %arg3[%dma_wait3A_535, %dma_wait3A_536] : memref<10000x16xf32, #tpu.memory_space<hbm>> -> memref<10000x16xf32, #tpu.memory_space<hbm>>
      tpu.wait_indirect_dma semaphore(%arg28 : memref<!tpu.dma_semaphore, #tpu.memory_space<semaphore_mem>>) src(%dma_wait3A_537 : memref<10000x16xf32, #tpu.memory_space<hbm>>) dst(%arg20 : memref<112x16xf32, #tpu.memory_space<vmem>>)
      %dma_wait3A_538 = arith.constant 1 : i32
      %dma_wait3A_539 = arith.constant 0 : i32
      %dma_wait3A_540 = tpu.memref_slice %arg14[%dma_wait3A_538, %dma_wait3A_539] : memref<2x112xi32, #tpu.memory_space<vmem>> -> memref<1x112xi32, #tpu.memory_space<vmem>>
      %dma_wait3A_541 = tpu.memref_squeeze %dma_wait3A_540 : memref<1x112xi32, #tpu.memory_space<vmem>> -> memref<112xi32, #tpu.memory_space<vmem>>
      %dma_wait3A_542 = arith.constant 0 : i32
      %dma_wait3A_543 = arith.constant 0 : i32
      %dma_wait3A_544 = tpu.memref_slice %arg4[%dma_wait3A_542, %dma_wait3A_543] : memref<10000x16xf32, #tpu.memory_space<hbm>> -> memref<10000x16xf32, #tpu.memory_space<hbm>>
      tpu.wait_indirect_dma semaphore(%arg28 : memref<!tpu.dma_semaphore, #tpu.memory_space<semaphore_mem>>) src(%dma_wait3A_544 : memref<10000x16xf32, #tpu.memory_space<hbm>>) dst(%arg22 : memref<112x16xf32, #tpu.memory_space<vmem>>)
      %get3A_545 = arith.constant 1 : i32
      %get3A_546 = arith.index_cast %get3A_545 : i32 to index
      %get3A_547 = arith.constant 0 : index
      %get3A_548 = tpu.vector_load %arg14[%get3A_546, %get3A_547] {strides = array<i32>} : memref<2x112xi32, #tpu.memory_space<vmem>>, vector<16xi32>,
      %swap3A_549 = arith.constant 1 : i32
      %swap3A_550 = arith.index_cast %swap3A_549 : i32 to index
      %swap3A_551 = arith.constant 0 : index
      %swap3A_552 = tpu.vector_load %arg16[%swap3A_550, %swap3A_551] {strides = array<i32>} : memref<2x112xi32, #tpu.memory_space<vmem>>, vector<16xi32>,
      tpu.vector_store %arg16[%swap3A_550, %swap3A_551], %get3A_548 {strides = array<i32>} : memref<2x112xi32, #tpu.memory_space<vmem>>, vector<16xi32>,
      %get3A_553 = arith.constant 1 : i32
      %get3A_554 = arith.index_cast %get3A_553 : i32 to index
      %get3A_555 = arith.constant 16 : index
      %get3A_556 = tpu.vector_load %arg14[%get3A_554, %get3A_555] {strides = array<i32>} : memref<2x112xi32, #tpu.memory_space<vmem>>, vector<16xi32>,
      %swap3A_557 = arith.constant 1 : i32
      %swap3A_558 = arith.index_cast %swap3A_557 : i32 to index
      %swap3A_559 = arith.constant 16 : index
      %swap3A_560 = tpu.vector_load %arg16[%swap3A_558, %swap3A_559] {strides = array<i32>} : memref<2x112xi32, #tpu.memory_space<vmem>>, vector<16xi32>,
      tpu.vector_store %arg16[%swap3A_558, %swap3A_559], %get3A_556 {strides = array<i32>} : memref<2x112xi32, #tpu.memory_space<vmem>>, vector<16xi32>,
      %get3A_561 = arith.constant 1 : i32
      %get3A_562 = arith.index_cast %get3A_561 : i32 to index
      %get3A_563 = arith.constant 32 : index
      %get3A_564 = tpu.vector_load %arg14[%get3A_562, %get3A_563] {strides = array<i32>} : memref<2x112xi32, #tpu.memory_space<vmem>>, vector<16xi32>,
      %swap3A_565 = arith.constant 1 : i32
      %swap3A_566 = arith.index_cast %swap3A_565 : i32 to index
      %swap3A_567 = arith.constant 32 : index
      %swap3A_568 = tpu.vector_load %arg16[%swap3A_566, %swap3A_567] {strides = array<i32>} : memref<2x112xi32, #tpu.memory_space<vmem>>, vector<16xi32>,
      tpu.vector_store %arg16[%swap3A_566, %swap3A_567], %get3A_564 {strides = array<i32>} : memref<2x112xi32, #tpu.memory_space<vmem>>, vector<16xi32>,
      %get3A_569 = arith.constant 1 : i32
      %get3A_570 = arith.index_cast %get3A_569 : i32 to index
      %get3A_571 = arith.constant 48 : index
      %get3A_572 = tpu.vector_load %arg14[%get3A_570, %get3A_571] {strides = array<i32>} : memref<2x112xi32, #tpu.memory_space<vmem>>, vector<16xi32>,
      %swap3A_573 = arith.constant 1 : i32
      %swap3A_574 = arith.index_cast %swap3A_573 : i32 to index
      %swap3A_575 = arith.constant 48 : index
      %swap3A_576 = tpu.vector_load %arg16[%swap3A_574, %swap3A_575] {strides = array<i32>} : memref<2x112xi32, #tpu.memory_space<vmem>>, vector<16xi32>,
      tpu.vector_store %arg16[%swap3A_574, %swap3A_575], %get3A_572 {strides = array<i32>} : memref<2x112xi32, #tpu.memory_space<vmem>>, vector<16xi32>,
      %get3A_577 = arith.constant 1 : i32
      %get3A_578 = arith.index_cast %get3A_577 : i32 to index
      %get3A_579 = arith.constant 64 : index
      %get3A_580 = tpu.vector_load %arg14[%get3A_578, %get3A_579] {strides = array<i32>} : memref<2x112xi32, #tpu.memory_space<vmem>>, vector<16xi32>,
      %swap3A_581 = arith.constant 1 : i32
      %swap3A_582 = arith.index_cast %swap3A_581 : i32 to index
      %swap3A_583 = arith.constant 64 : index
      %swap3A_584 = tpu.vector_load %arg16[%swap3A_582, %swap3A_583] {strides = array<i32>} : memref<2x112xi32, #tpu.memory_space<vmem>>, vector<16xi32>,
      tpu.vector_store %arg16[%swap3A_582, %swap3A_583], %get3A_580 {strides = array<i32>} : memref<2x112xi32, #tpu.memory_space<vmem>>, vector<16xi32>,
      %get3A_585 = arith.constant 1 : i32
      %get3A_586 = arith.index_cast %get3A_585 : i32 to index
      %get3A_587 = arith.constant 80 : index
      %get3A_588 = tpu.vector_load %arg14[%get3A_586, %get3A_587] {strides = array<i32>} : memref<2x112xi32, #tpu.memory_space<vmem>>, vector<16xi32>,
      %swap3A_589 = arith.constant 1 : i32
      %swap3A_590 = arith.index_cast %swap3A_589 : i32 to index
      %swap3A_591 = arith.constant 80 : index
      %swap3A_592 = tpu.vector_load %arg16[%swap3A_590, %swap3A_591] {strides = array<i32>} : memref<2x112xi32, #tpu.memory_space<vmem>>, vector<16xi32>,
      tpu.vector_store %arg16[%swap3A_590, %swap3A_591], %get3A_588 {strides = array<i32>} : memref<2x112xi32, #tpu.memory_space<vmem>>, vector<16xi32>,
      %get3A_593 = arith.constant 1 : i32
      %get3A_594 = arith.index_cast %get3A_593 : i32 to index
      %get3A_595 = arith.constant 96 : index
      %get3A_596 = tpu.vector_load %arg14[%get3A_594, %get3A_595] {strides = array<i32>} : memref<2x112xi32, #tpu.memory_space<vmem>>, vector<16xi32>,
      %swap3A_597 = arith.constant 1 : i32
      %swap3A_598 = arith.index_cast %swap3A_597 : i32 to index
      %swap3A_599 = arith.constant 96 : index
      %swap3A_600 = tpu.vector_load %arg16[%swap3A_598, %swap3A_599] {strides = array<i32>} : memref<2x112xi32, #tpu.memory_space<vmem>>, vector<16xi32>,
      tpu.vector_store %arg16[%swap3A_598, %swap3A_599], %get3A_596 {strides = array<i32>} : memref<2x112xi32, #tpu.memory_space<vmem>>, vector<16xi32>,
      %dma_wait3A_601 = arith.constant 1 : i32
      %dma_wait3A_602 = arith.constant 0 : i32
      %dma_wait3A_603 = tpu.memref_slice %arg15[%dma_wait3A_601, %dma_wait3A_602] : memref<2x112xi32, #tpu.memory_space<vmem>> -> memref<1x112xi32, #tpu.memory_space<vmem>>
      %dma_wait3A_604 = tpu.memref_squeeze %dma_wait3A_603 : memref<1x112xi32, #tpu.memory_space<vmem>> -> memref<112xi32, #tpu.memory_space<vmem>>
      %dma_wait3A_605 = arith.constant 0 : i32
      %dma_wait3A_606 = arith.constant 0 : i32
      %dma_wait3A_607 = tpu.memref_slice %arg12[%dma_wait3A_605, %dma_wait3A_606] : memref<10016x16xf32, #tpu.memory_space<vmem_shared>> -> memref<10016x16xf32, #tpu.memory_space<vmem_shared>>
      tpu.wait_indirect_dma semaphore(%arg29 : memref<!tpu.dma_semaphore, #tpu.memory_space<semaphore_mem>>) src(%arg23 : memref<112x16xf32, #tpu.memory_space<vmem>>) dst(%dma_wait3A_607 : memref<10016x16xf32, #tpu.memory_space<vmem_shared>>)
      %dma_wait3A_608 = arith.constant 1 : i32
      %dma_wait3A_609 = arith.constant 0 : i32
      %dma_wait3A_610 = tpu.memref_slice %arg15[%dma_wait3A_608, %dma_wait3A_609] : memref<2x112xi32, #tpu.memory_space<vmem>> -> memref<1x112xi32, #tpu.memory_space<vmem>>
      %dma_wait3A_611 = tpu.memref_squeeze %dma_wait3A_610 : memref<1x112xi32, #tpu.memory_space<vmem>> -> memref<112xi32, #tpu.memory_space<vmem>>
      %dma_wait3A_612 = arith.constant 0 : i32
      %dma_wait3A_613 = arith.constant 0 : i32
      %dma_wait3A_614 = tpu.memref_slice %arg11[%dma_wait3A_612, %dma_wait3A_613] : memref<10016x128xf32, #tpu.memory_space<vmem_shared>> -> memref<10016x128xf32, #tpu.memory_space<vmem_shared>>
      tpu.wait_indirect_dma semaphore(%arg29 : memref<!tpu.dma_semaphore, #tpu.memory_space<semaphore_mem>>) src(%arg17 : memref<112x128xf32, #tpu.memory_space<vmem>>) dst(%dma_wait3A_614 : memref<10016x128xf32, #tpu.memory_space<vmem_shared>>)
      %lt3A_615 = arith.constant 44 : i32
      %lt3A_616 = arith.cmpi slt, %add3A_157, %lt3A_615 : i32
      %convert_element_type3A_617 = arith.extui %lt3A_616 : i1 to i32
      %cond3A_618 = arith.constant 0 : i32
      %cond3A_619 = arith.cmpi ne, %convert_element_type3A_617, %cond3A_618 : i32
      scf.if %cond3A_619 {
        %dma_wait3A_863 = arith.constant 0 : i32
        %dma_wait3A_864 = arith.constant 0 : i32
        %dma_wait3A_865 = tpu.memref_slice %arg13[%dma_wait3A_863, %dma_wait3A_864] : memref<2x112xi32, #tpu.memory_space<vmem>> -> memref<1x112xi32, #tpu.memory_space<vmem>>
        %dma_wait3A_866 = tpu.memref_squeeze %dma_wait3A_865 : memref<1x112xi32, #tpu.memory_space<vmem>> -> memref<112xi32, #tpu.memory_space<vmem>>
        %dma_wait3A_867 = arith.constant 0 : i32
        %dma_wait3A_868 = tpu.memref_slice %arg5[%dma_wait3A_867] : memref<322560xi32, #tpu.memory_space<hbm>> -> memref<112xi32, #tpu.memory_space<hbm>>
        %dma_wait3A_869 = arith.constant 0 : i32
        %dma_wait3A_870 = tpu.memref_slice %arg13[%dma_wait3A_863, %dma_wait3A_869] : memref<2x112xi32, #tpu.memory_space<vmem>> -> memref<1x112xi32, #tpu.memory_space<vmem>>
        %dma_wait3A_871 = tpu.memref_squeeze %dma_wait3A_870 : memref<1x112xi32, #tpu.memory_space<vmem>> -> memref<112xi32, #tpu.memory_space<vmem>>
        %dma_wait3A_872 = arith.constant 0 : i32
        %dma_wait3A_873 = tpu.memref_slice %arg5[%dma_wait3A_872] : memref<322560xi32, #tpu.memory_space<hbm>> -> memref<112xi32, #tpu.memory_space<hbm>>
        tpu.wait_dma2 semaphore(%arg25 : memref<!tpu.dma_semaphore, #tpu.memory_space<semaphore_mem>>) src(%dma_wait3A_873 : memref<112xi32, #tpu.memory_space<hbm>>) dst(%dma_wait3A_871 : memref<112xi32, #tpu.memory_space<vmem>>)
        %dma_wait3A_874 = arith.constant 1 : i32
        %dma_wait3A_875 = arith.constant 0 : i32
        %dma_wait3A_876 = tpu.memref_slice %arg13[%dma_wait3A_874, %dma_wait3A_875] : memref<2x112xi32, #tpu.memory_space<vmem>> -> memref<1x112xi32, #tpu.memory_space<vmem>>
        %dma_wait3A_877 = tpu.memref_squeeze %dma_wait3A_876 : memref<1x112xi32, #tpu.memory_space<vmem>> -> memref<112xi32, #tpu.memory_space<vmem>>
        %dma_wait3A_878 = arith.constant 0 : i32
        %dma_wait3A_879 = tpu.memref_slice %arg6[%dma_wait3A_878] : memref<322560xi32, #tpu.memory_space<hbm>> -> memref<112xi32, #tpu.memory_space<hbm>>
        %dma_wait3A_880 = arith.constant 0 : i32
        %dma_wait3A_881 = tpu.memref_slice %arg13[%dma_wait3A_874, %dma_wait3A_880] : memref<2x112xi32, #tpu.memory_space<vmem>> -> memref<1x112xi32, #tpu.memory_space<vmem>>
        %dma_wait3A_882 = tpu.memref_squeeze %dma_wait3A_881 : memref<1x112xi32, #tpu.memory_space<vmem>> -> memref<112xi32, #tpu.memory_space<vmem>>
        %dma_wait3A_883 = arith.constant 0 : i32
        %dma_wait3A_884 = tpu.memref_slice %arg6[%dma_wait3A_883] : memref<322560xi32, #tpu.memory_space<hbm>> -> memref<112xi32, #tpu.memory_space<hbm>>
        tpu.wait_dma2 semaphore(%arg25 : memref<!tpu.dma_semaphore, #tpu.memory_space<semaphore_mem>>) src(%dma_wait3A_884 : memref<112xi32, #tpu.memory_space<hbm>>) dst(%dma_wait3A_882 : memref<112xi32, #tpu.memory_space<vmem>>)
        %dma_start3A_885 = arith.constant 0 : i32
        %dma_start3A_886 = arith.constant 0 : i32
        %dma_start3A_887 = tpu.memref_slice %arg13[%dma_start3A_885, %dma_start3A_886] : memref<2x112xi32, #tpu.memory_space<vmem>> -> memref<1x112xi32, #tpu.memory_space<vmem>>
        %dma_start3A_888 = tpu.memref_squeeze %dma_start3A_887 : memref<1x112xi32, #tpu.memory_space<vmem>> -> memref<112xi32, #tpu.memory_space<vmem>>
        %dma_start3A_889 = arith.constant 0 : i32
        %dma_start3A_890 = arith.constant 0 : i32
        %dma_start3A_891 = tpu.memref_slice %arg2[%dma_start3A_889, %dma_start3A_890] : memref<10000x128xf32, #tpu.memory_space<hbm>> -> memref<10000x128xf32, #tpu.memory_space<hbm>>
        tpu.enqueue_indirect_dma source(%dma_start3A_891 : memref<10000x128xf32, #tpu.memory_space<hbm>>) target(%arg17 : memref<112x128xf32, #tpu.memory_space<vmem>>) offsets(%dma_start3A_888 : memref<112xi32, #tpu.memory_space<vmem>>) semaphore(%arg27 : memref<!tpu.dma_semaphore, #tpu.memory_space<semaphore_mem>>)
        %dma_start3A_892 = arith.constant 0 : i32
        %dma_start3A_893 = arith.constant 0 : i32
        %dma_start3A_894 = tpu.memref_slice %arg13[%dma_start3A_892, %dma_start3A_893] : memref<2x112xi32, #tpu.memory_space<vmem>> -> memref<1x112xi32, #tpu.memory_space<vmem>>
        %dma_start3A_895 = tpu.memref_squeeze %dma_start3A_894 : memref<1x112xi32, #tpu.memory_space<vmem>> -> memref<112xi32, #tpu.memory_space<vmem>>
        %dma_start3A_896 = arith.constant 0 : i32
        %dma_start3A_897 = arith.constant 0 : i32
        %dma_start3A_898 = tpu.memref_slice %arg3[%dma_start3A_896, %dma_start3A_897] : memref<10000x16xf32, #tpu.memory_space<hbm>> -> memref<10000x16xf32, #tpu.memory_space<hbm>>
        tpu.enqueue_indirect_dma source(%dma_start3A_898 : memref<10000x16xf32, #tpu.memory_space<hbm>>) target(%arg19 : memref<112x16xf32, #tpu.memory_space<vmem>>) offsets(%dma_start3A_895 : memref<112xi32, #tpu.memory_space<vmem>>) semaphore(%arg27 : memref<!tpu.dma_semaphore, #tpu.memory_space<semaphore_mem>>)
        %dma_start3A_899 = arith.constant 1 : i32
        %dma_start3A_900 = arith.constant 0 : i32
        %dma_start3A_901 = tpu.memref_slice %arg13[%dma_start3A_899, %dma_start3A_900] : memref<2x112xi32, #tpu.memory_space<vmem>> -> memref<1x112xi32, #tpu.memory_space<vmem>>
        %dma_start3A_902 = tpu.memref_squeeze %dma_start3A_901 : memref<1x112xi32, #tpu.memory_space<vmem>> -> memref<112xi32, #tpu.memory_space<vmem>>
        %dma_start3A_903 = arith.constant 0 : i32
        %dma_start3A_904 = arith.constant 0 : i32
        %dma_start3A_905 = tpu.memref_slice %arg4[%dma_start3A_903, %dma_start3A_904] : memref<10000x16xf32, #tpu.memory_space<hbm>> -> memref<10000x16xf32, #tpu.memory_space<hbm>>
        tpu.enqueue_indirect_dma source(%dma_start3A_905 : memref<10000x16xf32, #tpu.memory_space<hbm>>) target(%arg21 : memref<112x16xf32, #tpu.memory_space<vmem>>) offsets(%dma_start3A_902 : memref<112xi32, #tpu.memory_space<vmem>>) semaphore(%arg27 : memref<!tpu.dma_semaphore, #tpu.memory_space<semaphore_mem>>)
        %add3A_906 = arith.constant 3 : i32
        %add3A_907 = arith.addi %mul3A_159, %add3A_906 : i32
        %mul3A_908 = arith.constant 112 : i32
        %mul3A_909 = arith.muli %add3A_907, %mul3A_908 : i32
        %add3A_910 = arith.addi %mul3A_52, %mul3A_909 : i32
        %dma_start3A_911 = arith.constant 0 : i32
        %dma_start3A_912 = arith.constant 0 : i32
        %dma_start3A_913 = tpu.memref_slice %arg14[%dma_start3A_911, %dma_start3A_912] : memref<2x112xi32, #tpu.memory_space<vmem>> -> memref<1x112xi32, #tpu.memory_space<vmem>>
        %dma_start3A_914 = tpu.memref_squeeze %dma_start3A_913 : memref<1x112xi32, #tpu.memory_space<vmem>> -> memref<112xi32, #tpu.memory_space<vmem>>
        %dma_start3A_915 = tpu.memref_slice %arg5[%add3A_910] : memref<322560xi32, #tpu.memory_space<hbm>> -> memref<112xi32, #tpu.memory_space<hbm>>
        %dma_start3A_916 = arith.constant 0 : i32
        %dma_start3A_917 = tpu.memref_slice %arg14[%dma_start3A_911, %dma_start3A_916] : memref<2x112xi32, #tpu.memory_space<vmem>> -> memref<1x112xi32, #tpu.memory_space<vmem>>
        %dma_start3A_918 = tpu.memref_squeeze %dma_start3A_917 : memref<1x112xi32, #tpu.memory_space<vmem>> -> memref<112xi32, #tpu.memory_space<vmem>>
        %dma_start3A_919 = tpu.memref_slice %arg5[%add3A_910] : memref<322560xi32, #tpu.memory_space<hbm>> -> memref<112xi32, #tpu.memory_space<hbm>>
        tpu.enqueue_dma source(%dma_start3A_919 : memref<112xi32, #tpu.memory_space<hbm>>) target(%dma_start3A_918 : memref<112xi32, #tpu.memory_space<vmem>>) target_semaphore(%arg26 : memref<!tpu.dma_semaphore, #tpu.memory_space<semaphore_mem>>)
        %dma_start3A_920 = arith.constant 1 : i32
        %dma_start3A_921 = arith.constant 0 : i32
        %dma_start3A_922 = tpu.memref_slice %arg14[%dma_start3A_920, %dma_start3A_921] : memref<2x112xi32, #tpu.memory_space<vmem>> -> memref<1x112xi32, #tpu.memory_space<vmem>>
        %dma_start3A_923 = tpu.memref_squeeze %dma_start3A_922 : memref<1x112xi32, #tpu.memory_space<vmem>> -> memref<112xi32, #tpu.memory_space<vmem>>
        %dma_start3A_924 = tpu.memref_slice %arg6[%add3A_910] : memref<322560xi32, #tpu.memory_space<hbm>> -> memref<112xi32, #tpu.memory_space<hbm>>
        %dma_start3A_925 = arith.constant 0 : i32
        %dma_start3A_926 = tpu.memref_slice %arg14[%dma_start3A_920, %dma_start3A_925] : memref<2x112xi32, #tpu.memory_space<vmem>> -> memref<1x112xi32, #tpu.memory_space<vmem>>
        %dma_start3A_927 = tpu.memref_squeeze %dma_start3A_926 : memref<1x112xi32, #tpu.memory_space<vmem>> -> memref<112xi32, #tpu.memory_space<vmem>>
        %dma_start3A_928 = tpu.memref_slice %arg6[%add3A_910] : memref<322560xi32, #tpu.memory_space<hbm>> -> memref<112xi32, #tpu.memory_space<hbm>>
        tpu.enqueue_dma source(%dma_start3A_928 : memref<112xi32, #tpu.memory_space<hbm>>) target(%dma_start3A_927 : memref<112xi32, #tpu.memory_space<vmem>>) target_semaphore(%arg26 : memref<!tpu.dma_semaphore, #tpu.memory_space<semaphore_mem>>)
      } else {
      }
      %gather3A_620 = tpu.vector_load_idx %arg20[%add3A_27, %add3A_3] : memref<112x16xf32, #tpu.memory_space<vmem>>[vector<16xi32>, vector<16xi32>], vector<16xf32>,
      %gather3A_621 = tpu.vector_load_idx %arg22[%add3A_27, %add3A_3] : memref<112x16xf32, #tpu.memory_space<vmem>>[vector<16xi32>, vector<16xi32>], vector<16xf32>,
      %add3A_622 = arith.addf %gather3A_620, %gather3A_621 : vector<16xf32>
      %mul3A_623 = arith.constant 2.000000e-01 : f32
      %mul3A_624 = vector.broadcast %mul3A_623 : f32 to vector<16xf32>
      %mul3A_625 = arith.mulf %mul3A_624, %add3A_622 : vector<16xf32>
      %max3A_626 = arith.maximumf %add3A_622, %mul3A_625 : vector<16xf32>
      %exp3A_627 = math.exp %max3A_626 : vector<16xf32>
      tpu.vector_store_idx %arg24[%add3A_27, %add3A_3], %exp3A_627 : memref<112x16xf32, #tpu.memory_space<vmem>>[vector<16xi32>, vector<16xi32>], vector<16xf32>,
      %gather3A_628 = tpu.vector_load_idx %arg20[%add3A_27, %add3A_6] : memref<112x16xf32, #tpu.memory_space<vmem>>[vector<16xi32>, vector<16xi32>], vector<16xf32>,
      %gather3A_629 = tpu.vector_load_idx %arg22[%add3A_27, %add3A_6] : memref<112x16xf32, #tpu.memory_space<vmem>>[vector<16xi32>, vector<16xi32>], vector<16xf32>,
      %add3A_630 = arith.addf %gather3A_628, %gather3A_629 : vector<16xf32>
      %mul3A_631 = arith.constant 2.000000e-01 : f32
      %mul3A_632 = vector.broadcast %mul3A_631 : f32 to vector<16xf32>
      %mul3A_633 = arith.mulf %mul3A_632, %add3A_630 : vector<16xf32>
      %max3A_634 = arith.maximumf %add3A_630, %mul3A_633 : vector<16xf32>
      %exp3A_635 = math.exp %max3A_634 : vector<16xf32>
      tpu.vector_store_idx %arg24[%add3A_27, %add3A_6], %exp3A_635 : memref<112x16xf32, #tpu.memory_space<vmem>>[vector<16xi32>, vector<16xi32>], vector<16xf32>,
      %gather3A_636 = tpu.vector_load_idx %arg20[%add3A_27, %add3A_9] : memref<112x16xf32, #tpu.memory_space<vmem>>[vector<16xi32>, vector<16xi32>], vector<16xf32>,
      %gather3A_637 = tpu.vector_load_idx %arg22[%add3A_27, %add3A_9] : memref<112x16xf32, #tpu.memory_space<vmem>>[vector<16xi32>, vector<16xi32>], vector<16xf32>,
      %add3A_638 = arith.addf %gather3A_636, %gather3A_637 : vector<16xf32>
      %mul3A_639 = arith.constant 2.000000e-01 : f32
      %mul3A_640 = vector.broadcast %mul3A_639 : f32 to vector<16xf32>
      %mul3A_641 = arith.mulf %mul3A_640, %add3A_638 : vector<16xf32>
      %max3A_642 = arith.maximumf %add3A_638, %mul3A_641 : vector<16xf32>
      %exp3A_643 = math.exp %max3A_642 : vector<16xf32>
      tpu.vector_store_idx %arg24[%add3A_27, %add3A_9], %exp3A_643 : memref<112x16xf32, #tpu.memory_space<vmem>>[vector<16xi32>, vector<16xi32>], vector<16xf32>,
      %gather3A_644 = tpu.vector_load_idx %arg20[%add3A_27, %add3A_12] : memref<112x16xf32, #tpu.memory_space<vmem>>[vector<16xi32>, vector<16xi32>], vector<16xf32>,
      %gather3A_645 = tpu.vector_load_idx %arg22[%add3A_27, %add3A_12] : memref<112x16xf32, #tpu.memory_space<vmem>>[vector<16xi32>, vector<16xi32>], vector<16xf32>,
      %add3A_646 = arith.addf %gather3A_644, %gather3A_645 : vector<16xf32>
      %mul3A_647 = arith.constant 2.000000e-01 : f32
      %mul3A_648 = vector.broadcast %mul3A_647 : f32 to vector<16xf32>
      %mul3A_649 = arith.mulf %mul3A_648, %add3A_646 : vector<16xf32>
      %max3A_650 = arith.maximumf %add3A_646, %mul3A_649 : vector<16xf32>
      %exp3A_651 = math.exp %max3A_650 : vector<16xf32>
      tpu.vector_store_idx %arg24[%add3A_27, %add3A_12], %exp3A_651 : memref<112x16xf32, #tpu.memory_space<vmem>>[vector<16xi32>, vector<16xi32>], vector<16xf32>,
      %gather3A_652 = tpu.vector_load_idx %arg20[%add3A_30, %add3A_3] : memref<112x16xf32, #tpu.memory_space<vmem>>[vector<16xi32>, vector<16xi32>], vector<16xf32>,
      %gather3A_653 = tpu.vector_load_idx %arg22[%add3A_30, %add3A_3] : memref<112x16xf32, #tpu.memory_space<vmem>>[vector<16xi32>, vector<16xi32>], vector<16xf32>,
      %add3A_654 = arith.addf %gather3A_652, %gather3A_653 : vector<16xf32>
      %mul3A_655 = arith.constant 2.000000e-01 : f32
      %mul3A_656 = vector.broadcast %mul3A_655 : f32 to vector<16xf32>
      %mul3A_657 = arith.mulf %mul3A_656, %add3A_654 : vector<16xf32>
      %max3A_658 = arith.maximumf %add3A_654, %mul3A_657 : vector<16xf32>
      %exp3A_659 = math.exp %max3A_658 : vector<16xf32>
      tpu.vector_store_idx %arg24[%add3A_30, %add3A_3], %exp3A_659 : memref<112x16xf32, #tpu.memory_space<vmem>>[vector<16xi32>, vector<16xi32>], vector<16xf32>,
      %gather3A_660 = tpu.vector_load_idx %arg20[%add3A_30, %add3A_6] : memref<112x16xf32, #tpu.memory_space<vmem>>[vector<16xi32>, vector<16xi32>], vector<16xf32>,
      %gather3A_661 = tpu.vector_load_idx %arg22[%add3A_30, %add3A_6] : memref<112x16xf32, #tpu.memory_space<vmem>>[vector<16xi32>, vector<16xi32>], vector<16xf32>,
      %add3A_662 = arith.addf %gather3A_660, %gather3A_661 : vector<16xf32>
      %mul3A_663 = arith.constant 2.000000e-01 : f32
      %mul3A_664 = vector.broadcast %mul3A_663 : f32 to vector<16xf32>
      %mul3A_665 = arith.mulf %mul3A_664, %add3A_662 : vector<16xf32>
      %max3A_666 = arith.maximumf %add3A_662, %mul3A_665 : vector<16xf32>
      %exp3A_667 = math.exp %max3A_666 : vector<16xf32>
      tpu.vector_store_idx %arg24[%add3A_30, %add3A_6], %exp3A_667 : memref<112x16xf32, #tpu.memory_space<vmem>>[vector<16xi32>, vector<16xi32>], vector<16xf32>,
      %gather3A_668 = tpu.vector_load_idx %arg20[%add3A_30, %add3A_9] : memref<112x16xf32, #tpu.memory_space<vmem>>[vector<16xi32>, vector<16xi32>], vector<16xf32>,
      %gather3A_669 = tpu.vector_load_idx %arg22[%add3A_30, %add3A_9] : memref<112x16xf32, #tpu.memory_space<vmem>>[vector<16xi32>, vector<16xi32>], vector<16xf32>,
      %add3A_670 = arith.addf %gather3A_668, %gather3A_669 : vector<16xf32>
      %mul3A_671 = arith.constant 2.000000e-01 : f32
      %mul3A_672 = vector.broadcast %mul3A_671 : f32 to vector<16xf32>
      %mul3A_673 = arith.mulf %mul3A_672, %add3A_670 : vector<16xf32>
      %max3A_674 = arith.maximumf %add3A_670, %mul3A_673 : vector<16xf32>
      %exp3A_675 = math.exp %max3A_674 : vector<16xf32>
      tpu.vector_store_idx %arg24[%add3A_30, %add3A_9], %exp3A_675 : memref<112x16xf32, #tpu.memory_space<vmem>>[vector<16xi32>, vector<16xi32>], vector<16xf32>,
      %gather3A_676 = tpu.vector_load_idx %arg20[%add3A_30, %add3A_12] : memref<112x16xf32, #tpu.memory_space<vmem>>[vector<16xi32>, vector<16xi32>], vector<16xf32>,
      %gather3A_677 = tpu.vector_load_idx %arg22[%add3A_30, %add3A_12] : memref<112x16xf32, #tpu.memory_space<vmem>>[vector<16xi32>, vector<16xi32>], vector<16xf32>,
      %add3A_678 = arith.addf %gather3A_676, %gather3A_677 : vector<16xf32>
      %mul3A_679 = arith.constant 2.000000e-01 : f32
      %mul3A_680 = vector.broadcast %mul3A_679 : f32 to vector<16xf32>
      %mul3A_681 = arith.mulf %mul3A_680, %add3A_678 : vector<16xf32>
      %max3A_682 = arith.maximumf %add3A_678, %mul3A_681 : vector<16xf32>
      %exp3A_683 = math.exp %max3A_682 : vector<16xf32>
      tpu.vector_store_idx %arg24[%add3A_30, %add3A_12], %exp3A_683 : memref<112x16xf32, #tpu.memory_space<vmem>>[vector<16xi32>, vector<16xi32>], vector<16xf32>,
      %gather3A_684 = tpu.vector_load_idx %arg20[%add3A_33, %add3A_3] : memref<112x16xf32, #tpu.memory_space<vmem>>[vector<16xi32>, vector<16xi32>], vector<16xf32>,
      %gather3A_685 = tpu.vector_load_idx %arg22[%add3A_33, %add3A_3] : memref<112x16xf32, #tpu.memory_space<vmem>>[vector<16xi32>, vector<16xi32>], vector<16xf32>,
      %add3A_686 = arith.addf %gather3A_684, %gather3A_685 : vector<16xf32>
      %mul3A_687 = arith.constant 2.000000e-01 : f32
      %mul3A_688 = vector.broadcast %mul3A_687 : f32 to vector<16xf32>
      %mul3A_689 = arith.mulf %mul3A_688, %add3A_686 : vector<16xf32>
      %max3A_690 = arith.maximumf %add3A_686, %mul3A_689 : vector<16xf32>
      %exp3A_691 = math.exp %max3A_690 : vector<16xf32>
      tpu.vector_store_idx %arg24[%add3A_33, %add3A_3], %exp3A_691 : memref<112x16xf32, #tpu.memory_space<vmem>>[vector<16xi32>, vector<16xi32>], vector<16xf32>,
      %gather3A_692 = tpu.vector_load_idx %arg20[%add3A_33, %add3A_6] : memref<112x16xf32, #tpu.memory_space<vmem>>[vector<16xi32>, vector<16xi32>], vector<16xf32>,
      %gather3A_693 = tpu.vector_load_idx %arg22[%add3A_33, %add3A_6] : memref<112x16xf32, #tpu.memory_space<vmem>>[vector<16xi32>, vector<16xi32>], vector<16xf32>,
      %add3A_694 = arith.addf %gather3A_692, %gather3A_693 : vector<16xf32>
      %mul3A_695 = arith.constant 2.000000e-01 : f32
      %mul3A_696 = vector.broadcast %mul3A_695 : f32 to vector<16xf32>
      %mul3A_697 = arith.mulf %mul3A_696, %add3A_694 : vector<16xf32>
      %max3A_698 = arith.maximumf %add3A_694, %mul3A_697 : vector<16xf32>
      %exp3A_699 = math.exp %max3A_698 : vector<16xf32>
      tpu.vector_store_idx %arg24[%add3A_33, %add3A_6], %exp3A_699 : memref<112x16xf32, #tpu.memory_space<vmem>>[vector<16xi32>, vector<16xi32>], vector<16xf32>,
      %gather3A_700 = tpu.vector_load_idx %arg20[%add3A_33, %add3A_9] : memref<112x16xf32, #tpu.memory_space<vmem>>[vector<16xi32>, vector<16xi32>], vector<16xf32>,
      %gather3A_701 = tpu.vector_load_idx %arg22[%add3A_33, %add3A_9] : memref<112x16xf32, #tpu.memory_space<vmem>>[vector<16xi32>, vector<16xi32>], vector<16xf32>,
      %add3A_702 = arith.addf %gather3A_700, %gather3A_701 : vector<16xf32>
      %mul3A_703 = arith.constant 2.000000e-01 : f32
      %mul3A_704 = vector.broadcast %mul3A_703 : f32 to vector<16xf32>
      %mul3A_705 = arith.mulf %mul3A_704, %add3A_702 : vector<16xf32>
      %max3A_706 = arith.maximumf %add3A_702, %mul3A_705 : vector<16xf32>
      %exp3A_707 = math.exp %max3A_706 : vector<16xf32>
      tpu.vector_store_idx %arg24[%add3A_33, %add3A_9], %exp3A_707 : memref<112x16xf32, #tpu.memory_space<vmem>>[vector<16xi32>, vector<16xi32>], vector<16xf32>,
      %gather3A_708 = tpu.vector_load_idx %arg20[%add3A_33, %add3A_12] : memref<112x16xf32, #tpu.memory_space<vmem>>[vector<16xi32>, vector<16xi32>], vector<16xf32>,
      %gather3A_709 = tpu.vector_load_idx %arg22[%add3A_33, %add3A_12] : memref<112x16xf32, #tpu.memory_space<vmem>>[vector<16xi32>, vector<16xi32>], vector<16xf32>,
      %add3A_710 = arith.addf %gather3A_708, %gather3A_709 : vector<16xf32>
      %mul3A_711 = arith.constant 2.000000e-01 : f32
      %mul3A_712 = vector.broadcast %mul3A_711 : f32 to vector<16xf32>
      %mul3A_713 = arith.mulf %mul3A_712, %add3A_710 : vector<16xf32>
      %max3A_714 = arith.maximumf %add3A_710, %mul3A_713 : vector<16xf32>
      %exp3A_715 = math.exp %max3A_714 : vector<16xf32>
      tpu.vector_store_idx %arg24[%add3A_33, %add3A_12], %exp3A_715 : memref<112x16xf32, #tpu.memory_space<vmem>>[vector<16xi32>, vector<16xi32>], vector<16xf32>,
      %gather3A_716 = tpu.vector_load_idx %arg20[%add3A_36, %add3A_3] : memref<112x16xf32, #tpu.memory_space<vmem>>[vector<16xi32>, vector<16xi32>], vector<16xf32>,
      %gather3A_717 = tpu.vector_load_idx %arg22[%add3A_36, %add3A_3] : memref<112x16xf32, #tpu.memory_space<vmem>>[vector<16xi32>, vector<16xi32>], vector<16xf32>,
      %add3A_718 = arith.addf %gather3A_716, %gather3A_717 : vector<16xf32>
      %mul3A_719 = arith.constant 2.000000e-01 : f32
      %mul3A_720 = vector.broadcast %mul3A_719 : f32 to vector<16xf32>
      %mul3A_721 = arith.mulf %mul3A_720, %add3A_718 : vector<16xf32>
      %max3A_722 = arith.maximumf %add3A_718, %mul3A_721 : vector<16xf32>
      %exp3A_723 = math.exp %max3A_722 : vector<16xf32>
      tpu.vector_store_idx %arg24[%add3A_36, %add3A_3], %exp3A_723 : memref<112x16xf32, #tpu.memory_space<vmem>>[vector<16xi32>, vector<16xi32>], vector<16xf32>,
      %gather3A_724 = tpu.vector_load_idx %arg20[%add3A_36, %add3A_6] : memref<112x16xf32, #tpu.memory_space<vmem>>[vector<16xi32>, vector<16xi32>], vector<16xf32>,
      %gather3A_725 = tpu.vector_load_idx %arg22[%add3A_36, %add3A_6] : memref<112x16xf32, #tpu.memory_space<vmem>>[vector<16xi32>, vector<16xi32>], vector<16xf32>,
      %add3A_726 = arith.addf %gather3A_724, %gather3A_725 : vector<16xf32>
      %mul3A_727 = arith.constant 2.000000e-01 : f32
      %mul3A_728 = vector.broadcast %mul3A_727 : f32 to vector<16xf32>
      %mul3A_729 = arith.mulf %mul3A_728, %add3A_726 : vector<16xf32>
      %max3A_730 = arith.maximumf %add3A_726, %mul3A_729 : vector<16xf32>
      %exp3A_731 = math.exp %max3A_730 : vector<16xf32>
      tpu.vector_store_idx %arg24[%add3A_36, %add3A_6], %exp3A_731 : memref<112x16xf32, #tpu.memory_space<vmem>>[vector<16xi32>, vector<16xi32>], vector<16xf32>,
      %gather3A_732 = tpu.vector_load_idx %arg20[%add3A_36, %add3A_9] : memref<112x16xf32, #tpu.memory_space<vmem>>[vector<16xi32>, vector<16xi32>], vector<16xf32>,
      %gather3A_733 = tpu.vector_load_idx %arg22[%add3A_36, %add3A_9] : memref<112x16xf32, #tpu.memory_space<vmem>>[vector<16xi32>, vector<16xi32>], vector<16xf32>,
      %add3A_734 = arith.addf %gather3A_732, %gather3A_733 : vector<16xf32>
      %mul3A_735 = arith.constant 2.000000e-01 : f32
      %mul3A_736 = vector.broadcast %mul3A_735 : f32 to vector<16xf32>
      %mul3A_737 = arith.mulf %mul3A_736, %add3A_734 : vector<16xf32>
      %max3A_738 = arith.maximumf %add3A_734, %mul3A_737 : vector<16xf32>
      %exp3A_739 = math.exp %max3A_738 : vector<16xf32>
      tpu.vector_store_idx %arg24[%add3A_36, %add3A_9], %exp3A_739 : memref<112x16xf32, #tpu.memory_space<vmem>>[vector<16xi32>, vector<16xi32>], vector<16xf32>,
      %gather3A_740 = tpu.vector_load_idx %arg20[%add3A_36, %add3A_12] : memref<112x16xf32, #tpu.memory_space<vmem>>[vector<16xi32>, vector<16xi32>], vector<16xf32>,
      %gather3A_741 = tpu.vector_load_idx %arg22[%add3A_36, %add3A_12] : memref<112x16xf32, #tpu.memory_space<vmem>>[vector<16xi32>, vector<16xi32>], vector<16xf32>,
      %add3A_742 = arith.addf %gather3A_740, %gather3A_741 : vector<16xf32>
      %mul3A_743 = arith.constant 2.000000e-01 : f32
      %mul3A_744 = vector.broadcast %mul3A_743 : f32 to vector<16xf32>
      %mul3A_745 = arith.mulf %mul3A_744, %add3A_742 : vector<16xf32>
      %max3A_746 = arith.maximumf %add3A_742, %mul3A_745 : vector<16xf32>
      %exp3A_747 = math.exp %max3A_746 : vector<16xf32>
      tpu.vector_store_idx %arg24[%add3A_36, %add3A_12], %exp3A_747 : memref<112x16xf32, #tpu.memory_space<vmem>>[vector<16xi32>, vector<16xi32>], vector<16xf32>,
      %gather3A_748 = tpu.vector_load_idx %arg20[%add3A_39, %add3A_3] : memref<112x16xf32, #tpu.memory_space<vmem>>[vector<16xi32>, vector<16xi32>], vector<16xf32>,
      %gather3A_749 = tpu.vector_load_idx %arg22[%add3A_39, %add3A_3] : memref<112x16xf32, #tpu.memory_space<vmem>>[vector<16xi32>, vector<16xi32>], vector<16xf32>,
      %add3A_750 = arith.addf %gather3A_748, %gather3A_749 : vector<16xf32>
      %mul3A_751 = arith.constant 2.000000e-01 : f32
      %mul3A_752 = vector.broadcast %mul3A_751 : f32 to vector<16xf32>
      %mul3A_753 = arith.mulf %mul3A_752, %add3A_750 : vector<16xf32>
      %max3A_754 = arith.maximumf %add3A_750, %mul3A_753 : vector<16xf32>
      %exp3A_755 = math.exp %max3A_754 : vector<16xf32>
      tpu.vector_store_idx %arg24[%add3A_39, %add3A_3], %exp3A_755 : memref<112x16xf32, #tpu.memory_space<vmem>>[vector<16xi32>, vector<16xi32>], vector<16xf32>,
      %gather3A_756 = tpu.vector_load_idx %arg20[%add3A_39, %add3A_6] : memref<112x16xf32, #tpu.memory_space<vmem>>[vector<16xi32>, vector<16xi32>], vector<16xf32>,
      %gather3A_757 = tpu.vector_load_idx %arg22[%add3A_39, %add3A_6] : memref<112x16xf32, #tpu.memory_space<vmem>>[vector<16xi32>, vector<16xi32>], vector<16xf32>,
      %add3A_758 = arith.addf %gather3A_756, %gather3A_757 : vector<16xf32>
      %mul3A_759 = arith.constant 2.000000e-01 : f32
      %mul3A_760 = vector.broadcast %mul3A_759 : f32 to vector<16xf32>
      %mul3A_761 = arith.mulf %mul3A_760, %add3A_758 : vector<16xf32>
      %max3A_762 = arith.maximumf %add3A_758, %mul3A_761 : vector<16xf32>
      %exp3A_763 = math.exp %max3A_762 : vector<16xf32>
      tpu.vector_store_idx %arg24[%add3A_39, %add3A_6], %exp3A_763 : memref<112x16xf32, #tpu.memory_space<vmem>>[vector<16xi32>, vector<16xi32>], vector<16xf32>,
      %gather3A_764 = tpu.vector_load_idx %arg20[%add3A_39, %add3A_9] : memref<112x16xf32, #tpu.memory_space<vmem>>[vector<16xi32>, vector<16xi32>], vector<16xf32>,
      %gather3A_765 = tpu.vector_load_idx %arg22[%add3A_39, %add3A_9] : memref<112x16xf32, #tpu.memory_space<vmem>>[vector<16xi32>, vector<16xi32>], vector<16xf32>,
      %add3A_766 = arith.addf %gather3A_764, %gather3A_765 : vector<16xf32>
      %mul3A_767 = arith.constant 2.000000e-01 : f32
      %mul3A_768 = vector.broadcast %mul3A_767 : f32 to vector<16xf32>
      %mul3A_769 = arith.mulf %mul3A_768, %add3A_766 : vector<16xf32>
      %max3A_770 = arith.maximumf %add3A_766, %mul3A_769 : vector<16xf32>
      %exp3A_771 = math.exp %max3A_770 : vector<16xf32>
      tpu.vector_store_idx %arg24[%add3A_39, %add3A_9], %exp3A_771 : memref<112x16xf32, #tpu.memory_space<vmem>>[vector<16xi32>, vector<16xi32>], vector<16xf32>,
      %gather3A_772 = tpu.vector_load_idx %arg20[%add3A_39, %add3A_12] : memref<112x16xf32, #tpu.memory_space<vmem>>[vector<16xi32>, vector<16xi32>], vector<16xf32>,
      %gather3A_773 = tpu.vector_load_idx %arg22[%add3A_39, %add3A_12] : memref<112x16xf32, #tpu.memory_space<vmem>>[vector<16xi32>, vector<16xi32>], vector<16xf32>,
      %add3A_774 = arith.addf %gather3A_772, %gather3A_773 : vector<16xf32>
      %mul3A_775 = arith.constant 2.000000e-01 : f32
      %mul3A_776 = vector.broadcast %mul3A_775 : f32 to vector<16xf32>
      %mul3A_777 = arith.mulf %mul3A_776, %add3A_774 : vector<16xf32>
      %max3A_778 = arith.maximumf %add3A_774, %mul3A_777 : vector<16xf32>
      %exp3A_779 = math.exp %max3A_778 : vector<16xf32>
      tpu.vector_store_idx %arg24[%add3A_39, %add3A_12], %exp3A_779 : memref<112x16xf32, #tpu.memory_space<vmem>>[vector<16xi32>, vector<16xi32>], vector<16xf32>,
      %gather3A_780 = tpu.vector_load_idx %arg20[%add3A_42, %add3A_3] : memref<112x16xf32, #tpu.memory_space<vmem>>[vector<16xi32>, vector<16xi32>], vector<16xf32>,
      %gather3A_781 = tpu.vector_load_idx %arg22[%add3A_42, %add3A_3] : memref<112x16xf32, #tpu.memory_space<vmem>>[vector<16xi32>, vector<16xi32>], vector<16xf32>,
      %add3A_782 = arith.addf %gather3A_780, %gather3A_781 : vector<16xf32>
      %mul3A_783 = arith.constant 2.000000e-01 : f32
      %mul3A_784 = vector.broadcast %mul3A_783 : f32 to vector<16xf32>
      %mul3A_785 = arith.mulf %mul3A_784, %add3A_782 : vector<16xf32>
      %max3A_786 = arith.maximumf %add3A_782, %mul3A_785 : vector<16xf32>
      %exp3A_787 = math.exp %max3A_786 : vector<16xf32>
      tpu.vector_store_idx %arg24[%add3A_42, %add3A_3], %exp3A_787 : memref<112x16xf32, #tpu.memory_space<vmem>>[vector<16xi32>, vector<16xi32>], vector<16xf32>,
      %gather3A_788 = tpu.vector_load_idx %arg20[%add3A_42, %add3A_6] : memref<112x16xf32, #tpu.memory_space<vmem>>[vector<16xi32>, vector<16xi32>], vector<16xf32>,
      %gather3A_789 = tpu.vector_load_idx %arg22[%add3A_42, %add3A_6] : memref<112x16xf32, #tpu.memory_space<vmem>>[vector<16xi32>, vector<16xi32>], vector<16xf32>,
      %add3A_790 = arith.addf %gather3A_788, %gather3A_789 : vector<16xf32>
      %mul3A_791 = arith.constant 2.000000e-01 : f32
      %mul3A_792 = vector.broadcast %mul3A_791 : f32 to vector<16xf32>
      %mul3A_793 = arith.mulf %mul3A_792, %add3A_790 : vector<16xf32>
      %max3A_794 = arith.maximumf %add3A_790, %mul3A_793 : vector<16xf32>
      %exp3A_795 = math.exp %max3A_794 : vector<16xf32>
      tpu.vector_store_idx %arg24[%add3A_42, %add3A_6], %exp3A_795 : memref<112x16xf32, #tpu.memory_space<vmem>>[vector<16xi32>, vector<16xi32>], vector<16xf32>,
      %gather3A_796 = tpu.vector_load_idx %arg20[%add3A_42, %add3A_9] : memref<112x16xf32, #tpu.memory_space<vmem>>[vector<16xi32>, vector<16xi32>], vector<16xf32>,
      %gather3A_797 = tpu.vector_load_idx %arg22[%add3A_42, %add3A_9] : memref<112x16xf32, #tpu.memory_space<vmem>>[vector<16xi32>, vector<16xi32>], vector<16xf32>,
      %add3A_798 = arith.addf %gather3A_796, %gather3A_797 : vector<16xf32>
      %mul3A_799 = arith.constant 2.000000e-01 : f32
      %mul3A_800 = vector.broadcast %mul3A_799 : f32 to vector<16xf32>
      %mul3A_801 = arith.mulf %mul3A_800, %add3A_798 : vector<16xf32>
      %max3A_802 = arith.maximumf %add3A_798, %mul3A_801 : vector<16xf32>
      %exp3A_803 = math.exp %max3A_802 : vector<16xf32>
      tpu.vector_store_idx %arg24[%add3A_42, %add3A_9], %exp3A_803 : memref<112x16xf32, #tpu.memory_space<vmem>>[vector<16xi32>, vector<16xi32>], vector<16xf32>,
      %gather3A_804 = tpu.vector_load_idx %arg20[%add3A_42, %add3A_12] : memref<112x16xf32, #tpu.memory_space<vmem>>[vector<16xi32>, vector<16xi32>], vector<16xf32>,
      %gather3A_805 = tpu.vector_load_idx %arg22[%add3A_42, %add3A_12] : memref<112x16xf32, #tpu.memory_space<vmem>>[vector<16xi32>, vector<16xi32>], vector<16xf32>,
      %add3A_806 = arith.addf %gather3A_804, %gather3A_805 : vector<16xf32>
      %mul3A_807 = arith.constant 2.000000e-01 : f32
      %mul3A_808 = vector.broadcast %mul3A_807 : f32 to vector<16xf32>
      %mul3A_809 = arith.mulf %mul3A_808, %add3A_806 : vector<16xf32>
      %max3A_810 = arith.maximumf %add3A_806, %mul3A_809 : vector<16xf32>
      %exp3A_811 = math.exp %max3A_810 : vector<16xf32>
      tpu.vector_store_idx %arg24[%add3A_42, %add3A_12], %exp3A_811 : memref<112x16xf32, #tpu.memory_space<vmem>>[vector<16xi32>, vector<16xi32>], vector<16xf32>,
      %gather3A_812 = tpu.vector_load_idx %arg20[%add3A_45, %add3A_3] : memref<112x16xf32, #tpu.memory_space<vmem>>[vector<16xi32>, vector<16xi32>], vector<16xf32>,
      %gather3A_813 = tpu.vector_load_idx %arg22[%add3A_45, %add3A_3] : memref<112x16xf32, #tpu.memory_space<vmem>>[vector<16xi32>, vector<16xi32>], vector<16xf32>,
      %add3A_814 = arith.addf %gather3A_812, %gather3A_813 : vector<16xf32>
      %mul3A_815 = arith.constant 2.000000e-01 : f32
      %mul3A_816 = vector.broadcast %mul3A_815 : f32 to vector<16xf32>
      %mul3A_817 = arith.mulf %mul3A_816, %add3A_814 : vector<16xf32>
      %max3A_818 = arith.maximumf %add3A_814, %mul3A_817 : vector<16xf32>
      %exp3A_819 = math.exp %max3A_818 : vector<16xf32>
      tpu.vector_store_idx %arg24[%add3A_45, %add3A_3], %exp3A_819 : memref<112x16xf32, #tpu.memory_space<vmem>>[vector<16xi32>, vector<16xi32>], vector<16xf32>,
      %gather3A_820 = tpu.vector_load_idx %arg20[%add3A_45, %add3A_6] : memref<112x16xf32, #tpu.memory_space<vmem>>[vector<16xi32>, vector<16xi32>], vector<16xf32>,
      %gather3A_821 = tpu.vector_load_idx %arg22[%add3A_45, %add3A_6] : memref<112x16xf32, #tpu.memory_space<vmem>>[vector<16xi32>, vector<16xi32>], vector<16xf32>,
      %add3A_822 = arith.addf %gather3A_820, %gather3A_821 : vector<16xf32>
      %mul3A_823 = arith.constant 2.000000e-01 : f32
      %mul3A_824 = vector.broadcast %mul3A_823 : f32 to vector<16xf32>
      %mul3A_825 = arith.mulf %mul3A_824, %add3A_822 : vector<16xf32>
      %max3A_826 = arith.maximumf %add3A_822, %mul3A_825 : vector<16xf32>
      %exp3A_827 = math.exp %max3A_826 : vector<16xf32>
      tpu.vector_store_idx %arg24[%add3A_45, %add3A_6], %exp3A_827 : memref<112x16xf32, #tpu.memory_space<vmem>>[vector<16xi32>, vector<16xi32>], vector<16xf32>,
      %gather3A_828 = tpu.vector_load_idx %arg20[%add3A_45, %add3A_9] : memref<112x16xf32, #tpu.memory_space<vmem>>[vector<16xi32>, vector<16xi32>], vector<16xf32>,
      %gather3A_829 = tpu.vector_load_idx %arg22[%add3A_45, %add3A_9] : memref<112x16xf32, #tpu.memory_space<vmem>>[vector<16xi32>, vector<16xi32>], vector<16xf32>,
      %add3A_830 = arith.addf %gather3A_828, %gather3A_829 : vector<16xf32>
      %mul3A_831 = arith.constant 2.000000e-01 : f32
      %mul3A_832 = vector.broadcast %mul3A_831 : f32 to vector<16xf32>
      %mul3A_833 = arith.mulf %mul3A_832, %add3A_830 : vector<16xf32>
      %max3A_834 = arith.maximumf %add3A_830, %mul3A_833 : vector<16xf32>
      %exp3A_835 = math.exp %max3A_834 : vector<16xf32>
      tpu.vector_store_idx %arg24[%add3A_45, %add3A_9], %exp3A_835 : memref<112x16xf32, #tpu.memory_space<vmem>>[vector<16xi32>, vector<16xi32>], vector<16xf32>,
      %gather3A_836 = tpu.vector_load_idx %arg20[%add3A_45, %add3A_12] : memref<112x16xf32, #tpu.memory_space<vmem>>[vector<16xi32>, vector<16xi32>], vector<16xf32>,
      %gather3A_837 = tpu.vector_load_idx %arg22[%add3A_45, %add3A_12] : memref<112x16xf32, #tpu.memory_space<vmem>>[vector<16xi32>, vector<16xi32>], vector<16xf32>,
      %add3A_838 = arith.addf %gather3A_836, %gather3A_837 : vector<16xf32>
      %mul3A_839 = arith.constant 2.000000e-01 : f32
      %mul3A_840 = vector.broadcast %mul3A_839 : f32 to vector<16xf32>
      %mul3A_841 = arith.mulf %mul3A_840, %add3A_838 : vector<16xf32>
      %max3A_842 = arith.maximumf %add3A_838, %mul3A_841 : vector<16xf32>
      %exp3A_843 = math.exp %max3A_842 : vector<16xf32>
      tpu.vector_store_idx %arg24[%add3A_45, %add3A_12], %exp3A_843 : memref<112x16xf32, #tpu.memory_space<vmem>>[vector<16xi32>, vector<16xi32>], vector<16xf32>,
      %dma_start3A_844 = arith.constant 1 : i32
      %dma_start3A_845 = arith.constant 0 : i32
      %dma_start3A_846 = tpu.memref_slice %arg16[%dma_start3A_844, %dma_start3A_845] : memref<2x112xi32, #tpu.memory_space<vmem>> -> memref<1x112xi32, #tpu.memory_space<vmem>>
      %dma_start3A_847 = tpu.memref_squeeze %dma_start3A_846 : memref<1x112xi32, #tpu.memory_space<vmem>> -> memref<112xi32, #tpu.memory_space<vmem>>
      %dma_start3A_848 = arith.constant 0 : i32
      %dma_start3A_849 = arith.constant 0 : i32
      %dma_start3A_850 = tpu.memref_slice %arg12[%dma_start3A_848, %dma_start3A_849] : memref<10016x16xf32, #tpu.memory_space<vmem_shared>> -> memref<10016x16xf32, #tpu.memory_space<vmem_shared>>
      tpu.enqueue_indirect_dma source(%arg24 : memref<112x16xf32, #tpu.memory_space<vmem>>) target(%dma_start3A_850 : memref<10016x16xf32, #tpu.memory_space<vmem_shared>>) offsets(%dma_start3A_847 : memref<112xi32, #tpu.memory_space<vmem>>) semaphore(%arg30 : memref<!tpu.dma_semaphore, #tpu.memory_space<semaphore_mem>>) {add = true}
      %scan3A_851 = arith.constant 0 : i32
      %scan3A_852 = arith.constant 112 : i32
      %scan3A_853 = arith.addi %scan3A_851, %scan3A_852 : i32
      %scan3A_854 = arith.constant 4 : i32
      scf.for %scan3A_863 = %scan3A_851 to %scan3A_853 step %scan3A_854  : i32 {
        %mul3A_864 = arith.constant 1 : i32
        %mul3A_865 = arith.muli %scan3A_863, %mul3A_864 : i32
        %add3A_866 = arith.constant 0 : i32
        %add3A_867 = arith.addi %add3A_866, %mul3A_865 : i32
        %get3A_868 = arith.index_cast %add3A_867 : i32 to index
        %get3A_869 = arith.constant 0 : index
        %get3A_870 = tpu.vector_load %arg24[%get3A_868, %get3A_869] {strides = array<i32>} : memref<112x16xf32, #tpu.memory_space<vmem>>, vector<16xf32>,
        %broadcast_in_dim3A = vector.shape_cast %add3A_3 : vector<16xi32> to vector<16x1xi32>
        %gather3A_871 = vector.shape_cast %broadcast_in_dim3A : vector<16x1xi32> to vector<16xi32>
        %gather3A_872 = tpu.dynamic_gather %get3A_870[%gather3A_871] in [0] : vector<16xf32>, vector<16xi32> -> vector<16xf32>
        %get3A_873 = arith.index_cast %add3A_867 : i32 to index
        %get3A_874 = arith.constant 0 : index
        %get3A_875 = tpu.vector_load %arg18[%get3A_873, %get3A_874] {strides = array<i32>} : memref<112x128xf32, #tpu.memory_space<vmem>>, vector<16xf32>,
        %mul3A_876 = arith.mulf %get3A_875, %gather3A_872 : vector<16xf32>
        %swap3A_877 = arith.index_cast %add3A_867 : i32 to index
        %swap3A_878 = arith.constant 0 : index
        %swap3A_879 = tpu.vector_load %arg18[%swap3A_877, %swap3A_878] {strides = array<i32>} : memref<112x128xf32, #tpu.memory_space<vmem>>, vector<16xf32>,
        tpu.vector_store %arg18[%swap3A_877, %swap3A_878], %mul3A_876 {strides = array<i32>} : memref<112x128xf32, #tpu.memory_space<vmem>>, vector<16xf32>,
        %get3A_880 = arith.index_cast %add3A_867 : i32 to index
        %get3A_881 = arith.constant 16 : index
        %get3A_882 = tpu.vector_load %arg18[%get3A_880, %get3A_881] {strides = array<i32>} : memref<112x128xf32, #tpu.memory_space<vmem>>, vector<16xf32>,
        %mul3A_883 = arith.mulf %get3A_882, %gather3A_872 : vector<16xf32>
        %swap3A_884 = arith.index_cast %add3A_867 : i32 to index
        %swap3A_885 = arith.constant 16 : index
        %swap3A_886 = tpu.vector_load %arg18[%swap3A_884, %swap3A_885] {strides = array<i32>} : memref<112x128xf32, #tpu.memory_space<vmem>>, vector<16xf32>,
        tpu.vector_store %arg18[%swap3A_884, %swap3A_885], %mul3A_883 {strides = array<i32>} : memref<112x128xf32, #tpu.memory_space<vmem>>, vector<16xf32>,
        %broadcast_in_dim3A_887 = vector.shape_cast %add3A_6 : vector<16xi32> to vector<16x1xi32>
        %gather3A_888 = vector.shape_cast %broadcast_in_dim3A_887 : vector<16x1xi32> to vector<16xi32>
        %gather3A_889 = tpu.dynamic_gather %get3A_870[%gather3A_888] in [0] : vector<16xf32>, vector<16xi32> -> vector<16xf32>
        %get3A_890 = arith.index_cast %add3A_867 : i32 to index
        %get3A_891 = arith.constant 32 : index
        %get3A_892 = tpu.vector_load %arg18[%get3A_890, %get3A_891] {strides = array<i32>} : memref<112x128xf32, #tpu.memory_space<vmem>>, vector<16xf32>,
        %mul3A_893 = arith.mulf %get3A_892, %gather3A_889 : vector<16xf32>
        %swap3A_894 = arith.index_cast %add3A_867 : i32 to index
        %swap3A_895 = arith.constant 32 : index
        %swap3A_896 = tpu.vector_load %arg18[%swap3A_894, %swap3A_895] {strides = array<i32>} : memref<112x128xf32, #tpu.memory_space<vmem>>, vector<16xf32>,
        tpu.vector_store %arg18[%swap3A_894, %swap3A_895], %mul3A_893 {strides = array<i32>} : memref<112x128xf32, #tpu.memory_space<vmem>>, vector<16xf32>,
        %get3A_897 = arith.index_cast %add3A_867 : i32 to index
        %get3A_898 = arith.constant 48 : index
        %get3A_899 = tpu.vector_load %arg18[%get3A_897, %get3A_898] {strides = array<i32>} : memref<112x128xf32, #tpu.memory_space<vmem>>, vector<16xf32>,
        %mul3A_900 = arith.mulf %get3A_899, %gather3A_889 : vector<16xf32>
        %swap3A_901 = arith.index_cast %add3A_867 : i32 to index
        %swap3A_902 = arith.constant 48 : index
        %swap3A_903 = tpu.vector_load %arg18[%swap3A_901, %swap3A_902] {strides = array<i32>} : memref<112x128xf32, #tpu.memory_space<vmem>>, vector<16xf32>,
        tpu.vector_store %arg18[%swap3A_901, %swap3A_902], %mul3A_900 {strides = array<i32>} : memref<112x128xf32, #tpu.memory_space<vmem>>, vector<16xf32>,
        %broadcast_in_dim3A_904 = vector.shape_cast %add3A_9 : vector<16xi32> to vector<16x1xi32>
        %gather3A_905 = vector.shape_cast %broadcast_in_dim3A_904 : vector<16x1xi32> to vector<16xi32>
        %gather3A_906 = tpu.dynamic_gather %get3A_870[%gather3A_905] in [0] : vector<16xf32>, vector<16xi32> -> vector<16xf32>
        %get3A_907 = arith.index_cast %add3A_867 : i32 to index
        %get3A_908 = arith.constant 64 : index
        %get3A_909 = tpu.vector_load %arg18[%get3A_907, %get3A_908] {strides = array<i32>} : memref<112x128xf32, #tpu.memory_space<vmem>>, vector<16xf32>,
        %mul3A_910 = arith.mulf %get3A_909, %gather3A_906 : vector<16xf32>
        %swap3A_911 = arith.index_cast %add3A_867 : i32 to index
        %swap3A_912 = arith.constant 64 : index
        %swap3A_913 = tpu.vector_load %arg18[%swap3A_911, %swap3A_912] {strides = array<i32>} : memref<112x128xf32, #tpu.memory_space<vmem>>, vector<16xf32>,
        tpu.vector_store %arg18[%swap3A_911, %swap3A_912], %mul3A_910 {strides = array<i32>} : memref<112x128xf32, #tpu.memory_space<vmem>>, vector<16xf32>,
        %get3A_914 = arith.index_cast %add3A_867 : i32 to index
        %get3A_915 = arith.constant 80 : index
        %get3A_916 = tpu.vector_load %arg18[%get3A_914, %get3A_915] {strides = array<i32>} : memref<112x128xf32, #tpu.memory_space<vmem>>, vector<16xf32>,
        %mul3A_917 = arith.mulf %get3A_916, %gather3A_906 : vector<16xf32>
        %swap3A_918 = arith.index_cast %add3A_867 : i32 to index
        %swap3A_919 = arith.constant 80 : index
        %swap3A_920 = tpu.vector_load %arg18[%swap3A_918, %swap3A_919] {strides = array<i32>} : memref<112x128xf32, #tpu.memory_space<vmem>>, vector<16xf32>,
        tpu.vector_store %arg18[%swap3A_918, %swap3A_919], %mul3A_917 {strides = array<i32>} : memref<112x128xf32, #tpu.memory_space<vmem>>, vector<16xf32>,
        %broadcast_in_dim3A_921 = vector.shape_cast %add3A_12 : vector<16xi32> to vector<16x1xi32>
        %gather3A_922 = vector.shape_cast %broadcast_in_dim3A_921 : vector<16x1xi32> to vector<16xi32>
        %gather3A_923 = tpu.dynamic_gather %get3A_870[%gather3A_922] in [0] : vector<16xf32>, vector<16xi32> -> vector<16xf32>
        %get3A_924 = arith.index_cast %add3A_867 : i32 to index
        %get3A_925 = arith.constant 96 : index
        %get3A_926 = tpu.vector_load %arg18[%get3A_924, %get3A_925] {strides = array<i32>} : memref<112x128xf32, #tpu.memory_space<vmem>>, vector<16xf32>,
        %mul3A_927 = arith.mulf %get3A_926, %gather3A_923 : vector<16xf32>
        %swap3A_928 = arith.index_cast %add3A_867 : i32 to index
        %swap3A_929 = arith.constant 96 : index
        %swap3A_930 = tpu.vector_load %arg18[%swap3A_928, %swap3A_929] {strides = array<i32>} : memref<112x128xf32, #tpu.memory_space<vmem>>, vector<16xf32>,
        tpu.vector_store %arg18[%swap3A_928, %swap3A_929], %mul3A_927 {strides = array<i32>} : memref<112x128xf32, #tpu.memory_space<vmem>>, vector<16xf32>,
        %get3A_931 = arith.index_cast %add3A_867 : i32 to index
        %get3A_932 = arith.constant 112 : index
        %get3A_933 = tpu.vector_load %arg18[%get3A_931, %get3A_932] {strides = array<i32>} : memref<112x128xf32, #tpu.memory_space<vmem>>, vector<16xf32>,
        %mul3A_934 = arith.mulf %get3A_933, %gather3A_923 : vector<16xf32>
        %swap3A_935 = arith.index_cast %add3A_867 : i32 to index
        %swap3A_936 = arith.constant 112 : index
        %swap3A_937 = tpu.vector_load %arg18[%swap3A_935, %swap3A_936] {strides = array<i32>} : memref<112x128xf32, #tpu.memory_space<vmem>>, vector<16xf32>,
        tpu.vector_store %arg18[%swap3A_935, %swap3A_936], %mul3A_934 {strides = array<i32>} : memref<112x128xf32, #tpu.memory_space<vmem>>, vector<16xf32>,
        %scan3A_938 = arith.constant 1 : i32
        %scan3A_939 = arith.addi %scan3A_863, %scan3A_938 : i32
        %mul3A_940 = arith.constant 1 : i32
        %mul3A_941 = arith.muli %scan3A_939, %mul3A_940 : i32
        %add3A_942 = arith.constant 0 : i32
        %add3A_943 = arith.addi %add3A_942, %mul3A_941 : i32
        %get3A_944 = arith.index_cast %add3A_943 : i32 to index
        %get3A_945 = arith.constant 0 : index
        %get3A_946 = tpu.vector_load %arg24[%get3A_944, %get3A_945] {strides = array<i32>} : memref<112x16xf32, #tpu.memory_space<vmem>>, vector<16xf32>,
        %broadcast_in_dim3A_947 = vector.shape_cast %add3A_3 : vector<16xi32> to vector<16x1xi32>
        %gather3A_948 = vector.shape_cast %broadcast_in_dim3A_947 : vector<16x1xi32> to vector<16xi32>
        %gather3A_949 = tpu.dynamic_gather %get3A_946[%gather3A_948] in [0] : vector<16xf32>, vector<16xi32> -> vector<16xf32>
        %get3A_950 = arith.index_cast %add3A_943 : i32 to index
        %get3A_951 = arith.constant 0 : index
        %get3A_952 = tpu.vector_load %arg18[%get3A_950, %get3A_951] {strides = array<i32>} : memref<112x128xf32, #tpu.memory_space<vmem>>, vector<16xf32>,
        %mul3A_953 = arith.mulf %get3A_952, %gather3A_949 : vector<16xf32>
        %swap3A_954 = arith.index_cast %add3A_943 : i32 to index
        %swap3A_955 = arith.constant 0 : index
        %swap3A_956 = tpu.vector_load %arg18[%swap3A_954, %swap3A_955] {strides = array<i32>} : memref<112x128xf32, #tpu.memory_space<vmem>>, vector<16xf32>,
        tpu.vector_store %arg18[%swap3A_954, %swap3A_955], %mul3A_953 {strides = array<i32>} : memref<112x128xf32, #tpu.memory_space<vmem>>, vector<16xf32>,
        %get3A_957 = arith.index_cast %add3A_943 : i32 to index
        %get3A_958 = arith.constant 16 : index
        %get3A_959 = tpu.vector_load %arg18[%get3A_957, %get3A_958] {strides = array<i32>} : memref<112x128xf32, #tpu.memory_space<vmem>>, vector<16xf32>,
        %mul3A_960 = arith.mulf %get3A_959, %gather3A_949 : vector<16xf32>
        %swap3A_961 = arith.index_cast %add3A_943 : i32 to index
        %swap3A_962 = arith.constant 16 : index
        %swap3A_963 = tpu.vector_load %arg18[%swap3A_961, %swap3A_962] {strides = array<i32>} : memref<112x128xf32, #tpu.memory_space<vmem>>, vector<16xf32>,
        tpu.vector_store %arg18[%swap3A_961, %swap3A_962], %mul3A_960 {strides = array<i32>} : memref<112x128xf32, #tpu.memory_space<vmem>>, vector<16xf32>,
        %broadcast_in_dim3A_964 = vector.shape_cast %add3A_6 : vector<16xi32> to vector<16x1xi32>
        %gather3A_965 = vector.shape_cast %broadcast_in_dim3A_964 : vector<16x1xi32> to vector<16xi32>
        %gather3A_966 = tpu.dynamic_gather %get3A_946[%gather3A_965] in [0] : vector<16xf32>, vector<16xi32> -> vector<16xf32>
        %get3A_967 = arith.index_cast %add3A_943 : i32 to index
        %get3A_968 = arith.constant 32 : index
        %get3A_969 = tpu.vector_load %arg18[%get3A_967, %get3A_968] {strides = array<i32>} : memref<112x128xf32, #tpu.memory_space<vmem>>, vector<16xf32>,
        %mul3A_970 = arith.mulf %get3A_969, %gather3A_966 : vector<16xf32>
        %swap3A_971 = arith.index_cast %add3A_943 : i32 to index
        %swap3A_972 = arith.constant 32 : index
        %swap3A_973 = tpu.vector_load %arg18[%swap3A_971, %swap3A_972] {strides = array<i32>} : memref<112x128xf32, #tpu.memory_space<vmem>>, vector<16xf32>,
        tpu.vector_store %arg18[%swap3A_971, %swap3A_972], %mul3A_970 {strides = array<i32>} : memref<112x128xf32, #tpu.memory_space<vmem>>, vector<16xf32>,
        %get3A_974 = arith.index_cast %add3A_943 : i32 to index
        %get3A_975 = arith.constant 48 : index
        %get3A_976 = tpu.vector_load %arg18[%get3A_974, %get3A_975] {strides = array<i32>} : memref<112x128xf32, #tpu.memory_space<vmem>>, vector<16xf32>,
        %mul3A_977 = arith.mulf %get3A_976, %gather3A_966 : vector<16xf32>
        %swap3A_978 = arith.index_cast %add3A_943 : i32 to index
        %swap3A_979 = arith.constant 48 : index
        %swap3A_980 = tpu.vector_load %arg18[%swap3A_978, %swap3A_979] {strides = array<i32>} : memref<112x128xf32, #tpu.memory_space<vmem>>, vector<16xf32>,
        tpu.vector_store %arg18[%swap3A_978, %swap3A_979], %mul3A_977 {strides = array<i32>} : memref<112x128xf32, #tpu.memory_space<vmem>>, vector<16xf32>,
        %broadcast_in_dim3A_981 = vector.shape_cast %add3A_9 : vector<16xi32> to vector<16x1xi32>
        %gather3A_982 = vector.shape_cast %broadcast_in_dim3A_981 : vector<16x1xi32> to vector<16xi32>
        %gather3A_983 = tpu.dynamic_gather %get3A_946[%gather3A_982] in [0] : vector<16xf32>, vector<16xi32> -> vector<16xf32>
        %get3A_984 = arith.index_cast %add3A_943 : i32 to index
        %get3A_985 = arith.constant 64 : index
        %get3A_986 = tpu.vector_load %arg18[%get3A_984, %get3A_985] {strides = array<i32>} : memref<112x128xf32, #tpu.memory_space<vmem>>, vector<16xf32>,
        %mul3A_987 = arith.mulf %get3A_986, %gather3A_983 : vector<16xf32>
        %swap3A_988 = arith.index_cast %add3A_943 : i32 to index
        %swap3A_989 = arith.constant 64 : index
        %swap3A_990 = tpu.vector_load %arg18[%swap3A_988, %swap3A_989] {strides = array<i32>} : memref<112x128xf32, #tpu.memory_space<vmem>>, vector<16xf32>,
        tpu.vector_store %arg18[%swap3A_988, %swap3A_989], %mul3A_987 {strides = array<i32>} : memref<112x128xf32, #tpu.memory_space<vmem>>, vector<16xf32>,
        %get3A_991 = arith.index_cast %add3A_943 : i32 to index
        %get3A_992 = arith.constant 80 : index
        %get3A_993 = tpu.vector_load %arg18[%get3A_991, %get3A_992] {strides = array<i32>} : memref<112x128xf32, #tpu.memory_space<vmem>>, vector<16xf32>,
        %mul3A_994 = arith.mulf %get3A_993, %gather3A_983 : vector<16xf32>
        %swap3A_995 = arith.index_cast %add3A_943 : i32 to index
        %swap3A_996 = arith.constant 80 : index
        %swap3A_997 = tpu.vector_load %arg18[%swap3A_995, %swap3A_996] {strides = array<i32>} : memref<112x128xf32, #tpu.memory_space<vmem>>, vector<16xf32>,
        tpu.vector_store %arg18[%swap3A_995, %swap3A_996], %mul3A_994 {strides = array<i32>} : memref<112x128xf32, #tpu.memory_space<vmem>>, vector<16xf32>,
        %broadcast_in_dim3A_998 = vector.shape_cast %add3A_12 : vector<16xi32> to vector<16x1xi32>
        %gather3A_999 = vector.shape_cast %broadcast_in_dim3A_998 : vector<16x1xi32> to vector<16xi32>
        %gather3A_1000 = tpu.dynamic_gather %get3A_946[%gather3A_999] in [0] : vector<16xf32>, vector<16xi32> -> vector<16xf32>
        %get3A_1001 = arith.index_cast %add3A_943 : i32 to index
        %get3A_1002 = arith.constant 96 : index
        %get3A_1003 = tpu.vector_load %arg18[%get3A_1001, %get3A_1002] {strides = array<i32>} : memref<112x128xf32, #tpu.memory_space<vmem>>, vector<16xf32>,
        %mul3A_1004 = arith.mulf %get3A_1003, %gather3A_1000 : vector<16xf32>
        %swap3A_1005 = arith.index_cast %add3A_943 : i32 to index
        %swap3A_1006 = arith.constant 96 : index
        %swap3A_1007 = tpu.vector_load %arg18[%swap3A_1005, %swap3A_1006] {strides = array<i32>} : memref<112x128xf32, #tpu.memory_space<vmem>>, vector<16xf32>,
        tpu.vector_store %arg18[%swap3A_1005, %swap3A_1006], %mul3A_1004 {strides = array<i32>} : memref<112x128xf32, #tpu.memory_space<vmem>>, vector<16xf32>,
        %get3A_1008 = arith.index_cast %add3A_943 : i32 to index
        %get3A_1009 = arith.constant 112 : index
        %get3A_1010 = tpu.vector_load %arg18[%get3A_1008, %get3A_1009] {strides = array<i32>} : memref<112x128xf32, #tpu.memory_space<vmem>>, vector<16xf32>,
        %mul3A_1011 = arith.mulf %get3A_1010, %gather3A_1000 : vector<16xf32>
        %swap3A_1012 = arith.index_cast %add3A_943 : i32 to index
        %swap3A_1013 = arith.constant 112 : index
        %swap3A_1014 = tpu.vector_load %arg18[%swap3A_1012, %swap3A_1013] {strides = array<i32>} : memref<112x128xf32, #tpu.memory_space<vmem>>, vector<16xf32>,
        tpu.vector_store %arg18[%swap3A_1012, %swap3A_1013], %mul3A_1011 {strides = array<i32>} : memref<112x128xf32, #tpu.memory_space<vmem>>, vector<16xf32>,
        %scan3A_1015 = arith.constant 2 : i32
        %scan3A_1016 = arith.addi %scan3A_863, %scan3A_1015 : i32
        %mul3A_1017 = arith.constant 1 : i32
        %mul3A_1018 = arith.muli %scan3A_1016, %mul3A_1017 : i32
        %add3A_1019 = arith.constant 0 : i32
        %add3A_1020 = arith.addi %add3A_1019, %mul3A_1018 : i32
        %get3A_1021 = arith.index_cast %add3A_1020 : i32 to index
        %get3A_1022 = arith.constant 0 : index
        %get3A_1023 = tpu.vector_load %arg24[%get3A_1021, %get3A_1022] {strides = array<i32>} : memref<112x16xf32, #tpu.memory_space<vmem>>, vector<16xf32>,
        %broadcast_in_dim3A_1024 = vector.shape_cast %add3A_3 : vector<16xi32> to vector<16x1xi32>
        %gather3A_1025 = vector.shape_cast %broadcast_in_dim3A_1024 : vector<16x1xi32> to vector<16xi32>
        %gather3A_1026 = tpu.dynamic_gather %get3A_1023[%gather3A_1025] in [0] : vector<16xf32>, vector<16xi32> -> vector<16xf32>
        %get3A_1027 = arith.index_cast %add3A_1020 : i32 to index
        %get3A_1028 = arith.constant 0 : index
        %get3A_1029 = tpu.vector_load %arg18[%get3A_1027, %get3A_1028] {strides = array<i32>} : memref<112x128xf32, #tpu.memory_space<vmem>>, vector<16xf32>,
        %mul3A_1030 = arith.mulf %get3A_1029, %gather3A_1026 : vector<16xf32>
        %swap3A_1031 = arith.index_cast %add3A_1020 : i32 to index
        %swap3A_1032 = arith.constant 0 : index
        %swap3A_1033 = tpu.vector_load %arg18[%swap3A_1031, %swap3A_1032] {strides = array<i32>} : memref<112x128xf32, #tpu.memory_space<vmem>>, vector<16xf32>,
        tpu.vector_store %arg18[%swap3A_1031, %swap3A_1032], %mul3A_1030 {strides = array<i32>} : memref<112x128xf32, #tpu.memory_space<vmem>>, vector<16xf32>,
        %get3A_1034 = arith.index_cast %add3A_1020 : i32 to index
        %get3A_1035 = arith.constant 16 : index
        %get3A_1036 = tpu.vector_load %arg18[%get3A_1034, %get3A_1035] {strides = array<i32>} : memref<112x128xf32, #tpu.memory_space<vmem>>, vector<16xf32>,
        %mul3A_1037 = arith.mulf %get3A_1036, %gather3A_1026 : vector<16xf32>
        %swap3A_1038 = arith.index_cast %add3A_1020 : i32 to index
        %swap3A_1039 = arith.constant 16 : index
        %swap3A_1040 = tpu.vector_load %arg18[%swap3A_1038, %swap3A_1039] {strides = array<i32>} : memref<112x128xf32, #tpu.memory_space<vmem>>, vector<16xf32>,
        tpu.vector_store %arg18[%swap3A_1038, %swap3A_1039], %mul3A_1037 {strides = array<i32>} : memref<112x128xf32, #tpu.memory_space<vmem>>, vector<16xf32>,
        %broadcast_in_dim3A_1041 = vector.shape_cast %add3A_6 : vector<16xi32> to vector<16x1xi32>
        %gather3A_1042 = vector.shape_cast %broadcast_in_dim3A_1041 : vector<16x1xi32> to vector<16xi32>
        %gather3A_1043 = tpu.dynamic_gather %get3A_1023[%gather3A_1042] in [0] : vector<16xf32>, vector<16xi32> -> vector<16xf32>
        %get3A_1044 = arith.index_cast %add3A_1020 : i32 to index
        %get3A_1045 = arith.constant 32 : index
        %get3A_1046 = tpu.vector_load %arg18[%get3A_1044, %get3A_1045] {strides = array<i32>} : memref<112x128xf32, #tpu.memory_space<vmem>>, vector<16xf32>,
        %mul3A_1047 = arith.mulf %get3A_1046, %gather3A_1043 : vector<16xf32>
        %swap3A_1048 = arith.index_cast %add3A_1020 : i32 to index
        %swap3A_1049 = arith.constant 32 : index
        %swap3A_1050 = tpu.vector_load %arg18[%swap3A_1048, %swap3A_1049] {strides = array<i32>} : memref<112x128xf32, #tpu.memory_space<vmem>>, vector<16xf32>,
        tpu.vector_store %arg18[%swap3A_1048, %swap3A_1049], %mul3A_1047 {strides = array<i32>} : memref<112x128xf32, #tpu.memory_space<vmem>>, vector<16xf32>,
        %get3A_1051 = arith.index_cast %add3A_1020 : i32 to index
        %get3A_1052 = arith.constant 48 : index
        %get3A_1053 = tpu.vector_load %arg18[%get3A_1051, %get3A_1052] {strides = array<i32>} : memref<112x128xf32, #tpu.memory_space<vmem>>, vector<16xf32>,
        %mul3A_1054 = arith.mulf %get3A_1053, %gather3A_1043 : vector<16xf32>
        %swap3A_1055 = arith.index_cast %add3A_1020 : i32 to index
        %swap3A_1056 = arith.constant 48 : index
        %swap3A_1057 = tpu.vector_load %arg18[%swap3A_1055, %swap3A_1056] {strides = array<i32>} : memref<112x128xf32, #tpu.memory_space<vmem>>, vector<16xf32>,
        tpu.vector_store %arg18[%swap3A_1055, %swap3A_1056], %mul3A_1054 {strides = array<i32>} : memref<112x128xf32, #tpu.memory_space<vmem>>, vector<16xf32>,
        %broadcast_in_dim3A_1058 = vector.shape_cast %add3A_9 : vector<16xi32> to vector<16x1xi32>
        %gather3A_1059 = vector.shape_cast %broadcast_in_dim3A_1058 : vector<16x1xi32> to vector<16xi32>
        %gather3A_1060 = tpu.dynamic_gather %get3A_1023[%gather3A_1059] in [0] : vector<16xf32>, vector<16xi32> -> vector<16xf32>
        %get3A_1061 = arith.index_cast %add3A_1020 : i32 to index
        %get3A_1062 = arith.constant 64 : index
        %get3A_1063 = tpu.vector_load %arg18[%get3A_1061, %get3A_1062] {strides = array<i32>} : memref<112x128xf32, #tpu.memory_space<vmem>>, vector<16xf32>,
        %mul3A_1064 = arith.mulf %get3A_1063, %gather3A_1060 : vector<16xf32>
        %swap3A_1065 = arith.index_cast %add3A_1020 : i32 to index
        %swap3A_1066 = arith.constant 64 : index
        %swap3A_1067 = tpu.vector_load %arg18[%swap3A_1065, %swap3A_1066] {strides = array<i32>} : memref<112x128xf32, #tpu.memory_space<vmem>>, vector<16xf32>,
        tpu.vector_store %arg18[%swap3A_1065, %swap3A_1066], %mul3A_1064 {strides = array<i32>} : memref<112x128xf32, #tpu.memory_space<vmem>>, vector<16xf32>,
        %get3A_1068 = arith.index_cast %add3A_1020 : i32 to index
        %get3A_1069 = arith.constant 80 : index
        %get3A_1070 = tpu.vector_load %arg18[%get3A_1068, %get3A_1069] {strides = array<i32>} : memref<112x128xf32, #tpu.memory_space<vmem>>, vector<16xf32>,
        %mul3A_1071 = arith.mulf %get3A_1070, %gather3A_1060 : vector<16xf32>
        %swap3A_1072 = arith.index_cast %add3A_1020 : i32 to index
        %swap3A_1073 = arith.constant 80 : index
        %swap3A_1074 = tpu.vector_load %arg18[%swap3A_1072, %swap3A_1073] {strides = array<i32>} : memref<112x128xf32, #tpu.memory_space<vmem>>, vector<16xf32>,
        tpu.vector_store %arg18[%swap3A_1072, %swap3A_1073], %mul3A_1071 {strides = array<i32>} : memref<112x128xf32, #tpu.memory_space<vmem>>, vector<16xf32>,
        %broadcast_in_dim3A_1075 = vector.shape_cast %add3A_12 : vector<16xi32> to vector<16x1xi32>
        %gather3A_1076 = vector.shape_cast %broadcast_in_dim3A_1075 : vector<16x1xi32> to vector<16xi32>
        %gather3A_1077 = tpu.dynamic_gather %get3A_1023[%gather3A_1076] in [0] : vector<16xf32>, vector<16xi32> -> vector<16xf32>
        %get3A_1078 = arith.index_cast %add3A_1020 : i32 to index
        %get3A_1079 = arith.constant 96 : index
        %get3A_1080 = tpu.vector_load %arg18[%get3A_1078, %get3A_1079] {strides = array<i32>} : memref<112x128xf32, #tpu.memory_space<vmem>>, vector<16xf32>,
        %mul3A_1081 = arith.mulf %get3A_1080, %gather3A_1077 : vector<16xf32>
        %swap3A_1082 = arith.index_cast %add3A_1020 : i32 to index
        %swap3A_1083 = arith.constant 96 : index
        %swap3A_1084 = tpu.vector_load %arg18[%swap3A_1082, %swap3A_1083] {strides = array<i32>} : memref<112x128xf32, #tpu.memory_space<vmem>>, vector<16xf32>,
        tpu.vector_store %arg18[%swap3A_1082, %swap3A_1083], %mul3A_1081 {strides = array<i32>} : memref<112x128xf32, #tpu.memory_space<vmem>>, vector<16xf32>,
        %get3A_1085 = arith.index_cast %add3A_1020 : i32 to index
        %get3A_1086 = arith.constant 112 : index
        %get3A_1087 = tpu.vector_load %arg18[%get3A_1085, %get3A_1086] {strides = array<i32>} : memref<112x128xf32, #tpu.memory_space<vmem>>, vector<16xf32>,
        %mul3A_1088 = arith.mulf %get3A_1087, %gather3A_1077 : vector<16xf32>
        %swap3A_1089 = arith.index_cast %add3A_1020 : i32 to index
        %swap3A_1090 = arith.constant 112 : index
        %swap3A_1091 = tpu.vector_load %arg18[%swap3A_1089, %swap3A_1090] {strides = array<i32>} : memref<112x128xf32, #tpu.memory_space<vmem>>, vector<16xf32>,
        tpu.vector_store %arg18[%swap3A_1089, %swap3A_1090], %mul3A_1088 {strides = array<i32>} : memref<112x128xf32, #tpu.memory_space<vmem>>, vector<16xf32>,
        %scan3A_1092 = arith.constant 3 : i32
        %scan3A_1093 = arith.addi %scan3A_863, %scan3A_1092 : i32
        %mul3A_1094 = arith.constant 1 : i32
        %mul3A_1095 = arith.muli %scan3A_1093, %mul3A_1094 : i32
        %add3A_1096 = arith.constant 0 : i32
        %add3A_1097 = arith.addi %add3A_1096, %mul3A_1095 : i32
        %get3A_1098 = arith.index_cast %add3A_1097 : i32 to index
        %get3A_1099 = arith.constant 0 : index
        %get3A_1100 = tpu.vector_load %arg24[%get3A_1098, %get3A_1099] {strides = array<i32>} : memref<112x16xf32, #tpu.memory_space<vmem>>, vector<16xf32>,
        %broadcast_in_dim3A_1101 = vector.shape_cast %add3A_3 : vector<16xi32> to vector<16x1xi32>
        %gather3A_1102 = vector.shape_cast %broadcast_in_dim3A_1101 : vector<16x1xi32> to vector<16xi32>
        %gather3A_1103 = tpu.dynamic_gather %get3A_1100[%gather3A_1102] in [0] : vector<16xf32>, vector<16xi32> -> vector<16xf32>
        %get3A_1104 = arith.index_cast %add3A_1097 : i32 to index
        %get3A_1105 = arith.constant 0 : index
        %get3A_1106 = tpu.vector_load %arg18[%get3A_1104, %get3A_1105] {strides = array<i32>} : memref<112x128xf32, #tpu.memory_space<vmem>>, vector<16xf32>,
        %mul3A_1107 = arith.mulf %get3A_1106, %gather3A_1103 : vector<16xf32>
        %swap3A_1108 = arith.index_cast %add3A_1097 : i32 to index
        %swap3A_1109 = arith.constant 0 : index
        %swap3A_1110 = tpu.vector_load %arg18[%swap3A_1108, %swap3A_1109] {strides = array<i32>} : memref<112x128xf32, #tpu.memory_space<vmem>>, vector<16xf32>,
        tpu.vector_store %arg18[%swap3A_1108, %swap3A_1109], %mul3A_1107 {strides = array<i32>} : memref<112x128xf32, #tpu.memory_space<vmem>>, vector<16xf32>,
        %get3A_1111 = arith.index_cast %add3A_1097 : i32 to index
        %get3A_1112 = arith.constant 16 : index
        %get3A_1113 = tpu.vector_load %arg18[%get3A_1111, %get3A_1112] {strides = array<i32>} : memref<112x128xf32, #tpu.memory_space<vmem>>, vector<16xf32>,
        %mul3A_1114 = arith.mulf %get3A_1113, %gather3A_1103 : vector<16xf32>
        %swap3A_1115 = arith.index_cast %add3A_1097 : i32 to index
        %swap3A_1116 = arith.constant 16 : index
        %swap3A_1117 = tpu.vector_load %arg18[%swap3A_1115, %swap3A_1116] {strides = array<i32>} : memref<112x128xf32, #tpu.memory_space<vmem>>, vector<16xf32>,
        tpu.vector_store %arg18[%swap3A_1115, %swap3A_1116], %mul3A_1114 {strides = array<i32>} : memref<112x128xf32, #tpu.memory_space<vmem>>, vector<16xf32>,
        %broadcast_in_dim3A_1118 = vector.shape_cast %add3A_6 : vector<16xi32> to vector<16x1xi32>
        %gather3A_1119 = vector.shape_cast %broadcast_in_dim3A_1118 : vector<16x1xi32> to vector<16xi32>
        %gather3A_1120 = tpu.dynamic_gather %get3A_1100[%gather3A_1119] in [0] : vector<16xf32>, vector<16xi32> -> vector<16xf32>
        %get3A_1121 = arith.index_cast %add3A_1097 : i32 to index
        %get3A_1122 = arith.constant 32 : index
        %get3A_1123 = tpu.vector_load %arg18[%get3A_1121, %get3A_1122] {strides = array<i32>} : memref<112x128xf32, #tpu.memory_space<vmem>>, vector<16xf32>,
        %mul3A_1124 = arith.mulf %get3A_1123, %gather3A_1120 : vector<16xf32>
        %swap3A_1125 = arith.index_cast %add3A_1097 : i32 to index
        %swap3A_1126 = arith.constant 32 : index
        %swap3A_1127 = tpu.vector_load %arg18[%swap3A_1125, %swap3A_1126] {strides = array<i32>} : memref<112x128xf32, #tpu.memory_space<vmem>>, vector<16xf32>,
        tpu.vector_store %arg18[%swap3A_1125, %swap3A_1126], %mul3A_1124 {strides = array<i32>} : memref<112x128xf32, #tpu.memory_space<vmem>>, vector<16xf32>,
        %get3A_1128 = arith.index_cast %add3A_1097 : i32 to index
        %get3A_1129 = arith.constant 48 : index
        %get3A_1130 = tpu.vector_load %arg18[%get3A_1128, %get3A_1129] {strides = array<i32>} : memref<112x128xf32, #tpu.memory_space<vmem>>, vector<16xf32>,
        %mul3A_1131 = arith.mulf %get3A_1130, %gather3A_1120 : vector<16xf32>
        %swap3A_1132 = arith.index_cast %add3A_1097 : i32 to index
        %swap3A_1133 = arith.constant 48 : index
        %swap3A_1134 = tpu.vector_load %arg18[%swap3A_1132, %swap3A_1133] {strides = array<i32>} : memref<112x128xf32, #tpu.memory_space<vmem>>, vector<16xf32>,
        tpu.vector_store %arg18[%swap3A_1132, %swap3A_1133], %mul3A_1131 {strides = array<i32>} : memref<112x128xf32, #tpu.memory_space<vmem>>, vector<16xf32>,
        %broadcast_in_dim3A_1135 = vector.shape_cast %add3A_9 : vector<16xi32> to vector<16x1xi32>
        %gather3A_1136 = vector.shape_cast %broadcast_in_dim3A_1135 : vector<16x1xi32> to vector<16xi32>
        %gather3A_1137 = tpu.dynamic_gather %get3A_1100[%gather3A_1136] in [0] : vector<16xf32>, vector<16xi32> -> vector<16xf32>
        %get3A_1138 = arith.index_cast %add3A_1097 : i32 to index
        %get3A_1139 = arith.constant 64 : index
        %get3A_1140 = tpu.vector_load %arg18[%get3A_1138, %get3A_1139] {strides = array<i32>} : memref<112x128xf32, #tpu.memory_space<vmem>>, vector<16xf32>,
        %mul3A_1141 = arith.mulf %get3A_1140, %gather3A_1137 : vector<16xf32>
        %swap3A_1142 = arith.index_cast %add3A_1097 : i32 to index
        %swap3A_1143 = arith.constant 64 : index
        %swap3A_1144 = tpu.vector_load %arg18[%swap3A_1142, %swap3A_1143] {strides = array<i32>} : memref<112x128xf32, #tpu.memory_space<vmem>>, vector<16xf32>,
        tpu.vector_store %arg18[%swap3A_1142, %swap3A_1143], %mul3A_1141 {strides = array<i32>} : memref<112x128xf32, #tpu.memory_space<vmem>>, vector<16xf32>,
        %get3A_1145 = arith.index_cast %add3A_1097 : i32 to index
        %get3A_1146 = arith.constant 80 : index
        %get3A_1147 = tpu.vector_load %arg18[%get3A_1145, %get3A_1146] {strides = array<i32>} : memref<112x128xf32, #tpu.memory_space<vmem>>, vector<16xf32>,
        %mul3A_1148 = arith.mulf %get3A_1147, %gather3A_1137 : vector<16xf32>
        %swap3A_1149 = arith.index_cast %add3A_1097 : i32 to index
        %swap3A_1150 = arith.constant 80 : index
        %swap3A_1151 = tpu.vector_load %arg18[%swap3A_1149, %swap3A_1150] {strides = array<i32>} : memref<112x128xf32, #tpu.memory_space<vmem>>, vector<16xf32>,
        tpu.vector_store %arg18[%swap3A_1149, %swap3A_1150], %mul3A_1148 {strides = array<i32>} : memref<112x128xf32, #tpu.memory_space<vmem>>, vector<16xf32>,
        %broadcast_in_dim3A_1152 = vector.shape_cast %add3A_12 : vector<16xi32> to vector<16x1xi32>
        %gather3A_1153 = vector.shape_cast %broadcast_in_dim3A_1152 : vector<16x1xi32> to vector<16xi32>
        %gather3A_1154 = tpu.dynamic_gather %get3A_1100[%gather3A_1153] in [0] : vector<16xf32>, vector<16xi32> -> vector<16xf32>
        %get3A_1155 = arith.index_cast %add3A_1097 : i32 to index
        %get3A_1156 = arith.constant 96 : index
        %get3A_1157 = tpu.vector_load %arg18[%get3A_1155, %get3A_1156] {strides = array<i32>} : memref<112x128xf32, #tpu.memory_space<vmem>>, vector<16xf32>,
        %mul3A_1158 = arith.mulf %get3A_1157, %gather3A_1154 : vector<16xf32>
        %swap3A_1159 = arith.index_cast %add3A_1097 : i32 to index
        %swap3A_1160 = arith.constant 96 : index
        %swap3A_1161 = tpu.vector_load %arg18[%swap3A_1159, %swap3A_1160] {strides = array<i32>} : memref<112x128xf32, #tpu.memory_space<vmem>>, vector<16xf32>,
        tpu.vector_store %arg18[%swap3A_1159, %swap3A_1160], %mul3A_1158 {strides = array<i32>} : memref<112x128xf32, #tpu.memory_space<vmem>>, vector<16xf32>,
        %get3A_1162 = arith.index_cast %add3A_1097 : i32 to index
        %get3A_1163 = arith.constant 112 : index
        %get3A_1164 = tpu.vector_load %arg18[%get3A_1162, %get3A_1163] {strides = array<i32>} : memref<112x128xf32, #tpu.memory_space<vmem>>, vector<16xf32>,
        %mul3A_1165 = arith.mulf %get3A_1164, %gather3A_1154 : vector<16xf32>
        %swap3A_1166 = arith.index_cast %add3A_1097 : i32 to index
        %swap3A_1167 = arith.constant 112 : index
        %swap3A_1168 = tpu.vector_load %arg18[%swap3A_1166, %swap3A_1167] {strides = array<i32>} : memref<112x128xf32, #tpu.memory_space<vmem>>, vector<16xf32>,
        tpu.vector_store %arg18[%swap3A_1166, %swap3A_1167], %mul3A_1165 {strides = array<i32>} : memref<112x128xf32, #tpu.memory_space<vmem>>, vector<16xf32>,
      }
      %scan3A_855 = arith.constant 112 : i32
      %dma_start3A_856 = arith.constant 1 : i32
      %dma_start3A_857 = arith.constant 0 : i32
      %dma_start3A_858 = tpu.memref_slice %arg16[%dma_start3A_856, %dma_start3A_857] : memref<2x112xi32, #tpu.memory_space<vmem>> -> memref<1x112xi32, #tpu.memory_space<vmem>>
      %dma_start3A_859 = tpu.memref_squeeze %dma_start3A_858 : memref<1x112xi32, #tpu.memory_space<vmem>> -> memref<112xi32, #tpu.memory_space<vmem>>
      %dma_start3A_860 = arith.constant 0 : i32
      %dma_start3A_861 = arith.constant 0 : i32
      %dma_start3A_862 = tpu.memref_slice %arg11[%dma_start3A_860, %dma_start3A_861] : memref<10016x128xf32, #tpu.memory_space<vmem_shared>> -> memref<10016x128xf32, #tpu.memory_space<vmem_shared>>
      tpu.enqueue_indirect_dma source(%arg18 : memref<112x128xf32, #tpu.memory_space<vmem>>) target(%dma_start3A_862 : memref<10016x128xf32, #tpu.memory_space<vmem_shared>>) offsets(%dma_start3A_859 : memref<112xi32, #tpu.memory_space<vmem>>) semaphore(%arg30 : memref<!tpu.dma_semaphore, #tpu.memory_space<semaphore_mem>>) {add = true}
    }
    %scan3A_137 = arith.constant 45 : i32
    %dma_wait3A_138 = arith.constant 1 : i32
    %dma_wait3A_139 = arith.constant 0 : i32
    %dma_wait3A_140 = tpu.memref_slice %arg16[%dma_wait3A_138, %dma_wait3A_139] : memref<2x112xi32, #tpu.memory_space<vmem>> -> memref<1x112xi32, #tpu.memory_space<vmem>>
    %dma_wait3A_141 = tpu.memref_squeeze %dma_wait3A_140 : memref<1x112xi32, #tpu.memory_space<vmem>> -> memref<112xi32, #tpu.memory_space<vmem>>
    %dma_wait3A_142 = arith.constant 0 : i32
    %dma_wait3A_143 = arith.constant 0 : i32
    %dma_wait3A_144 = tpu.memref_slice %arg12[%dma_wait3A_142, %dma_wait3A_143] : memref<10016x16xf32, #tpu.memory_space<vmem_shared>> -> memref<10016x16xf32, #tpu.memory_space<vmem_shared>>
    tpu.wait_indirect_dma semaphore(%arg30 : memref<!tpu.dma_semaphore, #tpu.memory_space<semaphore_mem>>) src(%arg24 : memref<112x16xf32, #tpu.memory_space<vmem>>) dst(%dma_wait3A_144 : memref<10016x16xf32, #tpu.memory_space<vmem_shared>>)
    %dma_wait3A_145 = arith.constant 1 : i32
    %dma_wait3A_146 = arith.constant 0 : i32
    %dma_wait3A_147 = tpu.memref_slice %arg16[%dma_wait3A_145, %dma_wait3A_146] : memref<2x112xi32, #tpu.memory_space<vmem>> -> memref<1x112xi32, #tpu.memory_space<vmem>>
    %dma_wait3A_148 = tpu.memref_squeeze %dma_wait3A_147 : memref<1x112xi32, #tpu.memory_space<vmem>> -> memref<112xi32, #tpu.memory_space<vmem>>
    %dma_wait3A_149 = arith.constant 0 : i32
    %dma_wait3A_150 = arith.constant 0 : i32
    %dma_wait3A_151 = tpu.memref_slice %arg11[%dma_wait3A_149, %dma_wait3A_150] : memref<10016x128xf32, #tpu.memory_space<vmem_shared>> -> memref<10016x128xf32, #tpu.memory_space<vmem_shared>>
    tpu.wait_indirect_dma semaphore(%arg30 : memref<!tpu.dma_semaphore, #tpu.memory_space<semaphore_mem>>) src(%arg18 : memref<112x128xf32, #tpu.memory_space<vmem>>) dst(%dma_wait3A_151 : memref<10016x128xf32, #tpu.memory_space<vmem_shared>>)
    %barrier3A_152 = arith.constant 0 : index
    tpu.barrier barrier_id(%barrier3A_152)
    "tpu.region"() ({
      %run_scoped3A = tpu.sem_alloc : memref<!tpu.dma_semaphore, #tpu.memory_space<semaphore_mem>>
      %dma_start3A_153 = arith.constant 0 : i32
      %dma_start3A_154 = tpu.memref_slice %arg9[%arg0, %mul3A_50, %dma_start3A_153] : memref<2x10016x128xf32, #tpu.memory_space<hbm>> -> memref<1x626x128xf32, #tpu.memory_space<hbm>>
      %dma_start3A_155 = tpu.memref_squeeze %dma_start3A_154 : memref<1x626x128xf32, #tpu.memory_space<hbm>> -> memref<626x128xf32, #tpu.memory_space<hbm>>
      %dma_start3A_156 = arith.constant 0 : i32
      %dma_start3A_157 = tpu.memref_slice %arg11[%mul3A_50, %dma_start3A_156] : memref<10016x128xf32, #tpu.memory_space<vmem_shared>> -> memref<626x128xf32, #tpu.memory_space<vmem_shared>>
      tpu.enqueue_dma source(%dma_start3A_157 : memref<626x128xf32, #tpu.memory_space<vmem_shared>>) target(%dma_start3A_155 : memref<626x128xf32, #tpu.memory_space<hbm>>) target_semaphore(%run_scoped3A : memref<!tpu.dma_semaphore, #tpu.memory_space<semaphore_mem>>)
      %dma_wait3A_158 = arith.constant 0 : i32
      %dma_wait3A_159 = tpu.memref_slice %arg9[%arg0, %mul3A_50, %dma_wait3A_158] : memref<2x10016x128xf32, #tpu.memory_space<hbm>> -> memref<1x626x128xf32, #tpu.memory_space<hbm>>
      %dma_wait3A_160 = tpu.memref_squeeze %dma_wait3A_159 : memref<1x626x128xf32, #tpu.memory_space<hbm>> -> memref<626x128xf32, #tpu.memory_space<hbm>>
      %dma_wait3A_161 = arith.constant 0 : i32
      %dma_wait3A_162 = tpu.memref_slice %arg11[%mul3A_50, %dma_wait3A_161] : memref<10016x128xf32, #tpu.memory_space<vmem_shared>> -> memref<626x128xf32, #tpu.memory_space<vmem_shared>>
      tpu.wait_dma2 semaphore(%run_scoped3A : memref<!tpu.dma_semaphore, #tpu.memory_space<semaphore_mem>>) src(%dma_wait3A_162 : memref<626x128xf32, #tpu.memory_space<vmem_shared>>) dst(%dma_wait3A_160 : memref<626x128xf32, #tpu.memory_space<hbm>>)
      tpu.yield
    }) : () -> ()
    "tpu.region"() ({
      %run_scoped3A = tpu.sem_alloc : memref<!tpu.dma_semaphore, #tpu.memory_space<semaphore_mem>>
      %dma_start3A_153 = arith.constant 0 : i32
      %dma_start3A_154 = tpu.memref_slice %arg10[%arg0, %mul3A_50, %dma_start3A_153] : memref<2x10016x16xf32, #tpu.memory_space<hbm>> -> memref<1x626x16xf32, #tpu.memory_space<hbm>>
      %dma_start3A_155 = tpu.memref_squeeze %dma_start3A_154 : memref<1x626x16xf32, #tpu.memory_space<hbm>> -> memref<626x16xf32, #tpu.memory_space<hbm>>
      %dma_start3A_156 = arith.constant 0 : i32
      %dma_start3A_157 = tpu.memref_slice %arg12[%mul3A_50, %dma_start3A_156] : memref<10016x16xf32, #tpu.memory_space<vmem_shared>> -> memref<626x16xf32, #tpu.memory_space<vmem_shared>>
      tpu.enqueue_dma source(%dma_start3A_157 : memref<626x16xf32, #tpu.memory_space<vmem_shared>>) target(%dma_start3A_155 : memref<626x16xf32, #tpu.memory_space<hbm>>) target_semaphore(%run_scoped3A : memref<!tpu.dma_semaphore, #tpu.memory_space<semaphore_mem>>)
      %dma_wait3A_158 = arith.constant 0 : i32
      %dma_wait3A_159 = tpu.memref_slice %arg10[%arg0, %mul3A_50, %dma_wait3A_158] : memref<2x10016x16xf32, #tpu.memory_space<hbm>> -> memref<1x626x16xf32, #tpu.memory_space<hbm>>
      %dma_wait3A_160 = tpu.memref_squeeze %dma_wait3A_159 : memref<1x626x16xf32, #tpu.memory_space<hbm>> -> memref<626x16xf32, #tpu.memory_space<hbm>>
      %dma_wait3A_161 = arith.constant 0 : i32
      %dma_wait3A_162 = tpu.memref_slice %arg12[%mul3A_50, %dma_wait3A_161] : memref<10016x16xf32, #tpu.memory_space<vmem_shared>> -> memref<626x16xf32, #tpu.memory_space<vmem_shared>>
      tpu.wait_dma2 semaphore(%run_scoped3A : memref<!tpu.dma_semaphore, #tpu.memory_space<semaphore_mem>>) src(%dma_wait3A_162 : memref<626x16xf32, #tpu.memory_space<vmem_shared>>) dst(%dma_wait3A_160 : memref<626x16xf32, #tpu.memory_space<hbm>>)
      tpu.yield
    }) : () -> ()
    return
  }
}

module attributes {stable_mosaic.version = 14 : i64} {
  func.func @_tc1_body(%arg0: i32, %arg1: memref<400x128xf32, #tpu.memory_space<vmem>>, %arg2: memref<128x128xf32, #tpu.memory_space<vmem>>, %arg3: memref<128x16xf32, #tpu.memory_space<vmem>>, %arg4: memref<128x16xf32, #tpu.memory_space<vmem>>, %arg5: memref<400x128xf32, #tpu.memory_space<vmem>>, %arg6: memref<400x16xf32, #tpu.memory_space<vmem>>, %arg7: memref<400x16xf32, #tpu.memory_space<vmem>>, %arg8: memref<8x16xf32, #tpu.memory_space<vmem>>) attributes {dimension_semantics = [#tpu.dimension_semantics<arbitrary>], iteration_bounds = array<i64: 25>, scalar_prefetch = 0 : i64, scratch_operands = 0 : i64, tpu.core_type = #tpu.core_type<tc>, window_params = [{transform_indices = @transform_0, window_bounds = array<i64: 400, 128>}, {pipeline_mode = #tpu.pipeline_mode<synchronous>, transform_indices = @transform_1, window_bounds = array<i64: 128, 128>}, {pipeline_mode = #tpu.pipeline_mode<synchronous>, transform_indices = @transform_2, window_bounds = array<i64: 128, 16>}, {pipeline_mode = #tpu.pipeline_mode<synchronous>, transform_indices = @transform_3, window_bounds = array<i64: 128, 16>}, {transform_indices = @transform_4, window_bounds = array<i64: 400, 128>}, {transform_indices = @transform_5, window_bounds = array<i64: 400, 16>}, {transform_indices = @transform_6, window_bounds = array<i64: 400, 16>}, {pipeline_mode = #tpu.pipeline_mode<synchronous>, transform_indices = @transform_7, window_bounds = array<i64: 8, 16>}]} {
    %get3A = arith.constant 0 : index
    %get3A_0 = arith.constant 0 : index
    %get3A_1 = vector.load %arg1[%get3A, %get3A_0] : memref<400x128xf32, #tpu.memory_space<vmem>>, vector<400x128xf32>
    %get3A_2 = arith.constant 0 : index
    %get3A_3 = arith.constant 0 : index
    %get3A_4 = vector.load %arg2[%get3A_2, %get3A_3] : memref<128x128xf32, #tpu.memory_space<vmem>>, vector<128x128xf32>
    %dot_general3A = arith.constant dense<0.000000e+00> : vector<400x128xf32>
    %dot_general3A_5 = tpu.matmul %get3A_1, %get3A_4, %dot_general3A {dimension_numbers = #tpu.dot_dimension_numbers<[1], [0], [0], [1], [0, 0, 1, 1], [], []>, precision = #tpu.contract_precision<fp32>, transpose_lhs_hint = false} : vector<400x128xf32>, vector<128x128xf32>, vector<400x128xf32> -> vector<400x128xf32>
    %swap3A = arith.constant 0 : index
    %swap3A_6 = arith.constant 0 : index
    %swap3A_7 = vector.load %arg5[%swap3A, %swap3A_6] : memref<400x128xf32, #tpu.memory_space<vmem>>, vector<400x128xf32>
    tpu.vector_store %arg5[%swap3A, %swap3A_6], %dot_general3A_5 {strides = array<i32>} : memref<400x128xf32, #tpu.memory_space<vmem>>, vector<400x128xf32>,
    %get3A_8 = arith.constant 0 : index
    %get3A_9 = arith.constant 0 : index
    %get3A_10 = vector.load %arg3[%get3A_8, %get3A_9] : memref<128x16xf32, #tpu.memory_space<vmem>>, vector<128x16xf32>
    %dot_general3A_11 = arith.constant dense<0.000000e+00> : vector<400x16xf32>
    %dot_general3A_12 = tpu.matmul %dot_general3A_5, %get3A_10, %dot_general3A_11 {dimension_numbers = #tpu.dot_dimension_numbers<[1], [0], [0], [1], [0, 0, 1, 1], [], []>, precision = #tpu.contract_precision<fp32>, transpose_lhs_hint = false} : vector<400x128xf32>, vector<128x16xf32>, vector<400x16xf32> -> vector<400x16xf32>
    %get3A_13 = arith.constant 0 : index
    %get3A_14 = arith.constant 0 : index
    %get3A_15 = vector.load %arg4[%get3A_13, %get3A_14] : memref<128x16xf32, #tpu.memory_space<vmem>>, vector<128x16xf32>
    %dot_general3A_16 = arith.constant dense<0.000000e+00> : vector<400x16xf32>
    %dot_general3A_17 = tpu.matmul %dot_general3A_5, %get3A_15, %dot_general3A_16 {dimension_numbers = #tpu.dot_dimension_numbers<[1], [0], [0], [1], [0, 0, 1, 1], [], []>, precision = #tpu.contract_precision<fp32>, transpose_lhs_hint = false} : vector<400x128xf32>, vector<128x16xf32>, vector<400x16xf32> -> vector<400x16xf32>
    %swap3A_18 = arith.constant 0 : index
    %swap3A_19 = arith.constant 0 : index
    %swap3A_20 = vector.load %arg6[%swap3A_18, %swap3A_19] : memref<400x16xf32, #tpu.memory_space<vmem>>, vector<400x16xf32>
    tpu.vector_store %arg6[%swap3A_18, %swap3A_19], %dot_general3A_12 {strides = array<i32>} : memref<400x16xf32, #tpu.memory_space<vmem>>, vector<400x16xf32>,
    %swap3A_21 = arith.constant 0 : index
    %swap3A_22 = arith.constant 0 : index
    %swap3A_23 = vector.load %arg7[%swap3A_21, %swap3A_22] : memref<400x16xf32, #tpu.memory_space<vmem>>, vector<400x16xf32>
    tpu.vector_store %arg7[%swap3A_21, %swap3A_22], %dot_general3A_17 {strides = array<i32>} : memref<400x16xf32, #tpu.memory_space<vmem>>, vector<400x16xf32>,
    %reduce_max3A = arith.constant dense<0xFF800000> : vector<16xf32>
    %reduce_max3A_24 = vector.multi_reduction <maximumf>, %dot_general3A_12, %reduce_max3A [0] : vector<400x16xf32> to vector<16xf32>
    %broadcast_in_dim3A = vector.shape_cast %reduce_max3A_24 : vector<16xf32> to vector<1x16xf32>
    %broadcast_in_dim3A_25 = vector.shape_cast %broadcast_in_dim3A : vector<1x16xf32> to vector<1x16xf32>
    %broadcast_in_dim3A_26 = vector.broadcast %broadcast_in_dim3A_25 : vector<1x16xf32> to vector<8x16xf32>
    %reduce_max3A_27 = arith.constant dense<0xFF800000> : vector<16xf32>
    %reduce_max3A_28 = vector.multi_reduction <maximumf>, %dot_general3A_17, %reduce_max3A_27 [0] : vector<400x16xf32> to vector<16xf32>
    %broadcast_in_dim3A_29 = vector.shape_cast %reduce_max3A_28 : vector<16xf32> to vector<1x16xf32>
    %broadcast_in_dim3A_30 = vector.shape_cast %broadcast_in_dim3A_29 : vector<1x16xf32> to vector<1x16xf32>
    %broadcast_in_dim3A_31 = vector.broadcast %broadcast_in_dim3A_30 : vector<1x16xf32> to vector<8x16xf32>
    %slice3A = vector.extract_strided_slice %broadcast_in_dim3A_26 {offsets = [0, 0], sizes = [4, 16], strides = [1, 1]} : vector<8x16xf32> to vector<4x16xf32>
    %slice3A_32 = vector.extract_strided_slice %broadcast_in_dim3A_31 {offsets = [0, 0], sizes = [4, 16], strides = [1, 1]} : vector<8x16xf32> to vector<4x16xf32>
    %concatenate3A = tpu.concatenate %slice3A, %slice3A_32 in 0 : vector<4x16xf32>, vector<4x16xf32> -> vector<8x16xf32>
    %eq3A = arith.constant 0 : i32
    %eq3A_33 = arith.cmpi eq, %arg0, %eq3A : i32
    %convert_element_type3A = arith.extui %eq3A_33 : i1 to i32
    %cond3A = arith.constant 0 : i32
    %cond3A_34 = arith.cmpi ne, %convert_element_type3A, %cond3A : i32
    scf.if %cond3A_34 {
      %swap3A_39 = arith.constant 0 : index
      %swap3A_40 = arith.constant 0 : index
      %swap3A_41 = vector.load %arg8[%swap3A_39, %swap3A_40] : memref<8x16xf32, #tpu.memory_space<vmem>>, vector<8x16xf32>
      tpu.vector_store %arg8[%swap3A_39, %swap3A_40], %concatenate3A {strides = array<i32>} : memref<8x16xf32, #tpu.memory_space<vmem>>, vector<8x16xf32>,
    } else {
    }
    %gt3A = arith.constant 0 : i32
    %gt3A_35 = arith.cmpi sgt, %arg0, %gt3A : i32
    %convert_element_type3A_36 = arith.extui %gt3A_35 : i1 to i32
    %cond3A_37 = arith.constant 0 : i32
    %cond3A_38 = arith.cmpi ne, %convert_element_type3A_36, %cond3A_37 : i32
    scf.if %cond3A_38 {
      %get3A_39 = arith.constant 0 : index
      %get3A_40 = arith.constant 0 : index
      %get3A_41 = vector.load %arg8[%get3A_39, %get3A_40] : memref<8x16xf32, #tpu.memory_space<vmem>>, vector<8x16xf32>
      %max3A = arith.maximumf %get3A_41, %concatenate3A : vector<8x16xf32>
      %swap3A_42 = arith.constant 0 : index
      %swap3A_43 = arith.constant 0 : index
      %swap3A_44 = vector.load %arg8[%swap3A_42, %swap3A_43] : memref<8x16xf32, #tpu.memory_space<vmem>>, vector<8x16xf32>
      tpu.vector_store %arg8[%swap3A_42, %swap3A_43], %max3A {strides = array<i32>} : memref<8x16xf32, #tpu.memory_space<vmem>>, vector<8x16xf32>,
    } else {
    }
    return
  }
  func.func @transform_0(%arg0: i32) -> (i32, i32) {
    %c0_i32 = arith.constant 0 : i32
    %c0_i32_0 = arith.constant 0 : i32
    return %arg0, %c0_i32 : i32, i32
  }
  func.func @transform_1(%arg0: i32) -> (i32, i32) {
    %c0_i32 = arith.constant 0 : i32
    %c0_i32_0 = arith.constant 0 : i32
    %c0_i32_1 = arith.constant 0 : i32
    return %c0_i32, %c0_i32_0 : i32, i32
  }
  func.func @transform_2(%arg0: i32) -> (i32, i32) {
    %c0_i32 = arith.constant 0 : i32
    %c0_i32_0 = arith.constant 0 : i32
    %c0_i32_1 = arith.constant 0 : i32
    return %c0_i32, %c0_i32_0 : i32, i32
  }
  func.func @transform_3(%arg0: i32) -> (i32, i32) {
    %c0_i32 = arith.constant 0 : i32
    %c0_i32_0 = arith.constant 0 : i32
    %c0_i32_1 = arith.constant 0 : i32
    return %c0_i32, %c0_i32_0 : i32, i32
  }
  func.func @transform_4(%arg0: i32) -> (i32, i32) {
    %c0_i32 = arith.constant 0 : i32
    %c0_i32_0 = arith.constant 0 : i32
    return %arg0, %c0_i32 : i32, i32
  }
  func.func @transform_5(%arg0: i32) -> (i32, i32) {
    %c0_i32 = arith.constant 0 : i32
    %c0_i32_0 = arith.constant 0 : i32
    return %arg0, %c0_i32 : i32, i32
  }
  func.func @transform_6(%arg0: i32) -> (i32, i32) {
    %c0_i32 = arith.constant 0 : i32
    %c0_i32_0 = arith.constant 0 : i32
    return %arg0, %c0_i32 : i32, i32
  }
  func.func @transform_7(%arg0: i32) -> (i32, i32) {
    %c0_i32 = arith.constant 0 : i32
    %c0_i32_0 = arith.constant 0 : i32
    %c0_i32_1 = arith.constant 0 : i32
    return %c0_i32, %c0_i32_0 : i32, i32
  }
}

module attributes {stable_mosaic.version = 14 : i64} {
  func.func @_tc2_body(%arg0: i32, %arg1: memref<2x400x128xf32, #tpu.memory_space<vmem>>, %arg2: memref<2x400x16xf32, #tpu.memory_space<vmem>>, %arg3: memref<16x128xf32, #tpu.memory_space<vmem>>, %arg4: memref<128x32xf32, #tpu.memory_space<vmem>>, %arg5: memref<8x128xf32, #tpu.memory_space<vmem>>, %arg6: memref<400x32xf32, #tpu.memory_space<vmem>>) attributes {dimension_semantics = [#tpu.dimension_semantics<arbitrary>], iteration_bounds = array<i64: 25>, scalar_prefetch = 0 : i64, scratch_operands = 0 : i64, tpu.core_type = #tpu.core_type<tc>, window_params = [{transform_indices = @transform_0, window_bounds = array<i64: 2, 400, 128>}, {transform_indices = @transform_1, window_bounds = array<i64: 2, 400, 16>}, {pipeline_mode = #tpu.pipeline_mode<synchronous>, transform_indices = @transform_2, window_bounds = array<i64: 16, 128>}, {pipeline_mode = #tpu.pipeline_mode<synchronous>, transform_indices = @transform_3, window_bounds = array<i64: 128, 32>}, {pipeline_mode = #tpu.pipeline_mode<synchronous>, transform_indices = @transform_4, window_bounds = array<i64: 8, 128>}, {transform_indices = @transform_5, window_bounds = array<i64: 400, 32>}]} {
    %get3A = arith.constant 0 : index
    %get3A_0 = arith.constant 0 : index
    %get3A_1 = arith.constant 0 : index
    %get3A_2 = vector.load %arg1[%get3A, %get3A_0, %get3A_1] : memref<2x400x128xf32, #tpu.memory_space<vmem>>, vector<1x400x128xf32>
    %get3A_3 = vector.shape_cast %get3A_2 : vector<1x400x128xf32> to vector<400x128xf32>
    %get3A_4 = arith.constant 1 : index
    %get3A_5 = arith.constant 0 : index
    %get3A_6 = arith.constant 0 : index
    %get3A_7 = vector.load %arg1[%get3A_4, %get3A_5, %get3A_6] : memref<2x400x128xf32, #tpu.memory_space<vmem>>, vector<1x400x128xf32>
    %get3A_8 = vector.shape_cast %get3A_7 : vector<1x400x128xf32> to vector<400x128xf32>
    %add3A = arith.addf %get3A_3, %get3A_8 : vector<400x128xf32>
    %get3A_9 = arith.constant 0 : index
    %get3A_10 = arith.constant 0 : index
    %get3A_11 = arith.constant 0 : index
    %get3A_12 = vector.load %arg2[%get3A_9, %get3A_10, %get3A_11] : memref<2x400x16xf32, #tpu.memory_space<vmem>>, vector<1x400x16xf32>
    %get3A_13 = vector.shape_cast %get3A_12 : vector<1x400x16xf32> to vector<400x16xf32>
    %get3A_14 = arith.constant 1 : index
    %get3A_15 = arith.constant 0 : index
    %get3A_16 = arith.constant 0 : index
    %get3A_17 = vector.load %arg2[%get3A_14, %get3A_15, %get3A_16] : memref<2x400x16xf32, #tpu.memory_space<vmem>>, vector<1x400x16xf32>
    %get3A_18 = vector.shape_cast %get3A_17 : vector<1x400x16xf32> to vector<400x16xf32>
    %add3A_19 = arith.addf %get3A_13, %get3A_18 : vector<400x16xf32>
    %max3A = arith.constant 9.99999971E-10 : f32
    %max3A_20 = vector.broadcast %max3A : f32 to vector<400x16xf32>
    %max3A_21 = arith.maximumf %add3A_19, %max3A_20 : vector<400x16xf32>
    %div3A = arith.constant 1.000000e+00 : f32
    %div3A_22 = vector.broadcast %div3A : f32 to vector<400x16xf32>
    %div3A_23 = arith.divf %div3A_22, %max3A_21 : vector<400x16xf32>
    %get3A_24 = arith.constant 0 : index
    %get3A_25 = arith.constant 0 : index
    %get3A_26 = vector.load %arg3[%get3A_24, %get3A_25] : memref<16x128xf32, #tpu.memory_space<vmem>>, vector<16x128xf32>
    %dot_general3A = arith.constant dense<0.000000e+00> : vector<400x128xf32>
    %dot_general3A_27 = tpu.matmul %div3A_23, %get3A_26, %dot_general3A {dimension_numbers = #tpu.dot_dimension_numbers<[1], [0], [0], [1], [0, 0, 1, 1], [], []>, precision = #tpu.contract_precision<fp32>, transpose_lhs_hint = false} : vector<400x16xf32>, vector<16x128xf32>, vector<400x128xf32> -> vector<400x128xf32>
    %mul3A = arith.mulf %add3A, %dot_general3A_27 : vector<400x128xf32>
    %get3A_28 = arith.constant 0 : index
    %get3A_29 = arith.constant 0 : index
    %get3A_30 = vector.load %arg5[%get3A_28, %get3A_29] : memref<8x128xf32, #tpu.memory_space<vmem>>, vector<8x128xf32>
    %slice3A = vector.extract_strided_slice %get3A_30 {offsets = [0, 0], sizes = [1, 128], strides = [1, 1]} : vector<8x128xf32> to vector<1x128xf32>
    %add3A_31 = vector.broadcast %slice3A : vector<1x128xf32> to vector<400x128xf32>
    %add3A_32 = arith.addf %mul3A, %add3A_31 : vector<400x128xf32>
    %max3A_33 = arith.constant 0.000000e+00 : f32
    %max3A_34 = vector.broadcast %max3A_33 : f32 to vector<400x128xf32>
    %max3A_35 = arith.maximumf %add3A_32, %max3A_34 : vector<400x128xf32>
    %get3A_36 = arith.constant 0 : index
    %get3A_37 = arith.constant 0 : index
    %get3A_38 = vector.load %arg4[%get3A_36, %get3A_37] : memref<128x32xf32, #tpu.memory_space<vmem>>, vector<128x32xf32>
    %dot_general3A_39 = arith.constant dense<0.000000e+00> : vector<400x32xf32>
    %dot_general3A_40 = tpu.matmul %max3A_35, %get3A_38, %dot_general3A_39 {dimension_numbers = #tpu.dot_dimension_numbers<[1], [0], [0], [1], [0, 0, 1, 1], [], []>, precision = #tpu.contract_precision<fp32>, transpose_lhs_hint = false} : vector<400x128xf32>, vector<128x32xf32>, vector<400x32xf32> -> vector<400x32xf32>
    %swap3A = arith.constant 0 : index
    %swap3A_41 = arith.constant 0 : index
    %swap3A_42 = vector.load %arg6[%swap3A, %swap3A_41] : memref<400x32xf32, #tpu.memory_space<vmem>>, vector<400x32xf32>
    tpu.vector_store %arg6[%swap3A, %swap3A_41], %dot_general3A_40 {strides = array<i32>} : memref<400x32xf32, #tpu.memory_space<vmem>>, vector<400x32xf32>,
    return
  }
  func.func @transform_0(%arg0: i32) -> (i32, i32, i32) {
    %c0_i32 = arith.constant 0 : i32
    %c0_i32_0 = arith.constant 0 : i32
    %c0_i32_1 = arith.constant 0 : i32
    return %c0_i32, %arg0, %c0_i32_0 : i32, i32, i32
  }
  func.func @transform_1(%arg0: i32) -> (i32, i32, i32) {
    %c0_i32 = arith.constant 0 : i32
    %c0_i32_0 = arith.constant 0 : i32
    %c0_i32_1 = arith.constant 0 : i32
    return %c0_i32, %arg0, %c0_i32_0 : i32, i32, i32
  }
  func.func @transform_2(%arg0: i32) -> (i32, i32) {
    %c0_i32 = arith.constant 0 : i32
    %c0_i32_0 = arith.constant 0 : i32
    %c0_i32_1 = arith.constant 0 : i32
    return %c0_i32, %c0_i32_0 : i32, i32
  }
  func.func @transform_3(%arg0: i32) -> (i32, i32) {
    %c0_i32 = arith.constant 0 : i32
    %c0_i32_0 = arith.constant 0 : i32
    %c0_i32_1 = arith.constant 0 : i32
    return %c0_i32, %c0_i32_0 : i32, i32
  }
  func.func @transform_4(%arg0: i32) -> (i32, i32) {
    %c0_i32 = arith.constant 0 : i32
    %c0_i32_0 = arith.constant 0 : i32
    %c0_i32_1 = arith.constant 0 : i32
    return %c0_i32, %c0_i32_0 : i32, i32
  }
  func.func @transform_5(%arg0: i32) -> (i32, i32) {
    %c0_i32 = arith.constant 0 : i32
    %c0_i32_0 = arith.constant 0 : i32
    return %arg0, %c0_i32 : i32, i32
  }
}

</mosaic_0001>

<sc_bundles>
// kernel: kernel.5.cloned.1.call-start
scs
__scs_entry_jumppad:
0x0: {  	(pc) =	sbr.rel $0x88, $3  }
0x1: {  	(tag) =	ssettag $0x0;
	lr =	simm.s32 $0x1  }
0x2: {  	[smem:$0x3F9B] =	sst lr;
	_ =	strace $0xD0000000  }
0x3: {  	_ = 	snop  }
0x4: {  	_ = 	snop  }
0x5: {  	_ = 	snop  }
0x6: {  	_ = 	snop  }
0x7: {  	_ = 	snop  }
__scs_overlays_trampoline_lowered:
0x8: {  	[smem:$0x3FAA] =	sst s0  }
0x9: {  	[smem:$0x3FAB] =	sst s1  }
0xa: {  	[smem:$0x3FAC] =	sst s2  }
0xb: {  	[smem:$0x3FAD] =	sst s3  }
0xc: {  	[smem:$0x3FAE] =	sst s4  }
0xd: {  	[smem:$0x3FAF] =	sst s5  }
0xe: {  	[smem:$0x3FB0] =	sst s6  }
0xf: {  	[smem:$0x3FB1] =	sst s7  }
0x10: {  	[smem:$0x3FB2] =	sst s8  }
0x11: {  	[smem:$0x3FB3] =	sst s9;
	s0 =	simm.s32 @!p0 $0x0  }
0x12: {  	s1 =	sld [smem:$0x3F99];
	s0 =	simm.s32 @p0 $0x1  }
0x13: {  	[smem:$0x3FB4] =	sst s0;
	s0 =	simm.s32 @!p1 $0x0  }
0x14: {  	s2 =	sld [smem:$0x3F98];
	s0 =	simm.s32 @p1 $0x1  }
0x15: {  	[smem:$0x3FB5] =	sst s0;
	s0 =	simm.s32 @!p2 $0x0  }
0x16: {  	s3 =	sld [smem:$0x3FDB];
	s0 =	simm.s32 @p2 $0x1  }
0x17: {  	s4 =	simm.s32 $0x1BF5;
	[smem:$0x3FB7] =	sst s0  }
0x18: {  	s0 =	sld [smem:$0x3F9A];
	_ =	swait.ge [sflag:s4], $0x0  }
0x19: {  	s7 =	sld [smem:$0x3F9B]  }
0x1a: {  	s8 =	sadd.s32 $0xFFFFE003, lr  }
0x1b: {  	s9 =	sadd.s32 $0xFFFFFEF7, lr;
	s5 =	simm.s32 $0xFFFFFFFF;
	p2 =	slt.u32 s8, $0xFFFFF086  }
0x1c: {  	p1 =	slt.u32 s9, $0xF7A;
	s5 =	simm.s32 @!p2 $0x0  }
0x1d: {  	s5 =	simm.s32 @p1 $0x1;
	p0 =	seq.s32 s7, s2  }
0x1e: {  	s7 =	smul.u32 @!p0 $0xF7A, s2;
	p2 =	seq.s32 @!p0 s5, $0x0  }
0x1f: {  	s9 =	smul.u32 $0xF7A, s1;
	s8 =	simm.s32 @!p0 $0x1BF5;
	p2 =	por !p2, p0  }
0x20: {  	[sflag:s8] =	ssyncset.s32 @!p0 $0xFFFFF086;
	s6 =	sadd.s32 @!p0 s3, s7;
	s7 =	simm.s32 @!p0 $0x108  }
0x21: {  	s3 =	sadd.s32 s3, s9;
	s6 =	sadd.s32 @!p0 $0x88, s6;
	s7 =	simm.s32 @p2 $0x1082  }
0x22: {  	[simem:s7], [sflag:s8] =	dma.local @!p0 [hbm:s6], $0xF7A  }
0x23: {  	s9 =	sor.u32 $0xD0000000, s2;
	s6 =	simm.s32 $0x108;
	_ =	swait.ge @!p0 [sflag:s8], $0x0  }
0x24: {  	s3 =	sadd.s32 $0x88, s3;
	s6 =	simm.s32 @!p1 $0x1082;
	[sflag:s4] =	ssyncset.s32 $0xFFFFF086  }
0x25: {  	[simem:s6], [sflag:s4] =	dma.local [hbm:s3], $0xF7A  }
0x26: {  	[smem:$0x3F9B] =	sst s1;
	(tag) =	ssettag s2;
	_ =	strace s9  }
0x27: {  	s1 =	sld [smem:$0x3FAB]  }
0x28: {  	s2 =	sld [smem:$0x3FAC]  }
0x29: {  	s4 =	sld [smem:$0x3FAE]  }
0x2a: {  	p0 =	seq.s32 s5, $0x0;
	s5 =	sld [smem:$0x3FAF]  }
0x2b: {  	s6 =	sld [smem:$0x3FB0]  }
0x2c: {  	s7 =	sld [smem:$0x3FB1]  }
0x2d: {  	s3 =	simm.s32 $0x108;
	s8 =	sld [smem:$0x3FB2]  }
0x2e: {  	s3 =	simm.s32 @!p0 $0x1082;
	s9 =	sld [smem:$0x3FB3]  }
0x2f: {  	lr =	sadd.s32 s0, s3;
	s0 =	sld [smem:$0x3FAA]  }
0x30: {  	s3 =	sld [smem:$0x3FAD]  }
0x31: {  	[smem:$0x3FB6] =	sst s10  }
0x32: {  	s10 =	sld [smem:$0x3FB4];
	_ =	sdelay $0x3  }
0x33: {  	p0 =	seq.s32 s10, $0x1;
	s10 =	sld [smem:$0x3FB6];
	_ =	sdelay $0x3  }
0x34: {  	[smem:$0x3FB6] =	sst s10  }
0x35: {  	s10 =	sld [smem:$0x3FB5];
	_ =	sdelay $0x3  }
0x36: {  	p1 =	seq.s32 s10, $0x1;
	s10 =	sld [smem:$0x3FB6];
	_ =	sdelay $0x3  }
0x37: {  	[smem:$0x3FB6] =	sst s10  }
0x38: {  	s10 =	sld [smem:$0x3FB7]  }
0x39: {  	_ = 	snop;
	(pc) =	sbr.ind lr, $3  }
0x3a: {  	_ = 	snop  }
0x3b: {  	_ = 	snop  }
0x3c: {  	p2 =	seq.s32 s10, $0x1;
	s10 =	sld [smem:$0x3FB6]  }
0x3d: {  	_ =	shalt  }
0x3e: {  	_ =	shalt  }
0x3f: {  	_ =	shalt  }
0x40: {  	_ =	shalt  }
0x41: {  	_ =	shalt  }
0x42: {  	_ =	shalt  }
0x43: {  	_ =	shalt  }
0x44: {  	_ =	shalt  }
0x45: {  	_ =	shalt  }
0x46: {  	_ =	shalt  }
0x47: {  	_ =	shalt  }
0x48: {  	_ =	shalt  }
0x49: {  	_ =	shalt  }
0x4a: {  	_ =	shalt  }
0x4b: {  	_ =	shalt  }
0x4c: {  	_ =	shalt  }
0x4d: {  	_ =	shalt  }
0x4e: {  	_ =	shalt  }
0x4f: {  	_ =	shalt  }
0x50: {  	_ =	shalt  }
0x51: {  	_ =	shalt  }
0x52: {  	_ =	shalt  }
0x53: {  	_ =	shalt  }
0x54: {  	_ =	shalt  }
0x55: {  	_ =	shalt  }
0x56: {  	_ =	shalt  }
0x57: {  	_ =	shalt  }
0x58: {  	_ =	shalt  }
0x59: {  	_ =	shalt  }
0x5a: {  	_ =	shalt  }
0x5b: {  	_ =	shalt  }
0x5c: {  	_ =	shalt  }
0x5d: {  	_ =	shalt  }
0x5e: {  	_ =	shalt  }
0x5f: {  	_ =	shalt  }
0x60: {  	_ =	shalt  }
0x61: {  	_ =	shalt  }
0x62: {  	_ =	shalt  }
0x63: {  	_ =	shalt  }
0x64: {  	_ =	shalt  }
0x65: {  	_ =	shalt  }
0x66: {  	_ =	shalt  }
0x67: {  	_ =	shalt  }
0x68: {  	_ =	shalt  }
0x69: {  	_ =	shalt  }
0x6a: {  	_ =	shalt  }
0x6b: {  	_ =	shalt  }
0x6c: {  	_ =	shalt  }
0x6d: {  	_ =	shalt  }
0x6e: {  	_ =	shalt  }
0x6f: {  	_ =	shalt  }
0x70: {  	_ =	shalt  }
0x71: {  	_ =	shalt  }
0x72: {  	_ =	shalt  }
0x73: {  	_ =	shalt  }
0x74: {  	_ =	shalt  }
0x75: {  	_ =	shalt  }
0x76: {  	_ =	shalt  }
0x77: {  	_ =	shalt  }
0x78: {  	_ =	shalt  }
0x79: {  	_ =	shalt  }
0x7a: {  	_ =	shalt  }
0x7b: {  	_ =	shalt  }
0x7c: {  	_ =	shalt  }
0x7d: {  	_ =	shalt  }
0x7e: {  	_ =	shalt  }
0x7f: {  	_ =	shalt  }
0x80: {  	_ =	shalt  }
0x81: {  	_ =	shalt  }
0x82: {  	_ =	shalt  }
0x83: {  	_ =	shalt  }
0x84: {  	_ =	shalt  }
0x85: {  	_ =	shalt  }
0x86: {  	_ =	shalt  }
0x87: {  	_ =	shalt  }
.Lfunc_end0:
.L_simem_size_0:
called_computation_lowered:
.L_overlay_start_0:
0x88: {  	s2 =	sld [smem:$0x3FD9]  }
0x89: {  	s3 =	sld [smem:$0x3FFE];
	_ =	sdelay $0x1  }
0x8a: {  	s1 =	srdreg.scid  }
0x8b: {  	s0 =	sand.u32 $0x1, s1  }
0x8c: {  	s17 =	sshll.u32 s0, $0xA;
	s2 =	sadd.s32 s3, s2  }
0x8d: {  	s2 =	sadd.s32 s2, s17  }
0x8e: {  	[smem:$0x3FC2] =	sst s2  }
0x8f: {  	_ = 	snop  }
0x90: {  	s2 =	sld [smem:$0x3FD0];
	(tm) =	ssettm $0x1  }
0x91: {  	s18 =	sld [smem:$0x3FFB];
	_ =	sdelay $0x3  }
0x92: {  	_ =	strace s18  }
0x93: {  	s3 =	sld [smem:$0x3FFC];
	_ =	sdelay $0x3  }
0x94: {  	_ =	strace s3  }
0x95: {  	s3 =	sld [smem:$0x3FFD];
	_ =	sdelay $0x3  }
0x96: {  	_ =	strace s3  }
0x97: {  	_ =	strace $0x8FFFFFFF  }
0x98: {  	s19 =	sld [smem:$0x3FDB];
	_ =	sdelay $0x1  }
0x99: {  	s4 =	simm.s32 $_scs_section_size  }
0x9a: {  	s5 =	simm.s32 $_size__tile_overlayer_lowered;
	s6 =	simm.s32 $_tile_overlayer_lowered  }
0x9b: {  	s22 =	simm.s32 $0x1BFF;
	s21 =	sshll.u32 s6, $0x1;
	s3 =	sadd.s32 s4, s19  }
0x9c: {  	s7 =	simm.s32 $0x0;
	s20 =	sshll.u32 s5, $0x1;
	s5 =	sadd.s32 s21, s3  }
0x9d: {  	[timem:s7], [sflag:s22] =	dma.local [hbm:s5], s20  }
0x9e: {  	_ =	swait.ge [sflag:s22], s20  }
0x9f: {  	s4 =	ssub.s32 $0x0, s20;
	[sflag:s22] =	ssyncset.done $0x0  }
0xa0: {  	[sflag:s22] =	ssyncadd.s32 s4;
	_ =	sdelay $0x1  }
0xa1: {  	s23 =	simm.s32 $0x1B8B  }
0xa2: {  	_ =	swait.ge [sflag:s23], $0x1  }
0xa3: {  	[sflag:s23] =	ssyncset.done $0x0  }
0xa4: {  	s25 =	simm.s32 $0x1B8E;
	s24 =	sld [smem:$0x3FFE];
	[sflag:s23] =	ssyncadd.s32 $0xFFFFFFFF  }
0xa5: {  	s26 =	simm.s32 $execute0_lowered;
	[smem:$0x3FD2] =	sst s25  }
0xa6: {  	s5 =	sshll.u32 s26, $0x1;
	_ =	strace $0x80000046;
	[dreg:$0x1] =	wrdreg $0xFFFFFFFF  }
0xa7: {  	s28 =	simm.s32 $_size_execute0_lowered;
	s3 =	sadd.s32 s3, s5;
	[dreg:$0x0] =	wrdreg $0x0  }
0xa8: {  	s5 =	sshll.u32 s28, $0x1;
	[dreg:$0x2] =	wrdreg s3  }
0xa9: {  	[dreg:$0x3] =	wrdreg s5  }
0xaa: {  	[dreg:$0x4] =	wrdreg $0xC0  }
0xab: {  	_ =	task [dreg:s7], $0x5FFFF  }
0xac: {  	[dreg:$0x1] =	wrdreg $0xFFFFFFFF  }
0xad: {  	[dreg:$0x0] =	wrdreg $0x60  }
0xae: {  	[dreg:$0x2] =	wrdreg s24  }
0xaf: {  	[dreg:$0x3] =	wrdreg s2  }
0xb0: {  	[dreg:$0x4] =	wrdreg $0x0  }
0xb1: {  	[dreg:$0x5] =	wrdreg $0x139000  }
0xb2: {  	[dreg:$0x6] =	wrdreg $0x9  }
0xb3: {  	_ =	task.clear_ibuf [dreg:s7], $0x7FFFF;
	_ =	strace $0x90000046  }
0xb4: {  	s29 =	simm.s32 $0x9;
	_ =	strace $0x80000048  }
0xb5: {  	_ =	swait.ge [sflag:s29], $0x1  }
0xb6: {  	[sflag:s29] =	ssyncadd.s32 $0xFFFFFFFF  }
0xb7: {  	_ =	strace $0x90000048  }
0xb8: {  	_ =	sfence  }
0xb9: {  	s30 =	sld [smem:$0x0];
	_ =	sdelay $0x2  }
0xba: {  	s31 =	sshll.u32 s1, $0xD;
	s1 =	sshrl.u32 s1, $0x2  }
0xbb: {  	s3 =	sand.u32 $0x4000, s31;
	s1 =	sadd.s32 s1, s30  }
0xbc: {  	s0 =	sor.u32 s3, s0;
	s1 =	sshll.u32 s1, $0x11  }
0xbd: {  	s0 =	sor.u32 s1, s0  }
0xbe: {  	s0 =	sadd.s32 $0x8F2B, s0  }
0xbf: {  	[sflag:s0] =	ssyncadd.remote.s32 $0x1  }
0xc0: {  	_ =	sfence.sel $0xFFFF  }
0xc1: {  	[dreg:$0x0] =	wrdreg $0xFFFFFFFF;
	(pc) =	sbr.abs _section_cstart, $3  }
0xc2: {  	[dreg:$0x1] =	wrdreg $0xFFFFFFFF  }
0xc3: {  	_ =	task.clear_ibuf [dreg:s7], $0x2FFFF;
	_ =	strace $0x9FFFFFFF  }
0xc4: {  	(tm) =	ssettm $0x7FFFFFFF  }
0xc5: {  	_ =	shalt  }
tec
execute0_lowered:
.L_overlay_start_1:
0x0: {  	(tag) =	ssettag $0x1  }
0x1: {  	s0 =	rddreg [dreg:$0x0]  }
0x2: {  	s1 =	rddreg [dreg:$0x1]  }
0x3: {  	s2 =	rddreg [dreg:$0x2]  }
0x4: {  	s4 =	rddreg [dreg:$0x3]  }
0x5: {  	s5 =	simm.s32 $0x0;
	s3 =	srdreg.scid;
	s14 =	stileid.u32  }
0x6: {  	s28 =	simm.s32 $0x16100;
	s31 =	simm.s32 $0x70;
	s15 =	simm.s32 $0x1DAA0  }
0x7: {  	[smem:$0x7FF] =	sst s5;
	s3 =	sand.u32 $0x1, s3;
	s16 =	smul.u32 $0x13900, s14  }
0x8: {  	s6 =	sadd.s32 $0x1C00, s0;
	s7 =	sadd.s32 $0x2DE00, s0;
	s8 =	sadd.s32 $0x28E00, s0  }
0x9: {  	s11 =	smul.u32 $0x2720, s14;
	s9 =	sadd.s32 $0x32E00, s0;
	s13 =	sadd.s32 $0x3D200, s0  }
0xa: {  	s17 =	sadd.s32 $0x3CC00, s0;
	s20 =	sshll.u32 s14, $0x6;
	s10 =	smul.u32 $0x139000, s3  }
0xb: {  	_ =	strace $0x80000047;
	s12 =	smul.u32 $0x27200, s3;
	[dreg:$0x5] =	wrdreg s13  }
0xc: {  	[dreg:$0x6] =	wrdreg s17;
	s18 =	sshll.u32 s3, $0x4;
	s3 =	ssub.s32 $0x2, s3  }
0xd: {  	s24 =	sor.u32 $0x1C07, s20;
	s17 =	simm.s32 $0x1EFA0;
	s13 =	sor.u32 s14, s18  }
0xe: {  	s19 =	sshrl.u32 s3, $0x1;
	s5 =	sadd.s32 s16, s2;
	s21 =	sadd.s32 s11, s4  }
0xf: {  	s14 =	simm.s32 $0x19BA0;
	s18 =	simm.s32 $0x4;
	[dreg:$0x8] =	wrdreg s24  }
0x10: {  	s10 =	sadd.s32 s16, s10;
	s12 =	sadd.s32 s11, s12;
	[dreg:$0x7] =	wrdreg s5  }
0x11: {  	v0 =	vlaneseq.u32;
	s13 =	smul.u32 $0x2760, s13;
	s3 =	ssub.s32 s3, s19;
	[dreg:$0x9] =	wrdreg s21  }
0x12: {  	v28 =	vimm.s32 $0x0;
	v0 =	vmul.u32 $0x10, v0;
	s11 =	simm.s32 $0x3;
	s16 =	simm.s32 $0x1E8A0;
	s21 =	simm.s32 $0x5  }
0x13: {  	v29 =	vimm.s32 $0x1;
	v30 =	vimm.s32 $0x2;
	v31 =	vimm.s32 $0x3;
	s10 =	sshrl.u32 s10, $0x3;
	s12 =	sshrl.u32 s12, $0x3;
	s30 =	smax.u32 s3, $0x1  }
0x14: {  	v1 =	vor.u32 $0x1, v0;
	v2 =	vor.u32 $0x2, v0;
	v3 =	vor.u32 $0x3, v0;
	s3 =	simm.s32 $0x1D3A0;
	s10 =	sadd.s32 s10, s0;
	s0 =	sadd.s32 s12, s0  }
0x15: {  	v4 =	vor.u32 $0x100, v0;
	v5 =	vor.u32 $0x101, v0;
	v6 =	vor.u32 $0x102, v0;
	s22 =	sshrl.u32 s13, $0x3;
	s19 =	sadd.s32 $0xE0, s13;
	s20 =	sadd.s32 $0x150, s13  }
0x16: {  	v7 =	vor.u32 $0x103, v0;
	v8 =	vor.u32 $0x200, v0;
	v9 =	vor.u32 $0x201, v0;
	[dreg:$0x10] =	wrdreg s30;
	s12 =	simm.s32 $0x2;
	s23 =	sadd.s32 s9, s22  }
0x17: {  	v10 =	vor.u32 $0x202, v0;
	v11 =	vor.u32 $0x203, v0;
	v12 =	vor.u32 $0x300, v0;
	s13 =	simm.s32 $0x0;
	s25 =	sadd.s32 s1, s22;
	[dreg:$0xa] =	wrdreg s23  }
0x18: {  	v13 =	vor.u32 $0x301, v0;
	v14 =	vor.u32 $0x302, v0;
	v15 =	vor.u32 $0x303, v0;
	s5 =	sadd.s32 $0xE, s22;
	s29 =	sadd.s32 $0x49800, s10;
	[dreg:$0xb] =	wrdreg s25  }
0x19: {  	v16 =	vor.u32 $0x400, v0;
	v17 =	vor.u32 $0x401, v0;
	v18 =	vor.u32 $0x402, v0;
	s0 =	sadd.s32 $0x3FA00, s0;
	s10 =	simm.s32 $0x1E1A0;
	[dreg:$0xe] =	wrdreg s29  }
0x1a: {  	v19 =	vor.u32 $0x403, v0;
	v20 =	vor.u32 $0x500, v0;
	v21 =	vor.u32 $0x501, v0;
	s22 =	simm.s32 $0x1F6A0;
	s26 =	sadd.s32 s9, s5;
	[dreg:$0xf] =	wrdreg s0  }
0x1b: {  	v22 =	vor.u32 $0x502, v0;
	v23 =	vor.u32 $0x503, v0;
	v24 =	vor.u32 $0x600, v0;
	s5 =	sadd.s32 s1, s5;
	s23 =	simm.s32 $0x16330;
	[dreg:$0xc] =	wrdreg s26  }
0x1c: {  	v25 =	vor.u32 $0x601, v0;
	v26 =	vor.u32 $0x602, v0;
	v27 =	vor.u32 $0x603, v0;
	[dreg:$0xd] =	wrdreg s5;
	s5 =	simm.s32 $0x7;
	s26 =	simm.s32 $0x16250  }
.LBB2_1:
0x1d: {  	[dreg:$0x11] =	wrdreg s13  }
0x1e: {  	s0 =	rddreg [dreg:$0x7]  }
0x1f: {  	s29 =	rddreg [dreg:$0x5];
	s25 =	sshrl.u32 s0, $0x3  }
0x20: {  	[dreg:$0x12] =	wrdreg s25  }
0x21: {  	[spmem:s25], [sflag:s24] =	dma.local [hbm:s29], $0x2720  }
0x22: {  	_ =	swait.ge [sflag:s5], $0x2720  }
0x23: {  	s13 =	rddreg [dreg:$0x9]  }
0x24: {  	[sflag:s5] =	ssyncset.done $0x0;
	s29 =	rddreg [dreg:$0x6];
	s25 =	sshrl.u32 s13, $0x3  }
0x25: {  	[sflag:s5] =	ssyncadd.s32 $0xFFFFD8E0;
	[dreg:$0x13] =	wrdreg s25  }
0x26: {  	[spmem:s25], [sflag:s24] =	dma.local [hbm:s29], $0x4E4  }
0x27: {  	_ =	swait.ge [sflag:s5], $0x4E4  }
0x28: {  	[sflag:s5] =	ssyncset.done $0x0  }
0x29: {  	[sflag:s5] =	ssyncadd.s32 $0xFFFFFB1C  }
0x2a: {  	[bflag:$0x0] =	sbarrier.arrive $0xFFFF  }
0x2b: {  	s0 =	simm.s32 $0x0;
	s13 =	simm.s32 $0x16020;
	s25 =	rddreg [dreg:$0xa]  }
0x2c: {  	[tilespmem:s13], [sflag:$0x1] =	stream.linear.gather [hbm4b:s25+s0], $0x70, $0x38;
	[tilespmem:$0x1FDA0] =	vst v63  }
0x2d: {  	s24 =	simm.s32 $0x16090;
	s29 =	rddreg [dreg:$0xb]  }
0x2e: {  	[tilespmem:s24], [sflag:$0x1] =	stream.linear.gather [hbm4b:s29+s0], $0x70, $0x38;
	[tilespmem:$0x1FDA0] =	vst v63  }
0x2f: {  	s25 =	rddreg [dreg:$0xc]  }
0x30: {  	[tilespmem:s28], [sflag:$0x2] =	stream.linear.gather [hbm4b:s25+s0], $0x70, $0x38;
	[tilespmem:$0x1FDA0] =	vst v63  }
0x31: {  	s29 =	rddreg [dreg:$0xd];
	s25 =	simm.s32 $0x16170  }
0x32: {  	[tilespmem:s25], [sflag:$0x2] =	stream.linear.gather [hbm4b:s29+s0], $0x70, $0x38;
	[tilespmem:$0x1FDA0] =	vst v63  }
0x33: {  	s25 =	simm.s32 $0x1  }
0x34: {  	_ =	swait.ge [sflag:s25], $0x70  }
0x35: {  	[sflag:s25] =	ssyncset.done $0x0  }
0x36: {  	[sflag:s25] =	ssyncadd.s32 $0xFFFFFF90  }
0x37: {  	_ =	swait.ge [sflag:s25], $0x70  }
0x38: {  	[sflag:s25] =	ssyncset.done $0x0  }
0x39: {  	s29 =	simm.s32 $0x163A0;
	[sflag:s25] =	ssyncadd.s32 $0xFFFFFF90  }
0x3a: {  	[tilespmem:s29], [sflag:$0x3] =	stream.indirect.gather [hbm4b:s6+s31], $0x80, s13, s31, $0xb8;
	[tilespmem:$0x1FDA0] =	vst v63  }
0x3b: {  	_ = 	snop  }
0x3c: {  	[tilespmem:s3], [sflag:$0x3] =	stream.indirect.gather [hbm4b:s7+s31], $0x10, s13, s31, $0xb8;
	[tilespmem:$0x1FDA0] =	vst v63  }
0x3d: {  	s30 =	simm.s32 $0x0  }
0x3e: {  	[tilespmem:s10], [sflag:$0x3] =	stream.indirect.gather [hbm4b:s8+s31], $0x10, s24, s31, $0xb8;
	[tilespmem:$0x1FDA0] =	vst v63  }
.LBB2_2:
0x3f: {  	_ =	swait.ge [sflag:s11], $0x3800  }
0x40: {  	[sflag:s11] =	ssyncset.done $0x0  }
0x41: {  	[sflag:s11] =	ssyncadd.s32 $0xFFFFC800  }
0x42: {  	_ =	swait.ge [sflag:s11], $0x700  }
0x43: {  	[sflag:s11] =	ssyncset.done $0x0  }
0x44: {  	[sflag:s11] =	ssyncadd.s32 $0xFFFFF900  }
0x45: {  	_ =	swait.ge [sflag:s11], $0x700  }
0x46: {  	[sflag:s11] =	ssyncset.done $0x0  }
0x47: {  	[sflag:s11] =	ssyncadd.s32 $0xFFFFF900  }
0x48: {  	v32 =	vld [tilespmem:$0x16090]  }
0x49: {  	v33 =	vld [tilespmem:$0x160A0]  }
0x4a: {  	v34 =	vld [tilespmem:$0x160B0]  }
0x4b: {  	v35 =	vld [tilespmem:$0x160C0]  }
0x4c: {  	v36 =	vld [tilespmem:$0x160D0]  }
0x4d: {  	v53 =	vld [tilespmem:$0x160E0];
	[tilespmem:$0x16250] =	vst v32  }
0x4e: {  	v54 =	vld [tilespmem:$0x160F0];
	[tilespmem:$0x16260] =	vst v33  }
0x4f: {  	[tilespmem:$0x16270] =	vst v34  }
0x50: {  	[tilespmem:$0x16280] =	vst v35  }
0x51: {  	[tilespmem:$0x16290] =	vst v36  }
0x52: {  	p0 =	seq.s32 s30, $0x0;
	[tilespmem:$0x162A0] =	vst v53  }
0x53: {  	s0 =	simm.s32 @!p0 $0x6;
	[tilespmem:$0x162B0] =	vst v54  }
0x54: {  	_ =	swait.ge @!p0 [sflag:s0], $0x700  }
0x55: {  	[sflag:s0] =	ssyncset.done @!p0 $0x0  }
0x56: {  	[sflag:s0] =	ssyncadd.s32 @!p0 $0xFFFFF900  }
0x57: {  	_ =	swait.ge @!p0 [sflag:s0], $0x3800  }
0x58: {  	[sflag:s0] =	ssyncset.done @!p0 $0x0  }
0x59: {  	[sflag:s0] =	ssyncadd.s32 @!p0 $0xFFFFC800  }
0x5a: {  	_ =	swait.ge [sflag:s12], $0x70  }
0x5b: {  	[sflag:s12] =	ssyncset.done $0x0  }
0x5c: {  	[sflag:s12] =	ssyncadd.s32 $0xFFFFFF90  }
0x5d: {  	_ =	swait.ge [sflag:s12], $0x70  }
0x5e: {  	p0 =	seq.s32 s30, $0x2C;
	[sflag:s12] =	ssyncset.done $0x0  }
0x5f: {  	s25 =	smul.u32 @!p0 $0xE0, s30;
	[sflag:s12] =	ssyncadd.s32 $0xFFFFFF90  }
0x60: {  	[tilespmem:s14], [sflag:$0x4] =	stream.indirect.gather [hbm4b:s6+s31], $0x80, s28, s31, $0xb8;
	[tilespmem:$0x1FDA0] =	vst v63  }
0x61: {  	s0 =	sadd.s32 @!p0 s25, s19  }
0x62: {  	[tilespmem:s15], [sflag:$0x4] =	stream.indirect.gather [hbm4b:s7+s31], $0x10, s28, s31, $0xb8;
	[tilespmem:$0x1FDA0] =	vst v63  }
0x63: {  	s24 =	simm.s32 $0x16170;
	s0 =	sshrl.u32 @!p0 s0, $0x3  }
0x64: {  	[tilespmem:s16], [sflag:$0x4] =	stream.indirect.gather [hbm4b:s8+s31], $0x10, s24, s31, $0xb8;
	[tilespmem:$0x1FDA0] =	vst v63  }
0x65: {  	s13 =	simm.s32 @!p0 $0x0;
	s5 =	sadd.s32 @!p0 s9, s0;
	s24 =	simm.s32 @!p0 $0x16020  }
0x66: {  	[tilespmem:s24], [sflag:$0x1] =	stream.linear.gather @!p0 [hbm4b:s5+s13], $0x70, $0x38;
	[tilespmem:$0x1FDA0] =	vst v63  }
0x67: {  	s0 =	sadd.s32 @!p0 s1, s0;
	s5 =	simm.s32 @!p0 $0x16090  }
0x68: {  	[tilespmem:s5], [sflag:$0x1] =	stream.linear.gather @!p0 [hbm4b:s0+s13], $0x70, $0x38;
	[tilespmem:$0x1FDA0] =	vst v63  }
0x69: {  	v55 =	vld.idx.msk [tilespmem:v0+s3+$0x0], $0xffff  }
0x6a: {  	v56 =	vld.idx.msk [tilespmem:v0+s10+$0x0], $0xffff;
	_ =	sdelay $0x4  }
0x6b: {  	v32 =	vadd.f32 v56, v55;
	_ =	sdelay $0x1  }
0x6c: {  	v33 =	vmul.f32 $2.000000030e-01, v32;
	_ =	sdelay $0x1  }
0x6d: {  	v32 =	vmax.f32 v32, v33  }
0x6e: {  	v32 =	vmul.f32 $1.442695020e+00, v32;
	_ =	sdelay $0x1  }
0x6f: {  	(erf) = vpow2.f32 v32;
	_ =	sdelay $0x8  }
0x70: {  	v32 =	vpop (erf)  }
0x71: {  	[tilespmem:v0+s17+$0x0] =	vst.idx.msk $0xffff, v32  }
0x72: {  	v32 =	vld.idx.msk [tilespmem:v1+s3+$0x0], $0xffff  }
0x73: {  	v57 =	vld.idx.msk [tilespmem:v1+s10+$0x0], $0xffff;
	_ =	sdelay $0x4  }
0x74: {  	v32 =	vadd.f32 v57, v32;
	_ =	sdelay $0x1  }
0x75: {  	v33 =	vmul.f32 $2.000000030e-01, v32;
	_ =	sdelay $0x1  }
0x76: {  	v32 =	vmax.f32 v32, v33  }
0x77: {  	v32 =	vmul.f32 $1.442695020e+00, v32;
	_ =	sdelay $0x1  }
0x78: {  	(erf) = vpow2.f32 v32;
	_ =	sdelay $0x8  }
0x79: {  	v32 =	vpop (erf)  }
0x7a: {  	[tilespmem:v1+s17+$0x0] =	vst.idx.msk $0xffff, v32  }
0x7b: {  	v32 =	vld.idx.msk [tilespmem:v2+s3+$0x0], $0xffff  }
0x7c: {  	v58 =	vld.idx.msk [tilespmem:v2+s10+$0x0], $0xffff;
	_ =	sdelay $0x4  }
0x7d: {  	v32 =	vadd.f32 v58, v32;
	_ =	sdelay $0x1  }
0x7e: {  	v33 =	vmul.f32 $2.000000030e-01, v32;
	_ =	sdelay $0x1  }
0x7f: {  	v32 =	vmax.f32 v32, v33  }
0x80: {  	v32 =	vmul.f32 $1.442695020e+00, v32;
	_ =	sdelay $0x1  }
0x81: {  	(erf) = vpow2.f32 v32;
	_ =	sdelay $0x8  }
0x82: {  	v32 =	vpop (erf)  }
0x83: {  	[tilespmem:v2+s17+$0x0] =	vst.idx.msk $0xffff, v32  }
0x84: {  	v32 =	vld.idx.msk [tilespmem:v3+s3+$0x0], $0xffff  }
0x85: {  	v59 =	vld.idx.msk [tilespmem:v3+s10+$0x0], $0xffff;
	_ =	sdelay $0x4  }
0x86: {  	v32 =	vadd.f32 v59, v32;
	_ =	sdelay $0x1  }
0x87: {  	v33 =	vmul.f32 $2.000000030e-01, v32;
	_ =	sdelay $0x1  }
0x88: {  	v32 =	vmax.f32 v32, v33  }
0x89: {  	v32 =	vmul.f32 $1.442695020e+00, v32;
	_ =	sdelay $0x1  }
0x8a: {  	(erf) = vpow2.f32 v32;
	_ =	sdelay $0x8  }
0x8b: {  	v32 =	vpop (erf)  }
0x8c: {  	[tilespmem:v3+s17+$0x0] =	vst.idx.msk $0xffff, v32  }
0x8d: {  	v32 =	vld.idx.msk [tilespmem:v4+s3+$0x0], $0xffff  }
0x8e: {  	v60 =	vld.idx.msk [tilespmem:v4+s10+$0x0], $0xffff;
	_ =	sdelay $0x4  }
0x8f: {  	v32 =	vadd.f32 v60, v32;
	_ =	sdelay $0x1  }
0x90: {  	v33 =	vmul.f32 $2.000000030e-01, v32;
	_ =	sdelay $0x1  }
0x91: {  	v32 =	vmax.f32 v32, v33  }
0x92: {  	v32 =	vmul.f32 $1.442695020e+00, v32;
	_ =	sdelay $0x1  }
0x93: {  	(erf) = vpow2.f32 v32;
	_ =	sdelay $0x8  }
0x94: {  	v32 =	vpop (erf)  }
0x95: {  	[tilespmem:v4+s17+$0x0] =	vst.idx.msk $0xffff, v32  }
0x96: {  	v32 =	vld.idx.msk [tilespmem:v5+s3+$0x0], $0xffff  }
0x97: {  	v61 =	vld.idx.msk [tilespmem:v5+s10+$0x0], $0xffff;
	_ =	sdelay $0x4  }
0x98: {  	v32 =	vadd.f32 v61, v32;
	_ =	sdelay $0x1  }
0x99: {  	v33 =	vmul.f32 $2.000000030e-01, v32;
	_ =	sdelay $0x1  }
0x9a: {  	v32 =	vmax.f32 v32, v33  }
0x9b: {  	v32 =	vmul.f32 $1.442695020e+00, v32;
	_ =	sdelay $0x1  }
0x9c: {  	(erf) = vpow2.f32 v32;
	_ =	sdelay $0x8  }
0x9d: {  	v32 =	vpop (erf)  }
0x9e: {  	[tilespmem:v5+s17+$0x0] =	vst.idx.msk $0xffff, v32  }
0x9f: {  	v32 =	vld.idx.msk [tilespmem:v6+s3+$0x0], $0xffff  }
0xa0: {  	v62 =	vld.idx.msk [tilespmem:v6+s10+$0x0], $0xffff;
	_ =	sdelay $0x4  }
0xa1: {  	v32 =	vadd.f32 v62, v32;
	_ =	sdelay $0x1  }
0xa2: {  	v33 =	vmul.f32 $2.000000030e-01, v32;
	_ =	sdelay $0x1  }
0xa3: {  	v32 =	vmax.f32 v32, v33  }
0xa4: {  	v32 =	vmul.f32 $1.442695020e+00, v32;
	_ =	sdelay $0x1  }
0xa5: {  	(erf) = vpow2.f32 v32;
	_ =	sdelay $0x8  }
0xa6: {  	v32 =	vpop (erf)  }
0xa7: {  	[tilespmem:v6+s17+$0x0] =	vst.idx.msk $0xffff, v32  }
0xa8: {  	v32 =	vld.idx.msk [tilespmem:v7+s3+$0x0], $0xffff  }
0xa9: {  	v63 =	vld.idx.msk [tilespmem:v7+s10+$0x0], $0xffff;
	_ =	sdelay $0x4  }
0xaa: {  	v32 =	vadd.f32 v63, v32;
	_ =	sdelay $0x1  }
0xab: {  	v33 =	vmul.f32 $2.000000030e-01, v32;
	_ =	sdelay $0x1  }
0xac: {  	v32 =	vmax.f32 v32, v33  }
0xad: {  	v32 =	vmul.f32 $1.442695020e+00, v32;
	_ =	sdelay $0x1  }
0xae: {  	(erf) = vpow2.f32 v32;
	_ =	sdelay $0x8  }
0xaf: {  	v32 =	vpop (erf)  }
0xb0: {  	[tilespmem:v7+s17+$0x0] =	vst.idx.msk $0xffff, v32  }
0xb1: {  	v32 =	vld.idx.msk [tilespmem:v8+s3+$0x0], $0xffff  }
0xb2: {  	v36 =	vld.idx.msk [tilespmem:v8+s10+$0x0], $0xffff;
	_ =	sdelay $0x4  }
0xb3: {  	v32 =	vadd.f32 v36, v32;
	_ =	sdelay $0x1  }
0xb4: {  	v33 =	vmul.f32 $2.000000030e-01, v32;
	_ =	sdelay $0x1  }
0xb5: {  	v32 =	vmax.f32 v32, v33  }
0xb6: {  	v32 =	vmul.f32 $1.442695020e+00, v32;
	_ =	sdelay $0x1  }
0xb7: {  	(erf) = vpow2.f32 v32;
	_ =	sdelay $0x8  }
0xb8: {  	v32 =	vpop (erf)  }
0xb9: {  	[tilespmem:v8+s17+$0x0] =	vst.idx.msk $0xffff, v32  }
0xba: {  	v32 =	vld.idx.msk [tilespmem:v9+s3+$0x0], $0xffff  }
0xbb: {  	v37 =	vld.idx.msk [tilespmem:v9+s10+$0x0], $0xffff;
	_ =	sdelay $0x4  }
0xbc: {  	v32 =	vadd.f32 v37, v32;
	_ =	sdelay $0x1  }
0xbd: {  	v33 =	vmul.f32 $2.000000030e-01, v32;
	_ =	sdelay $0x1  }
0xbe: {  	v32 =	vmax.f32 v32, v33  }
0xbf: {  	v32 =	vmul.f32 $1.442695020e+00, v32;
	_ =	sdelay $0x1  }
0xc0: {  	(erf) = vpow2.f32 v32;
	_ =	sdelay $0x8  }
0xc1: {  	v32 =	vpop (erf)  }
0xc2: {  	[tilespmem:v9+s17+$0x0] =	vst.idx.msk $0xffff, v32  }
0xc3: {  	v32 =	vld.idx.msk [tilespmem:v10+s3+$0x0], $0xffff  }
0xc4: {  	v38 =	vld.idx.msk [tilespmem:v10+s10+$0x0], $0xffff;
	_ =	sdelay $0x4  }
0xc5: {  	v32 =	vadd.f32 v38, v32;
	_ =	sdelay $0x1  }
0xc6: {  	v33 =	vmul.f32 $2.000000030e-01, v32;
	_ =	sdelay $0x1  }
0xc7: {  	v32 =	vmax.f32 v32, v33  }
0xc8: {  	v32 =	vmul.f32 $1.442695020e+00, v32;
	_ =	sdelay $0x1  }
0xc9: {  	(erf) = vpow2.f32 v32;
	_ =	sdelay $0x8  }
0xca: {  	v32 =	vpop (erf)  }
0xcb: {  	[tilespmem:v10+s17+$0x0] =	vst.idx.msk $0xffff, v32  }
0xcc: {  	v32 =	vld.idx.msk [tilespmem:v11+s3+$0x0], $0xffff  }
0xcd: {  	v39 =	vld.idx.msk [tilespmem:v11+s10+$0x0], $0xffff;
	_ =	sdelay $0x4  }
0xce: {  	v32 =	vadd.f32 v39, v32;
	_ =	sdelay $0x1  }
0xcf: {  	v33 =	vmul.f32 $2.000000030e-01, v32;
	_ =	sdelay $0x1  }
0xd0: {  	v32 =	vmax.f32 v32, v33  }
0xd1: {  	v32 =	vmul.f32 $1.442695020e+00, v32;
	_ =	sdelay $0x1  }
0xd2: {  	(erf) = vpow2.f32 v32;
	_ =	sdelay $0x8  }
0xd3: {  	v32 =	vpop (erf)  }
0xd4: {  	[tilespmem:v11+s17+$0x0] =	vst.idx.msk $0xffff, v32  }
0xd5: {  	v32 =	vld.idx.msk [tilespmem:v12+s3+$0x0], $0xffff  }
0xd6: {  	v40 =	vld.idx.msk [tilespmem:v12+s10+$0x0], $0xffff;
	_ =	sdelay $0x4  }
0xd7: {  	v32 =	vadd.f32 v40, v32;
	_ =	sdelay $0x1  }
0xd8: {  	v33 =	vmul.f32 $2.000000030e-01, v32;
	_ =	sdelay $0x1  }
0xd9: {  	v32 =	vmax.f32 v32, v33  }
0xda: {  	v32 =	vmul.f32 $1.442695020e+00, v32;
	_ =	sdelay $0x1  }
0xdb: {  	(erf) = vpow2.f32 v32;
	_ =	sdelay $0x8  }
0xdc: {  	v32 =	vpop (erf)  }
0xdd: {  	[tilespmem:v12+s17+$0x0] =	vst.idx.msk $0xffff, v32  }
0xde: {  	v32 =	vld.idx.msk [tilespmem:v13+s3+$0x0], $0xffff  }
0xdf: {  	v41 =	vld.idx.msk [tilespmem:v13+s10+$0x0], $0xffff;
	_ =	sdelay $0x4  }
0xe0: {  	v32 =	vadd.f32 v41, v32;
	_ =	sdelay $0x1  }
0xe1: {  	v33 =	vmul.f32 $2.000000030e-01, v32;
	_ =	sdelay $0x1  }
0xe2: {  	v32 =	vmax.f32 v32, v33  }
0xe3: {  	v32 =	vmul.f32 $1.442695020e+00, v32;
	_ =	sdelay $0x1  }
0xe4: {  	(erf) = vpow2.f32 v32;
	_ =	sdelay $0x8  }
0xe5: {  	v32 =	vpop (erf)  }
0xe6: {  	[tilespmem:v13+s17+$0x0] =	vst.idx.msk $0xffff, v32  }
0xe7: {  	v32 =	vld.idx.msk [tilespmem:v14+s3+$0x0], $0xffff  }
0xe8: {  	v42 =	vld.idx.msk [tilespmem:v14+s10+$0x0], $0xffff;
	_ =	sdelay $0x4  }
0xe9: {  	v32 =	vadd.f32 v42, v32;
	_ =	sdelay $0x1  }
0xea: {  	v33 =	vmul.f32 $2.000000030e-01, v32;
	_ =	sdelay $0x1  }
0xeb: {  	v32 =	vmax.f32 v32, v33  }
0xec: {  	v32 =	vmul.f32 $1.442695020e+00, v32;
	_ =	sdelay $0x1  }
0xed: {  	(erf) = vpow2.f32 v32;
	_ =	sdelay $0x8  }
0xee: {  	v32 =	vpop (erf)  }
0xef: {  	[tilespmem:v14+s17+$0x0] =	vst.idx.msk $0xffff, v32  }
0xf0: {  	v32 =	vld.idx.msk [tilespmem:v15+s3+$0x0], $0xffff  }
0xf1: {  	v43 =	vld.idx.msk [tilespmem:v15+s10+$0x0], $0xffff;
	_ =	sdelay $0x4  }
0xf2: {  	v32 =	vadd.f32 v43, v32;
	_ =	sdelay $0x1  }
0xf3: {  	v33 =	vmul.f32 $2.000000030e-01, v32;
	_ =	sdelay $0x1  }
0xf4: {  	v32 =	vmax.f32 v32, v33  }
0xf5: {  	v32 =	vmul.f32 $1.442695020e+00, v32;
	_ =	sdelay $0x1  }
0xf6: {  	(erf) = vpow2.f32 v32;
	_ =	sdelay $0x8  }
0xf7: {  	v32 =	vpop (erf)  }
0xf8: {  	[tilespmem:v15+s17+$0x0] =	vst.idx.msk $0xffff, v32  }
0xf9: {  	v32 =	vld.idx.msk [tilespmem:v16+s3+$0x0], $0xffff  }
0xfa: {  	v44 =	vld.idx.msk [tilespmem:v16+s10+$0x0], $0xffff;
	_ =	sdelay $0x4  }
0xfb: {  	v32 =	vadd.f32 v44, v32;
	_ =	sdelay $0x1  }
0xfc: {  	v33 =	vmul.f32 $2.000000030e-01, v32;
	_ =	sdelay $0x1  }
0xfd: {  	v32 =	vmax.f32 v32, v33  }
0xfe: {  	v32 =	vmul.f32 $1.442695020e+00, v32;
	_ =	sdelay $0x1  }
0xff: {  	(erf) = vpow2.f32 v32;
	_ =	sdelay $0x8  }
0x100: {  	v32 =	vpop (erf)  }
0x101: {  	[tilespmem:v16+s17+$0x0] =	vst.idx.msk $0xffff, v32  }
0x102: {  	v32 =	vld.idx.msk [tilespmem:v17+s3+$0x0], $0xffff  }
0x103: {  	v45 =	vld.idx.msk [tilespmem:v17+s10+$0x0], $0xffff;
	_ =	sdelay $0x4  }
0x104: {  	v32 =	vadd.f32 v45, v32;
	_ =	sdelay $0x1  }
0x105: {  	v33 =	vmul.f32 $2.000000030e-01, v32;
	_ =	sdelay $0x1  }
0x106: {  	v32 =	vmax.f32 v32, v33  }
0x107: {  	v32 =	vmul.f32 $1.442695020e+00, v32;
	_ =	sdelay $0x1  }
0x108: {  	(erf) = vpow2.f32 v32;
	_ =	sdelay $0x8  }
0x109: {  	v32 =	vpop (erf)  }
0x10a: {  	[tilespmem:v17+s17+$0x0] =	vst.idx.msk $0xffff, v32  }
0x10b: {  	v32 =	vld.idx.msk [tilespmem:v18+s3+$0x0], $0xffff  }
0x10c: {  	v46 =	vld.idx.msk [tilespmem:v18+s10+$0x0], $0xffff;
	_ =	sdelay $0x4  }
0x10d: {  	v32 =	vadd.f32 v46, v32;
	_ =	sdelay $0x1  }
0x10e: {  	v33 =	vmul.f32 $2.000000030e-01, v32;
	_ =	sdelay $0x1  }
0x10f: {  	v32 =	vmax.f32 v32, v33  }
0x110: {  	v32 =	vmul.f32 $1.442695020e+00, v32;
	_ =	sdelay $0x1  }
0x111: {  	(erf) = vpow2.f32 v32;
	_ =	sdelay $0x8  }
0x112: {  	v32 =	vpop (erf)  }
0x113: {  	[tilespmem:v18+s17+$0x0] =	vst.idx.msk $0xffff, v32  }
0x114: {  	v32 =	vld.idx.msk [tilespmem:v19+s3+$0x0], $0xffff  }
0x115: {  	v47 =	vld.idx.msk [tilespmem:v19+s10+$0x0], $0xffff;
	_ =	sdelay $0x4  }
0x116: {  	v32 =	vadd.f32 v47, v32;
	_ =	sdelay $0x1  }
0x117: {  	v33 =	vmul.f32 $2.000000030e-01, v32;
	_ =	sdelay $0x1  }
0x118: {  	v32 =	vmax.f32 v32, v33  }
0x119: {  	v32 =	vmul.f32 $1.442695020e+00, v32;
	_ =	sdelay $0x1  }
0x11a: {  	(erf) = vpow2.f32 v32;
	_ =	sdelay $0x8  }
0x11b: {  	v32 =	vpop (erf)  }
0x11c: {  	[tilespmem:v19+s17+$0x0] =	vst.idx.msk $0xffff, v32  }
0x11d: {  	v32 =	vld.idx.msk [tilespmem:v20+s3+$0x0], $0xffff  }
0x11e: {  	v48 =	vld.idx.msk [tilespmem:v20+s10+$0x0], $0xffff;
	_ =	sdelay $0x4  }
0x11f: {  	v32 =	vadd.f32 v48, v32;
	_ =	sdelay $0x1  }
0x120: {  	v33 =	vmul.f32 $2.000000030e-01, v32;
	_ =	sdelay $0x1  }
0x121: {  	v32 =	vmax.f32 v32, v33  }
0x122: {  	v32 =	vmul.f32 $1.442695020e+00, v32;
	_ =	sdelay $0x1  }
0x123: {  	(erf) = vpow2.f32 v32;
	_ =	sdelay $0x8  }
0x124: {  	v32 =	vpop (erf)  }
0x125: {  	[tilespmem:v20+s17+$0x0] =	vst.idx.msk $0xffff, v32  }
0x126: {  	v32 =	vld.idx.msk [tilespmem:v21+s3+$0x0], $0xffff  }
0x127: {  	v49 =	vld.idx.msk [tilespmem:v21+s10+$0x0], $0xffff;
	_ =	sdelay $0x4  }
0x128: {  	v32 =	vadd.f32 v49, v32;
	_ =	sdelay $0x1  }
0x129: {  	v33 =	vmul.f32 $2.000000030e-01, v32;
	_ =	sdelay $0x1  }
0x12a: {  	v32 =	vmax.f32 v32, v33  }
0x12b: {  	v32 =	vmul.f32 $1.442695020e+00, v32;
	_ =	sdelay $0x1  }
0x12c: {  	(erf) = vpow2.f32 v32;
	_ =	sdelay $0x8  }
0x12d: {  	v32 =	vpop (erf)  }
0x12e: {  	[tilespmem:v21+s17+$0x0] =	vst.idx.msk $0xffff, v32  }
0x12f: {  	v32 =	vld.idx.msk [tilespmem:v22+s3+$0x0], $0xffff  }
0x130: {  	v50 =	vld.idx.msk [tilespmem:v22+s10+$0x0], $0xffff;
	_ =	sdelay $0x4  }
0x131: {  	v32 =	vadd.f32 v50, v32;
	_ =	sdelay $0x1  }
0x132: {  	v33 =	vmul.f32 $2.000000030e-01, v32;
	_ =	sdelay $0x1  }
0x133: {  	v32 =	vmax.f32 v32, v33  }
0x134: {  	v32 =	vmul.f32 $1.442695020e+00, v32;
	_ =	sdelay $0x1  }
0x135: {  	(erf) = vpow2.f32 v32;
	_ =	sdelay $0x8  }
0x136: {  	v32 =	vpop (erf)  }
0x137: {  	[tilespmem:v22+s17+$0x0] =	vst.idx.msk $0xffff, v32  }
0x138: {  	v32 =	vld.idx.msk [tilespmem:v23+s3+$0x0], $0xffff  }
0x139: {  	v51 =	vld.idx.msk [tilespmem:v23+s10+$0x0], $0xffff;
	_ =	sdelay $0x4  }
0x13a: {  	v32 =	vadd.f32 v51, v32;
	_ =	sdelay $0x1  }
0x13b: {  	v33 =	vmul.f32 $2.000000030e-01, v32;
	_ =	sdelay $0x1  }
0x13c: {  	v32 =	vmax.f32 v32, v33  }
0x13d: {  	v32 =	vmul.f32 $1.442695020e+00, v32;
	_ =	sdelay $0x1  }
0x13e: {  	(erf) = vpow2.f32 v32;
	_ =	sdelay $0x8  }
0x13f: {  	v32 =	vpop (erf)  }
0x140: {  	[tilespmem:v23+s17+$0x0] =	vst.idx.msk $0xffff, v32  }
0x141: {  	v32 =	vld.idx.msk [tilespmem:v24+s3+$0x0], $0xffff  }
0x142: {  	v52 =	vld.idx.msk [tilespmem:v24+s10+$0x0], $0xffff;
	_ =	sdelay $0x4  }
0x143: {  	v32 =	vadd.f32 v52, v32;
	_ =	sdelay $0x1  }
0x144: {  	v33 =	vmul.f32 $2.000000030e-01, v32;
	_ =	sdelay $0x1  }
0x145: {  	v32 =	vmax.f32 v32, v33  }
0x146: {  	v32 =	vmul.f32 $1.442695020e+00, v32;
	_ =	sdelay $0x1  }
0x147: {  	(erf) = vpow2.f32 v32;
	_ =	sdelay $0x8  }
0x148: {  	v32 =	vpop (erf)  }
0x149: {  	[tilespmem:v24+s17+$0x0] =	vst.idx.msk $0xffff, v32  }
0x14a: {  	v32 =	vld.idx.msk [tilespmem:v25+s3+$0x0], $0xffff  }
0x14b: {  	v53 =	vld.idx.msk [tilespmem:v25+s10+$0x0], $0xffff;
	_ =	sdelay $0x4  }
0x14c: {  	v32 =	vadd.f32 v53, v32;
	_ =	sdelay $0x1  }
0x14d: {  	v33 =	vmul.f32 $2.000000030e-01, v32;
	_ =	sdelay $0x1  }
0x14e: {  	v32 =	vmax.f32 v32, v33  }
0x14f: {  	v32 =	vmul.f32 $1.442695020e+00, v32;
	_ =	sdelay $0x1  }
0x150: {  	(erf) = vpow2.f32 v32;
	_ =	sdelay $0x8  }
0x151: {  	v32 =	vpop (erf)  }
0x152: {  	[tilespmem:v25+s17+$0x0] =	vst.idx.msk $0xffff, v32  }
0x153: {  	v32 =	vld.idx.msk [tilespmem:v26+s3+$0x0], $0xffff  }
0x154: {  	v54 =	vld.idx.msk [tilespmem:v26+s10+$0x0], $0xffff;
	_ =	sdelay $0x4  }
0x155: {  	v32 =	vadd.f32 v54, v32;
	_ =	sdelay $0x1  }
0x156: {  	v33 =	vmul.f32 $2.000000030e-01, v32;
	_ =	sdelay $0x1  }
0x157: {  	v32 =	vmax.f32 v32, v33  }
0x158: {  	v32 =	vmul.f32 $1.442695020e+00, v32;
	_ =	sdelay $0x1  }
0x159: {  	(erf) = vpow2.f32 v32;
	_ =	sdelay $0x8  }
0x15a: {  	v32 =	vpop (erf)  }
0x15b: {  	[tilespmem:v26+s17+$0x0] =	vst.idx.msk $0xffff, v32  }
0x15c: {  	v32 =	vld.idx.msk [tilespmem:v27+s3+$0x0], $0xffff  }
0x15d: {  	v55 =	vld.idx.msk [tilespmem:v27+s10+$0x0], $0xffff;
	_ =	sdelay $0x4  }
0x15e: {  	v32 =	vadd.f32 v55, v32;
	_ =	sdelay $0x1  }
0x15f: {  	v33 =	vmul.f32 $2.000000030e-01, v32;
	_ =	sdelay $0x1  }
0x160: {  	v32 =	vmax.f32 v32, v33  }
0x161: {  	v32 =	vmul.f32 $1.442695020e+00, v32;
	_ =	sdelay $0x1  }
0x162: {  	(erf) = vpow2.f32 v32;
	_ =	sdelay $0x8  }
0x163: {  	v32 =	vpop (erf)  }
0x164: {  	s5 =	simm.s32 $0x1EFC0;
	[tilespmem:v27+s17+$0x0] =	vst.idx.msk $0xffff, v32  }
0x165: {  	[spmem:s4] =	stream.indirect.scatter.add.f32 [tilespmem:s17], [sflag:$0x5], $0x10, s26, s31, $0xb8;
	[tilespmem:$0x1FDA0] =	vst v63  }
0x166: {  	v32 =	vld [tilespmem:s5+$0xFFFFFFE0]  }
0x167: {  	s13 =	simm.s32 $0x164A0  }
0x168: {  	v57 =	vld [tilespmem:s13+$0xFFFFFF60]  }
0x169: {  	v58 =	vld [tilespmem:s13+$0xFFFFFF00]  }
0x16a: {  	v59 =	vld [tilespmem:s13+$0xFFFFFF30]  }
0x16b: {  	v37 =	vld [tilespmem:s13+$0xFFFFFF10];
	v38 =	vperm.xlane v32, v31  }
0x16c: {  	v56 =	vld [tilespmem:s13+$0xFFFFFF40];
	v40 =	vperm.xlane v32, v28  }
0x16d: {  	v39 =	vld [tilespmem:s13+$0xFFFFFF70];
	v42 =	vperm.xlane v32, v29;
	v34 =	vmul.f32 v57, v38  }
0x16e: {  	v41 =	vld [tilespmem:s13+$0xFFFFFF20];
	v35 =	vmul.f32 v58, v40  }
0x16f: {  	v43 =	vld [tilespmem:s13+$0xFFFFFF50];
	v32 =	vperm.xlane v32, v30;
	v36 =	vmul.f32 v59, v42;
	[tilespmem:s13+$0xFFFFFF60] =	vst v34  }
0x170: {  	v60 =	vmul.f32 v37, v40;
	[tilespmem:s13+$0xFFFFFF00] =	vst v35  }
0x171: {  	v33 =	vmul.f32 v56, v32;
	[tilespmem:s13+$0xFFFFFF30] =	vst v36  }
0x172: {  	v61 =	vmul.f32 v39, v38;
	[tilespmem:s13+$0xFFFFFF10] =	vst v60  }
0x173: {  	v62 =	vmul.f32 v41, v42;
	[tilespmem:s13+$0xFFFFFF40] =	vst v33  }
0x174: {  	v63 =	vmul.f32 v43, v32;
	v32 =	vld [tilespmem:s13+$0xFFFFFFF0];
	[tilespmem:s13+$0xFFFFFF70] =	vst v61  }
0x175: {  	[tilespmem:s13+$0xFFFFFF20] =	vst v62;
	v34 =	vld [tilespmem:s13+$0xFFFFFF90]  }
0x176: {  	[tilespmem:s13+$0xFFFFFF50] =	vst v63;
	v33 =	vld [tilespmem:s13+$0xFFFFFFA0]  }
0x177: {  	s29 =	simm.s32 $0x0;
	s24 =	simm.s32 $0x1EFC0;
	s0 =	simm.s32 $0x164A0;
	v35 =	vld [tilespmem:s5+$0xFFFFFFF0]  }
.LBB2_3:
0x178: {  	s29 =	sadd.s32 $0x4, s29;
	v36 =	vld [tilespmem:s13+$0xFFFFFFD0];
	s5 =	sadd.s32 $0x40, s5;
	s0 =	sadd.s32 $0x200, s0  }
0x179: {  	p1 =	slt.u32 s29, $0x6C;
	v37 =	vld [tilespmem:s13+$0xFFFFFF80]  }
0x17a: {  	v38 =	vld [tilespmem:s13+$0xFFFFFFC0]  }
0x17b: {  	v39 =	vld [tilespmem:s13+$0xFFFFFFE0]  }
0x17c: {  	v40 =	vperm.xlane v35, v28;
	v41 =	vperm.xlane v35, v29;
	v42 =	vld [tilespmem:s13+$0xFFFFFFB0]  }
0x17d: {  	v43 =	vperm.xlane v35, v30;
	v35 =	vperm.xlane v35, v31  }
0x17e: {  	v37 =	vmul.f32 v37, v40;
	v34 =	vmul.f32 v34, v40  }
0x17f: {  	v36 =	vmul.f32 v36, v43;
	v38 =	vmul.f32 v38, v43  }
0x180: {  	v32 =	vmul.f32 v32, v35;
	[tilespmem:s13+$0xFFFFFF90] =	vst v34;
	v34 =	vmul.f32 v39, v35  }
0x181: {  	v33 =	vmul.f32 v33, v41;
	v35 =	vmul.f32 v42, v41;
	[tilespmem:s13+$0xFFFFFFC0] =	vst v38  }
0x182: {  	[tilespmem:s13+$0xFFFFFFD0] =	vst v36  }
0x183: {  	[tilespmem:s13+$0xFFFFFFF0] =	vst v32  }
0x184: {  	[tilespmem:s13+$0xFFFFFFA0] =	vst v33  }
0x185: {  	[tilespmem:s13+$0xFFFFFFE0] =	vst v34;
	v32 =	vld [tilespmem:s13+$0x60]  }
0x186: {  	[tilespmem:s13+$0xFFFFFF80] =	vst v37;
	v33 =	vld [tilespmem:s13+$0x70]  }
0x187: {  	[tilespmem:s13+$0xFFFFFFB0] =	vst v35;
	v34 =	vld [tilespmem:s13+$0x40]  }
0x188: {  	v35 =	vld [tilespmem:s24+$0x0]  }
0x189: {  	v36 =	vld [tilespmem:s13+$0x20]  }
0x18a: {  	v37 =	vld [tilespmem:s13+$0x10]  }
0x18b: {  	v38 =	vld [tilespmem:s13+$0x50]  }
0x18c: {  	v39 =	vld [tilespmem:s13+$0x30]  }
0x18d: {  	v40 =	vperm.xlane v35, v28;
	v41 =	vld [tilespmem:s13+$0x0];
	v42 =	vperm.xlane v35, v29  }
0x18e: {  	v43 =	vperm.xlane v35, v30;
	v35 =	vperm.xlane v35, v31  }
0x18f: {  	v37 =	vmul.f32 v37, v40;
	v36 =	vmul.f32 v36, v42  }
0x190: {  	v34 =	vmul.f32 v34, v43;
	v38 =	vmul.f32 v38, v43  }
0x191: {  	v33 =	vmul.f32 v33, v35;
	[tilespmem:s13+$0x10] =	vst v37;
	v37 =	vmul.f32 v39, v42  }
0x192: {  	v32 =	vmul.f32 v32, v35;
	v39 =	vmul.f32 v41, v40;
	[tilespmem:s13+$0x40] =	vst v34  }
0x193: {  	[tilespmem:s13+$0x30] =	vst v37  }
0x194: {  	[tilespmem:s13+$0x0] =	vst v39  }
0x195: {  	[tilespmem:s13+$0x70] =	vst v33  }
0x196: {  	[tilespmem:s13+$0x60] =	vst v32;
	v32 =	vld [tilespmem:s13+$0xE0]  }
0x197: {  	[tilespmem:s13+$0x20] =	vst v36;
	v33 =	vld [tilespmem:s13+$0x80]  }
0x198: {  	[tilespmem:s13+$0x50] =	vst v38;
	v34 =	vld [tilespmem:s13+$0xA0]  }
0x199: {  	v35 =	vld [tilespmem:s24+$0x10];
	s24 =	smov.u32 s5  }
0x19a: {  	v36 =	vld [tilespmem:s13+$0xD0]  }
0x19b: {  	v37 =	vld [tilespmem:s13+$0x90]  }
0x19c: {  	v38 =	vld [tilespmem:s13+$0xC0]  }
0x19d: {  	v39 =	vld [tilespmem:s13+$0xF0]  }
0x19e: {  	v40 =	vperm.xlane v35, v28;
	v41 =	vperm.xlane v35, v29;
	v42 =	vld [tilespmem:s13+$0xB0]  }
0x19f: {  	v43 =	vperm.xlane v35, v30;
	v35 =	vperm.xlane v35, v31  }
0x1a0: {  	v33 =	vmul.f32 v33, v40;
	v37 =	vmul.f32 v37, v40  }
0x1a1: {  	v36 =	vmul.f32 v36, v43;
	v38 =	vmul.f32 v38, v43  }
0x1a2: {  	v32 =	vmul.f32 v32, v35;
	[tilespmem:s13+$0x80] =	vst v33;
	v33 =	vmul.f32 v39, v35  }
0x1a3: {  	v34 =	vmul.f32 v34, v41;
	v35 =	vmul.f32 v42, v41;
	[tilespmem:s13+$0xC0] =	vst v38  }
0x1a4: {  	[tilespmem:s13+$0xD0] =	vst v36  }
0x1a5: {  	[tilespmem:s13+$0xE0] =	vst v32  }
0x1a6: {  	[tilespmem:s13+$0xF0] =	vst v33  }
0x1a7: {  	[tilespmem:s13+$0x90] =	vst v37  }
0x1a8: {  	v32 =	vld [tilespmem:s0+$0xFFFFFF40];
	[tilespmem:s13+$0xA0] =	vst v34  }
0x1a9: {  	v33 =	vld [tilespmem:s0+$0xFFFFFF70];
	[tilespmem:s13+$0xB0] =	vst v35;
	s13 =	smov.u32 s0  }
0x1aa: {  	v34 =	vld [tilespmem:s5+$0xFFFFFFE0]  }
0x1ab: {  	v35 =	vld [tilespmem:s0+$0xFFFFFF20]  }
0x1ac: {  	v36 =	vld [tilespmem:s0+$0xFFFFFF60]  }
0x1ad: {  	v37 =	vld [tilespmem:s0+$0xFFFFFF00]  }
0x1ae: {  	v38 =	vld [tilespmem:s0+$0xFFFFFF30]  }
0x1af: {  	v39 =	vld [tilespmem:s0+$0xFFFFFF10];
	v40 =	vperm.xlane v34, v29;
	v41 =	vperm.xlane v34, v31  }
0x1b0: {  	v42 =	vperm.xlane v34, v28;
	v34 =	vperm.xlane v34, v30;
	v43 =	vld [tilespmem:s0+$0xFFFFFF50]  }
0x1b1: {  	v36 =	vmul.f32 v36, v41  }
0x1b2: {  	v35 =	vmul.f32 v35, v40;
	v37 =	vmul.f32 v37, v42  }
0x1b3: {  	v33 =	vmul.f32 v33, v41;
	v38 =	vmul.f32 v38, v40;
	[tilespmem:s0+$0xFFFFFF60] =	vst v36  }
0x1b4: {  	v32 =	vmul.f32 v32, v34;
	[tilespmem:s0+$0xFFFFFF00] =	vst v37;
	v36 =	vmul.f32 v39, v42  }
0x1b5: {  	[tilespmem:s0+$0xFFFFFF30] =	vst v38;
	v37 =	vmul.f32 v43, v34  }
0x1b6: {  	[tilespmem:s0+$0xFFFFFF10] =	vst v36  }
.Ltmp0:
0x1b7: {  	[tilespmem:s0+$0xFFFFFF40] =	vst v32;
	(pc) =	sbr.rel @p1 .LBB2_3-.Ltmp0, $4  }
0x1b8: {  	[tilespmem:s0+$0xFFFFFF70] =	vst v33;
	v32 =	vld [tilespmem:s0+$0xFFFFFFF0]  }
0x1b9: {  	[tilespmem:s0+$0xFFFFFF20] =	vst v35;
	v34 =	vld [tilespmem:s0+$0xFFFFFF90]  }
0x1ba: {  	[tilespmem:s0+$0xFFFFFF50] =	vst v37;
	v33 =	vld [tilespmem:s0+$0xFFFFFFA0]  }
0x1bb: {  	v35 =	vld [tilespmem:s5+$0xFFFFFFF0]  }
0x1bc: {  	_ =	sdelay $0x1  }
0x1bd: {  	v36 =	vld [tilespmem:s13+$0xFFFFFFC0]  }
0x1be: {  	v37 =	vld [tilespmem:s13+$0xFFFFFFD0]  }
0x1bf: {  	v38 =	vperm.xlane v35, v28  }
0x1c0: {  	v40 =	vperm.xlane v35, v30  }
0x1c1: {  	v41 =	vld [tilespmem:s13+$0xFFFFFFE0];
	v34 =	vmul.f32 v34, v38  }
0x1c2: {  	v39 =	vld [tilespmem:s13+$0xFFFFFF80];
	v43 =	vperm.xlane v35, v31;
	v36 =	vmul.f32 v36, v40  }
0x1c3: {  	v42 =	vld [tilespmem:s13+$0xFFFFFFB0];
	v50 =	vperm.xlane v35, v29;
	v37 =	vmul.f32 v37, v40;
	[tilespmem:s13+$0xFFFFFF90] =	vst v34  }
0x1c4: {  	v32 =	vmul.f32 v32, v43;
	[tilespmem:s13+$0xFFFFFFC0] =	vst v36  }
0x1c5: {  	v33 =	vmul.f32 v33, v50;
	[tilespmem:s13+$0xFFFFFFD0] =	vst v37  }
0x1c6: {  	v51 =	vmul.f32 v41, v43;
	[tilespmem:s13+$0xFFFFFFF0] =	vst v32  }
0x1c7: {  	v52 =	vmul.f32 v39, v38;
	[tilespmem:s13+$0xFFFFFFA0] =	vst v33  }
0x1c8: {  	v53 =	vmul.f32 v42, v50;
	[tilespmem:s13+$0xFFFFFFE0] =	vst v51  }
0x1c9: {  	[tilespmem:s13+$0xFFFFFF80] =	vst v52  }
0x1ca: {  	[tilespmem:s13+$0xFFFFFFB0] =	vst v53  }
0x1cb: {  	v32 =	vld [tilespmem:s24+$0x0];
	_ =	sdelay $0x1  }
0x1cc: {  	v54 =	vld [tilespmem:s13+$0x10]  }
0x1cd: {  	v55 =	vld [tilespmem:s13+$0x40]  }
0x1ce: {  	v56 =	vld [tilespmem:s13+$0x30]  }
0x1cf: {  	v58 =	vld [tilespmem:s13+$0x0];
	v57 =	vperm.xlane v32, v28  }
0x1d0: {  	v59 =	vld [tilespmem:s13+$0x70];
	v60 =	vperm.xlane v32, v30  }
0x1d1: {  	v61 =	vld [tilespmem:s13+$0x60];
	v62 =	vperm.xlane v32, v29;
	v33 =	vmul.f32 v54, v57  }
0x1d2: {  	v63 =	vld [tilespmem:s13+$0x20];
	v34 =	vmul.f32 v55, v60  }
0x1d3: {  	v45 =	vld [tilespmem:s13+$0x50];
	v32 =	vperm.xlane v32, v31;
	v46 =	vmul.f32 v56, v62;
	[tilespmem:s13+$0x10] =	vst v33  }
0x1d4: {  	v47 =	vmul.f32 v58, v57;
	[tilespmem:s13+$0x40] =	vst v34  }
0x1d5: {  	v48 =	vmul.f32 v59, v32;
	[tilespmem:s13+$0x30] =	vst v46  }
0x1d6: {  	v32 =	vmul.f32 v61, v32;
	[tilespmem:s13+$0x0] =	vst v47  }
0x1d7: {  	v49 =	vmul.f32 v63, v62;
	[tilespmem:s13+$0x70] =	vst v48  }
0x1d8: {  	v50 =	vmul.f32 v45, v60;
	[tilespmem:s13+$0x60] =	vst v32  }
0x1d9: {  	[tilespmem:s13+$0x20] =	vst v49  }
0x1da: {  	[tilespmem:s13+$0x50] =	vst v50  }
0x1db: {  	v33 =	vld [tilespmem:s24+$0x10];
	_ =	sdelay $0x1  }
0x1dc: {  	v51 =	vld [tilespmem:s13+$0x80]  }
0x1dd: {  	v53 =	vld [tilespmem:s13+$0xC0]  }
0x1de: {  	v54 =	vld [tilespmem:s13+$0xD0]  }
0x1df: {  	v52 =	vld [tilespmem:s13+$0xE0];
	v56 =	vperm.xlane v33, v28  }
0x1e0: {  	v57 =	vld [tilespmem:s13+$0xF0];
	v58 =	vperm.xlane v33, v30  }
0x1e1: {  	v59 =	vld [tilespmem:s13+$0x90];
	v32 =	vmul.f32 v51, v56  }
0x1e2: {  	v55 =	vld [tilespmem:s13+$0xA0];
	v61 =	vperm.xlane v33, v31;
	v35 =	vmul.f32 v53, v58  }
0x1e3: {  	v60 =	vld [tilespmem:s13+$0xB0];
	v36 =	vmul.f32 v54, v58;
	[tilespmem:s13+$0x80] =	vst v32  }
0x1e4: {  	v62 =	vmul.f32 v52, v61;
	[tilespmem:s13+$0xC0] =	vst v35  }
0x1e5: {  	v33 =	vperm.xlane v33, v29;
	v63 =	vmul.f32 v57, v61;
	[tilespmem:s13+$0xD0] =	vst v36  }
0x1e6: {  	v39 =	vmul.f32 v59, v56;
	[tilespmem:s13+$0xE0] =	vst v62  }
0x1e7: {  	v40 =	vmul.f32 v55, v33;
	[tilespmem:s13+$0xF0] =	vst v63  }
0x1e8: {  	v33 =	vmul.f32 v60, v33;
	[tilespmem:s13+$0x90] =	vst v39  }
0x1e9: {  	[tilespmem:s13+$0xA0] =	vst v40  }
0x1ea: {  	s0 =	simm.s32 $0x163A0;
	[tilespmem:s13+$0xB0] =	vst v33  }
0x1eb: {  	[spmem:s2] =	stream.indirect.scatter.add.f32 [tilespmem:s0], [sflag:$0x5], $0x80, s26, s31, $0xb8;
	[tilespmem:$0x1FDA0] =	vst v63  }
0x1ec: {  	_ =	swait.ge [sflag:s18], $0x3800  }
0x1ed: {  	[sflag:s18] =	ssyncset.done $0x0  }
0x1ee: {  	[sflag:s18] =	ssyncadd.s32 $0xFFFFC800  }
0x1ef: {  	_ =	swait.ge [sflag:s18], $0x700  }
0x1f0: {  	[sflag:s18] =	ssyncset.done $0x0  }
0x1f1: {  	[sflag:s18] =	ssyncadd.s32 $0xFFFFF900  }
0x1f2: {  	_ =	swait.ge [sflag:s18], $0x700  }
0x1f3: {  	[sflag:s18] =	ssyncset.done $0x0  }
0x1f4: {  	[sflag:s18] =	ssyncadd.s32 $0xFFFFF900  }
0x1f5: {  	v41 =	vld [tilespmem:$0x16170]  }
0x1f6: {  	v42 =	vld [tilespmem:$0x16180]  }
0x1f7: {  	v43 =	vld [tilespmem:$0x16190]  }
0x1f8: {  	v44 =	vld [tilespmem:$0x161A0]  }
0x1f9: {  	v45 =	vld [tilespmem:$0x161B0]  }
0x1fa: {  	v46 =	vld [tilespmem:$0x161C0];
	[tilespmem:$0x16330] =	vst v41  }
0x1fb: {  	v47 =	vld [tilespmem:$0x161D0];
	[tilespmem:$0x16340] =	vst v42  }
0x1fc: {  	[tilespmem:$0x16350] =	vst v43  }
0x1fd: {  	[tilespmem:$0x16360] =	vst v44  }
0x1fe: {  	[tilespmem:$0x16370] =	vst v45  }
0x1ff: {  	[tilespmem:$0x16380] =	vst v46  }
0x200: {  	[tilespmem:$0x16390] =	vst v47  }
0x201: {  	_ =	swait.ge [sflag:s21], $0x700  }
0x202: {  	[sflag:s21] =	ssyncset.done $0x0  }
0x203: {  	[sflag:s21] =	ssyncadd.s32 $0xFFFFF900  }
0x204: {  	_ =	swait.ge [sflag:s21], $0x3800  }
0x205: {  	[sflag:s21] =	ssyncset.done $0x0  }
0x206: {  	s0 =	simm.s32 @!p0 $0x1;
	[sflag:s21] =	ssyncadd.s32 $0xFFFFC800  }
0x207: {  	_ =	swait.ge @!p0 [sflag:s0], $0x70  }
0x208: {  	[sflag:s0] =	ssyncset.done @!p0 $0x0  }
0x209: {  	[sflag:s0] =	ssyncadd.s32 @!p0 $0xFFFFFF90  }
0x20a: {  	_ =	swait.ge @!p0 [sflag:s0], $0x70  }
0x20b: {  	s5 =	simm.s32 @!p0 $0x16020;
	[sflag:s0] =	ssyncset.done @!p0 $0x0  }
0x20c: {  	s13 =	simm.s32 @!p0 $0x163A0;
	[sflag:s0] =	ssyncadd.s32 @!p0 $0xFFFFFF90;
	s0 =	simm.s32 @!p0 $0x70  }
0x20d: {  	[tilespmem:s13], [sflag:$0x3] =	stream.indirect.gather @!p0 [hbm4b:s6+s0], $0x80, s5, s0, $0xb8;
	[tilespmem:$0x1FDA0] =	vst v63  }
0x20e: {  	s13 =	simm.s32 @!p0 $0x1D3A0  }
0x20f: {  	[tilespmem:s13], [sflag:$0x3] =	stream.indirect.gather @!p0 [hbm4b:s7+s0], $0x10, s5, s0, $0xb8;
	[tilespmem:$0x1FDA0] =	vst v63  }
0x210: {  	s5 =	simm.s32 @!p0 $0x16090;
	s13 =	simm.s32 @!p0 $0x1E1A0  }
0x211: {  	[tilespmem:s13], [sflag:$0x3] =	stream.indirect.gather @!p0 [hbm4b:s8+s0], $0x10, s5, s0, $0xb8;
	[tilespmem:$0x1FDA0] =	vst v63  }
0x212: {  	s0 =	sadd.s32 @!p0 s25, s20  }
0x213: {  	s0 =	sshrl.u32 @!p0 s0, $0x3  }
0x214: {  	s24 =	simm.s32 @!p0 $0x16100;
	s13 =	simm.s32 @!p0 $0x0;
	s5 =	sadd.s32 @!p0 s9, s0  }
0x215: {  	[tilespmem:s24], [sflag:$0x2] =	stream.linear.gather @!p0 [hbm4b:s5+s13], $0x70, $0x38;
	[tilespmem:$0x1FDA0] =	vst v63  }
0x216: {  	s0 =	sadd.s32 @!p0 s1, s0;
	s5 =	simm.s32 @!p0 $0x16170  }
0x217: {  	[tilespmem:s5], [sflag:$0x2] =	stream.linear.gather @!p0 [hbm4b:s0+s13], $0x70, $0x38;
	[tilespmem:$0x1FDA0] =	vst v63  }
0x218: {  	v48 =	vld.idx.msk [tilespmem:v0+s15+$0x0], $0xffff  }
0x219: {  	v49 =	vld.idx.msk [tilespmem:v0+s16+$0x0], $0xffff;
	_ =	sdelay $0x4  }
0x21a: {  	v32 =	vadd.f32 v49, v48;
	_ =	sdelay $0x1  }
0x21b: {  	v33 =	vmul.f32 $2.000000030e-01, v32;
	_ =	sdelay $0x1  }
0x21c: {  	v32 =	vmax.f32 v32, v33  }
0x21d: {  	v32 =	vmul.f32 $1.442695020e+00, v32;
	_ =	sdelay $0x1  }
0x21e: {  	(erf) = vpow2.f32 v32;
	_ =	sdelay $0x8  }
0x21f: {  	v32 =	vpop (erf)  }
0x220: {  	[tilespmem:v0+s22+$0x0] =	vst.idx.msk $0xffff, v32  }
0x221: {  	v32 =	vld.idx.msk [tilespmem:v1+s15+$0x0], $0xffff  }
0x222: {  	v50 =	vld.idx.msk [tilespmem:v1+s16+$0x0], $0xffff;
	_ =	sdelay $0x4  }
0x223: {  	v32 =	vadd.f32 v50, v32;
	_ =	sdelay $0x1  }
0x224: {  	v33 =	vmul.f32 $2.000000030e-01, v32;
	_ =	sdelay $0x1  }
0x225: {  	v32 =	vmax.f32 v32, v33  }
0x226: {  	v32 =	vmul.f32 $1.442695020e+00, v32;
	_ =	sdelay $0x1  }
0x227: {  	(erf) = vpow2.f32 v32;
	_ =	sdelay $0x8  }
0x228: {  	v32 =	vpop (erf)  }
0x229: {  	[tilespmem:v1+s22+$0x0] =	vst.idx.msk $0xffff, v32  }
0x22a: {  	v32 =	vld.idx.msk [tilespmem:v2+s15+$0x0], $0xffff  }
0x22b: {  	v51 =	vld.idx.msk [tilespmem:v2+s16+$0x0], $0xffff;
	_ =	sdelay $0x4  }
0x22c: {  	v32 =	vadd.f32 v51, v32;
	_ =	sdelay $0x1  }
0x22d: {  	v33 =	vmul.f32 $2.000000030e-01, v32;
	_ =	sdelay $0x1  }
0x22e: {  	v32 =	vmax.f32 v32, v33  }
0x22f: {  	v32 =	vmul.f32 $1.442695020e+00, v32;
	_ =	sdelay $0x1  }
0x230: {  	(erf) = vpow2.f32 v32;
	_ =	sdelay $0x8  }
0x231: {  	v32 =	vpop (erf)  }
0x232: {  	[tilespmem:v2+s22+$0x0] =	vst.idx.msk $0xffff, v32  }
0x233: {  	v32 =	vld.idx.msk [tilespmem:v3+s15+$0x0], $0xffff  }
0x234: {  	v52 =	vld.idx.msk [tilespmem:v3+s16+$0x0], $0xffff;
	_ =	sdelay $0x4  }
0x235: {  	v32 =	vadd.f32 v52, v32;
	_ =	sdelay $0x1  }
0x236: {  	v33 =	vmul.f32 $2.000000030e-01, v32;
	_ =	sdelay $0x1  }
0x237: {  	v32 =	vmax.f32 v32, v33  }
0x238: {  	v32 =	vmul.f32 $1.442695020e+00, v32;
	_ =	sdelay $0x1  }
0x239: {  	(erf) = vpow2.f32 v32;
	_ =	sdelay $0x8  }
0x23a: {  	v32 =	vpop (erf)  }
0x23b: {  	[tilespmem:v3+s22+$0x0] =	vst.idx.msk $0xffff, v32  }
0x23c: {  	v32 =	vld.idx.msk [tilespmem:v4+s15+$0x0], $0xffff  }
0x23d: {  	v53 =	vld.idx.msk [tilespmem:v4+s16+$0x0], $0xffff;
	_ =	sdelay $0x4  }
0x23e: {  	v32 =	vadd.f32 v53, v32;
	_ =	sdelay $0x1  }
0x23f: {  	v33 =	vmul.f32 $2.000000030e-01, v32;
	_ =	sdelay $0x1  }
0x240: {  	v32 =	vmax.f32 v32, v33  }
0x241: {  	v32 =	vmul.f32 $1.442695020e+00, v32;
	_ =	sdelay $0x1  }
0x242: {  	(erf) = vpow2.f32 v32;
	_ =	sdelay $0x8  }
0x243: {  	v32 =	vpop (erf)  }
0x244: {  	[tilespmem:v4+s22+$0x0] =	vst.idx.msk $0xffff, v32  }
0x245: {  	v32 =	vld.idx.msk [tilespmem:v5+s15+$0x0], $0xffff  }
0x246: {  	v54 =	vld.idx.msk [tilespmem:v5+s16+$0x0], $0xffff;
	_ =	sdelay $0x4  }
0x247: {  	v32 =	vadd.f32 v54, v32;
	_ =	sdelay $0x1  }
0x248: {  	v33 =	vmul.f32 $2.000000030e-01, v32;
	_ =	sdelay $0x1  }
0x249: {  	v32 =	vmax.f32 v32, v33  }
0x24a: {  	v32 =	vmul.f32 $1.442695020e+00, v32;
	_ =	sdelay $0x1  }
0x24b: {  	(erf) = vpow2.f32 v32;
	_ =	sdelay $0x8  }
0x24c: {  	v32 =	vpop (erf)  }
0x24d: {  	[tilespmem:v5+s22+$0x0] =	vst.idx.msk $0xffff, v32  }
0x24e: {  	v32 =	vld.idx.msk [tilespmem:v6+s15+$0x0], $0xffff  }
0x24f: {  	v55 =	vld.idx.msk [tilespmem:v6+s16+$0x0], $0xffff;
	_ =	sdelay $0x4  }
0x250: {  	v32 =	vadd.f32 v55, v32;
	_ =	sdelay $0x1  }
0x251: {  	v33 =	vmul.f32 $2.000000030e-01, v32;
	_ =	sdelay $0x1  }
0x252: {  	v32 =	vmax.f32 v32, v33  }
0x253: {  	v32 =	vmul.f32 $1.442695020e+00, v32;
	_ =	sdelay $0x1  }
0x254: {  	(erf) = vpow2.f32 v32;
	_ =	sdelay $0x8  }
0x255: {  	v32 =	vpop (erf)  }
0x256: {  	[tilespmem:v6+s22+$0x0] =	vst.idx.msk $0xffff, v32  }
0x257: {  	v32 =	vld.idx.msk [tilespmem:v7+s15+$0x0], $0xffff  }
0x258: {  	v56 =	vld.idx.msk [tilespmem:v7+s16+$0x0], $0xffff;
	_ =	sdelay $0x4  }
0x259: {  	v32 =	vadd.f32 v56, v32;
	_ =	sdelay $0x1  }
0x25a: {  	v33 =	vmul.f32 $2.000000030e-01, v32;
	_ =	sdelay $0x1  }
0x25b: {  	v32 =	vmax.f32 v32, v33  }
0x25c: {  	v32 =	vmul.f32 $1.442695020e+00, v32;
	_ =	sdelay $0x1  }
0x25d: {  	(erf) = vpow2.f32 v32;
	_ =	sdelay $0x8  }
0x25e: {  	v32 =	vpop (erf)  }
0x25f: {  	[tilespmem:v7+s22+$0x0] =	vst.idx.msk $0xffff, v32  }
0x260: {  	v32 =	vld.idx.msk [tilespmem:v8+s15+$0x0], $0xffff  }
0x261: {  	v57 =	vld.idx.msk [tilespmem:v8+s16+$0x0], $0xffff;
	_ =	sdelay $0x4  }
0x262: {  	v32 =	vadd.f32 v57, v32;
	_ =	sdelay $0x1  }
0x263: {  	v33 =	vmul.f32 $2.000000030e-01, v32;
	_ =	sdelay $0x1  }
0x264: {  	v32 =	vmax.f32 v32, v33  }
0x265: {  	v32 =	vmul.f32 $1.442695020e+00, v32;
	_ =	sdelay $0x1  }
0x266: {  	(erf) = vpow2.f32 v32;
	_ =	sdelay $0x8  }
0x267: {  	v32 =	vpop (erf)  }
0x268: {  	[tilespmem:v8+s22+$0x0] =	vst.idx.msk $0xffff, v32  }
0x269: {  	v32 =	vld.idx.msk [tilespmem:v9+s15+$0x0], $0xffff  }
0x26a: {  	v58 =	vld.idx.msk [tilespmem:v9+s16+$0x0], $0xffff;
	_ =	sdelay $0x4  }
0x26b: {  	v32 =	vadd.f32 v58, v32;
	_ =	sdelay $0x1  }
0x26c: {  	v33 =	vmul.f32 $2.000000030e-01, v32;
	_ =	sdelay $0x1  }
0x26d: {  	v32 =	vmax.f32 v32, v33  }
0x26e: {  	v32 =	vmul.f32 $1.442695020e+00, v32;
	_ =	sdelay $0x1  }
0x26f: {  	(erf) = vpow2.f32 v32;
	_ =	sdelay $0x8  }
0x270: {  	v32 =	vpop (erf)  }
0x271: {  	[tilespmem:v9+s22+$0x0] =	vst.idx.msk $0xffff, v32  }
0x272: {  	v32 =	vld.idx.msk [tilespmem:v10+s15+$0x0], $0xffff  }
0x273: {  	v59 =	vld.idx.msk [tilespmem:v10+s16+$0x0], $0xffff;
	_ =	sdelay $0x4  }
0x274: {  	v32 =	vadd.f32 v59, v32;
	_ =	sdelay $0x1  }
0x275: {  	v33 =	vmul.f32 $2.000000030e-01, v32;
	_ =	sdelay $0x1  }
0x276: {  	v32 =	vmax.f32 v32, v33  }
0x277: {  	v32 =	vmul.f32 $1.442695020e+00, v32;
	_ =	sdelay $0x1  }
0x278: {  	(erf) = vpow2.f32 v32;
	_ =	sdelay $0x8  }
0x279: {  	v32 =	vpop (erf)  }
0x27a: {  	[tilespmem:v10+s22+$0x0] =	vst.idx.msk $0xffff, v32  }
0x27b: {  	v32 =	vld.idx.msk [tilespmem:v11+s15+$0x0], $0xffff  }
0x27c: {  	v60 =	vld.idx.msk [tilespmem:v11+s16+$0x0], $0xffff;
	_ =	sdelay $0x4  }
0x27d: {  	v32 =	vadd.f32 v60, v32;
	_ =	sdelay $0x1  }
0x27e: {  	v33 =	vmul.f32 $2.000000030e-01, v32;
	_ =	sdelay $0x1  }
0x27f: {  	v32 =	vmax.f32 v32, v33  }
0x280: {  	v32 =	vmul.f32 $1.442695020e+00, v32;
	_ =	sdelay $0x1  }
0x281: {  	(erf) = vpow2.f32 v32;
	_ =	sdelay $0x8  }
0x282: {  	v32 =	vpop (erf)  }
0x283: {  	[tilespmem:v11+s22+$0x0] =	vst.idx.msk $0xffff, v32  }
0x284: {  	v32 =	vld.idx.msk [tilespmem:v12+s15+$0x0], $0xffff  }
0x285: {  	v61 =	vld.idx.msk [tilespmem:v12+s16+$0x0], $0xffff;
	_ =	sdelay $0x4  }
0x286: {  	v32 =	vadd.f32 v61, v32;
	_ =	sdelay $0x1  }
0x287: {  	v33 =	vmul.f32 $2.000000030e-01, v32;
	_ =	sdelay $0x1  }
0x288: {  	v32 =	vmax.f32 v32, v33  }
0x289: {  	v32 =	vmul.f32 $1.442695020e+00, v32;
	_ =	sdelay $0x1  }
0x28a: {  	(erf) = vpow2.f32 v32;
	_ =	sdelay $0x8  }
0x28b: {  	v32 =	vpop (erf)  }
0x28c: {  	[tilespmem:v12+s22+$0x0] =	vst.idx.msk $0xffff, v32  }
0x28d: {  	v32 =	vld.idx.msk [tilespmem:v13+s15+$0x0], $0xffff  }
0x28e: {  	v62 =	vld.idx.msk [tilespmem:v13+s16+$0x0], $0xffff;
	_ =	sdelay $0x4  }
0x28f: {  	v32 =	vadd.f32 v62, v32;
	_ =	sdelay $0x1  }
0x290: {  	v33 =	vmul.f32 $2.000000030e-01, v32;
	_ =	sdelay $0x1  }
0x291: {  	v32 =	vmax.f32 v32, v33  }
0x292: {  	v32 =	vmul.f32 $1.442695020e+00, v32;
	_ =	sdelay $0x1  }
0x293: {  	(erf) = vpow2.f32 v32;
	_ =	sdelay $0x8  }
0x294: {  	v32 =	vpop (erf)  }
0x295: {  	[tilespmem:v13+s22+$0x0] =	vst.idx.msk $0xffff, v32  }
0x296: {  	v32 =	vld.idx.msk [tilespmem:v14+s15+$0x0], $0xffff  }
0x297: {  	v63 =	vld.idx.msk [tilespmem:v14+s16+$0x0], $0xffff;
	_ =	sdelay $0x4  }
0x298: {  	v32 =	vadd.f32 v63, v32;
	_ =	sdelay $0x1  }
0x299: {  	v33 =	vmul.f32 $2.000000030e-01, v32;
	_ =	sdelay $0x1  }
0x29a: {  	v32 =	vmax.f32 v32, v33  }
0x29b: {  	v32 =	vmul.f32 $1.442695020e+00, v32;
	_ =	sdelay $0x1  }
0x29c: {  	(erf) = vpow2.f32 v32;
	_ =	sdelay $0x8  }
0x29d: {  	v32 =	vpop (erf)  }
0x29e: {  	[tilespmem:v14+s22+$0x0] =	vst.idx.msk $0xffff, v32  }
0x29f: {  	v32 =	vld.idx.msk [tilespmem:v15+s15+$0x0], $0xffff  }
0x2a0: {  	v36 =	vld.idx.msk [tilespmem:v15+s16+$0x0], $0xffff;
	_ =	sdelay $0x4  }
0x2a1: {  	v32 =	vadd.f32 v36, v32;
	_ =	sdelay $0x1  }
0x2a2: {  	v33 =	vmul.f32 $2.000000030e-01, v32;
	_ =	sdelay $0x1  }
0x2a3: {  	v32 =	vmax.f32 v32, v33  }
0x2a4: {  	v32 =	vmul.f32 $1.442695020e+00, v32;
	_ =	sdelay $0x1  }
0x2a5: {  	(erf) = vpow2.f32 v32;
	_ =	sdelay $0x8  }
0x2a6: {  	v32 =	vpop (erf)  }
0x2a7: {  	[tilespmem:v15+s22+$0x0] =	vst.idx.msk $0xffff, v32  }
0x2a8: {  	v32 =	vld.idx.msk [tilespmem:v16+s15+$0x0], $0xffff  }
0x2a9: {  	v37 =	vld.idx.msk [tilespmem:v16+s16+$0x0], $0xffff;
	_ =	sdelay $0x4  }
0x2aa: {  	v32 =	vadd.f32 v37, v32;
	_ =	sdelay $0x1  }
0x2ab: {  	v33 =	vmul.f32 $2.000000030e-01, v32;
	_ =	sdelay $0x1  }
0x2ac: {  	v32 =	vmax.f32 v32, v33  }
0x2ad: {  	v32 =	vmul.f32 $1.442695020e+00, v32;
	_ =	sdelay $0x1  }
0x2ae: {  	(erf) = vpow2.f32 v32;
	_ =	sdelay $0x8  }
0x2af: {  	v32 =	vpop (erf)  }
0x2b0: {  	[tilespmem:v16+s22+$0x0] =	vst.idx.msk $0xffff, v32  }
0x2b1: {  	v32 =	vld.idx.msk [tilespmem:v17+s15+$0x0], $0xffff  }
0x2b2: {  	v38 =	vld.idx.msk [tilespmem:v17+s16+$0x0], $0xffff;
	_ =	sdelay $0x4  }
0x2b3: {  	v32 =	vadd.f32 v38, v32;
	_ =	sdelay $0x1  }
0x2b4: {  	v33 =	vmul.f32 $2.000000030e-01, v32;
	_ =	sdelay $0x1  }
0x2b5: {  	v32 =	vmax.f32 v32, v33  }
0x2b6: {  	v32 =	vmul.f32 $1.442695020e+00, v32;
	_ =	sdelay $0x1  }
0x2b7: {  	(erf) = vpow2.f32 v32;
	_ =	sdelay $0x8  }
0x2b8: {  	v32 =	vpop (erf)  }
0x2b9: {  	[tilespmem:v17+s22+$0x0] =	vst.idx.msk $0xffff, v32  }
0x2ba: {  	v32 =	vld.idx.msk [tilespmem:v18+s15+$0x0], $0xffff  }
0x2bb: {  	v39 =	vld.idx.msk [tilespmem:v18+s16+$0x0], $0xffff;
	_ =	sdelay $0x4  }
0x2bc: {  	v32 =	vadd.f32 v39, v32;
	_ =	sdelay $0x1  }
0x2bd: {  	v33 =	vmul.f32 $2.000000030e-01, v32;
	_ =	sdelay $0x1  }
0x2be: {  	v32 =	vmax.f32 v32, v33  }
0x2bf: {  	v32 =	vmul.f32 $1.442695020e+00, v32;
	_ =	sdelay $0x1  }
0x2c0: {  	(erf) = vpow2.f32 v32;
	_ =	sdelay $0x8  }
0x2c1: {  	v32 =	vpop (erf)  }
0x2c2: {  	[tilespmem:v18+s22+$0x0] =	vst.idx.msk $0xffff, v32  }
0x2c3: {  	v32 =	vld.idx.msk [tilespmem:v19+s15+$0x0], $0xffff  }
0x2c4: {  	v40 =	vld.idx.msk [tilespmem:v19+s16+$0x0], $0xffff;
	_ =	sdelay $0x4  }
0x2c5: {  	v32 =	vadd.f32 v40, v32;
	_ =	sdelay $0x1  }
0x2c6: {  	v33 =	vmul.f32 $2.000000030e-01, v32;
	_ =	sdelay $0x1  }
0x2c7: {  	v32 =	vmax.f32 v32, v33  }
0x2c8: {  	v32 =	vmul.f32 $1.442695020e+00, v32;
	_ =	sdelay $0x1  }
0x2c9: {  	(erf) = vpow2.f32 v32;
	_ =	sdelay $0x8  }
0x2ca: {  	v32 =	vpop (erf)  }
0x2cb: {  	[tilespmem:v19+s22+$0x0] =	vst.idx.msk $0xffff, v32  }
0x2cc: {  	v32 =	vld.idx.msk [tilespmem:v20+s15+$0x0], $0xffff  }
0x2cd: {  	v41 =	vld.idx.msk [tilespmem:v20+s16+$0x0], $0xffff;
	_ =	sdelay $0x4  }
0x2ce: {  	v32 =	vadd.f32 v41, v32;
	_ =	sdelay $0x1  }
0x2cf: {  	v33 =	vmul.f32 $2.000000030e-01, v32;
	_ =	sdelay $0x1  }
0x2d0: {  	v32 =	vmax.f32 v32, v33  }
0x2d1: {  	v32 =	vmul.f32 $1.442695020e+00, v32;
	_ =	sdelay $0x1  }
0x2d2: {  	(erf) = vpow2.f32 v32;
	_ =	sdelay $0x8  }
0x2d3: {  	v32 =	vpop (erf)  }
0x2d4: {  	[tilespmem:v20+s22+$0x0] =	vst.idx.msk $0xffff, v32  }
0x2d5: {  	v32 =	vld.idx.msk [tilespmem:v21+s15+$0x0], $0xffff  }
0x2d6: {  	v42 =	vld.idx.msk [tilespmem:v21+s16+$0x0], $0xffff;
	_ =	sdelay $0x4  }
0x2d7: {  	v32 =	vadd.f32 v42, v32;
	_ =	sdelay $0x1  }
0x2d8: {  	v33 =	vmul.f32 $2.000000030e-01, v32;
	_ =	sdelay $0x1  }
0x2d9: {  	v32 =	vmax.f32 v32, v33  }
0x2da: {  	v32 =	vmul.f32 $1.442695020e+00, v32;
	_ =	sdelay $0x1  }
0x2db: {  	(erf) = vpow2.f32 v32;
	_ =	sdelay $0x8  }
0x2dc: {  	v32 =	vpop (erf)  }
0x2dd: {  	[tilespmem:v21+s22+$0x0] =	vst.idx.msk $0xffff, v32  }
0x2de: {  	v32 =	vld.idx.msk [tilespmem:v22+s15+$0x0], $0xffff  }
0x2df: {  	v43 =	vld.idx.msk [tilespmem:v22+s16+$0x0], $0xffff;
	_ =	sdelay $0x4  }
0x2e0: {  	v32 =	vadd.f32 v43, v32;
	_ =	sdelay $0x1  }
0x2e1: {  	v33 =	vmul.f32 $2.000000030e-01, v32;
	_ =	sdelay $0x1  }
0x2e2: {  	v32 =	vmax.f32 v32, v33  }
0x2e3: {  	v32 =	vmul.f32 $1.442695020e+00, v32;
	_ =	sdelay $0x1  }
0x2e4: {  	(erf) = vpow2.f32 v32;
	_ =	sdelay $0x8  }
0x2e5: {  	v32 =	vpop (erf)  }
0x2e6: {  	[tilespmem:v22+s22+$0x0] =	vst.idx.msk $0xffff, v32  }
0x2e7: {  	v32 =	vld.idx.msk [tilespmem:v23+s15+$0x0], $0xffff  }
0x2e8: {  	v44 =	vld.idx.msk [tilespmem:v23+s16+$0x0], $0xffff;
	_ =	sdelay $0x4  }
0x2e9: {  	v32 =	vadd.f32 v44, v32;
	_ =	sdelay $0x1  }
0x2ea: {  	v33 =	vmul.f32 $2.000000030e-01, v32;
	_ =	sdelay $0x1  }
0x2eb: {  	v32 =	vmax.f32 v32, v33  }
0x2ec: {  	v32 =	vmul.f32 $1.442695020e+00, v32;
	_ =	sdelay $0x1  }
0x2ed: {  	(erf) = vpow2.f32 v32;
	_ =	sdelay $0x8  }
0x2ee: {  	v32 =	vpop (erf)  }
0x2ef: {  	[tilespmem:v23+s22+$0x0] =	vst.idx.msk $0xffff, v32  }
0x2f0: {  	v32 =	vld.idx.msk [tilespmem:v24+s15+$0x0], $0xffff  }
0x2f1: {  	v45 =	vld.idx.msk [tilespmem:v24+s16+$0x0], $0xffff;
	_ =	sdelay $0x4  }
0x2f2: {  	v32 =	vadd.f32 v45, v32;
	_ =	sdelay $0x1  }
0x2f3: {  	v33 =	vmul.f32 $2.000000030e-01, v32;
	_ =	sdelay $0x1  }
0x2f4: {  	v32 =	vmax.f32 v32, v33  }
0x2f5: {  	v32 =	vmul.f32 $1.442695020e+00, v32;
	_ =	sdelay $0x1  }
0x2f6: {  	(erf) = vpow2.f32 v32;
	_ =	sdelay $0x8  }
0x2f7: {  	v32 =	vpop (erf)  }
0x2f8: {  	[tilespmem:v24+s22+$0x0] =	vst.idx.msk $0xffff, v32  }
0x2f9: {  	v32 =	vld.idx.msk [tilespmem:v25+s15+$0x0], $0xffff  }
0x2fa: {  	v46 =	vld.idx.msk [tilespmem:v25+s16+$0x0], $0xffff;
	_ =	sdelay $0x4  }
0x2fb: {  	v32 =	vadd.f32 v46, v32;
	_ =	sdelay $0x1  }
0x2fc: {  	v33 =	vmul.f32 $2.000000030e-01, v32;
	_ =	sdelay $0x1  }
0x2fd: {  	v32 =	vmax.f32 v32, v33  }
0x2fe: {  	v32 =	vmul.f32 $1.442695020e+00, v32;
	_ =	sdelay $0x1  }
0x2ff: {  	(erf) = vpow2.f32 v32;
	_ =	sdelay $0x8  }
0x300: {  	v32 =	vpop (erf)  }
0x301: {  	[tilespmem:v25+s22+$0x0] =	vst.idx.msk $0xffff, v32  }
0x302: {  	v32 =	vld.idx.msk [tilespmem:v26+s15+$0x0], $0xffff  }
0x303: {  	v47 =	vld.idx.msk [tilespmem:v26+s16+$0x0], $0xffff;
	_ =	sdelay $0x4  }
0x304: {  	v32 =	vadd.f32 v47, v32;
	_ =	sdelay $0x1  }
0x305: {  	v33 =	vmul.f32 $2.000000030e-01, v32;
	_ =	sdelay $0x1  }
0x306: {  	v32 =	vmax.f32 v32, v33  }
0x307: {  	v32 =	vmul.f32 $1.442695020e+00, v32;
	_ =	sdelay $0x1  }
0x308: {  	(erf) = vpow2.f32 v32;
	_ =	sdelay $0x8  }
0x309: {  	v32 =	vpop (erf)  }
0x30a: {  	[tilespmem:v26+s22+$0x0] =	vst.idx.msk $0xffff, v32  }
0x30b: {  	v32 =	vld.idx.msk [tilespmem:v27+s15+$0x0], $0xffff  }
0x30c: {  	v48 =	vld.idx.msk [tilespmem:v27+s16+$0x0], $0xffff;
	_ =	sdelay $0x4  }
0x30d: {  	v32 =	vadd.f32 v48, v32;
	_ =	sdelay $0x1  }
0x30e: {  	v33 =	vmul.f32 $2.000000030e-01, v32;
	_ =	sdelay $0x1  }
0x30f: {  	v32 =	vmax.f32 v32, v33  }
0x310: {  	v32 =	vmul.f32 $1.442695020e+00, v32;
	_ =	sdelay $0x1  }
0x311: {  	(erf) = vpow2.f32 v32;
	_ =	sdelay $0x8  }
0x312: {  	v32 =	vpop (erf)  }
0x313: {  	s5 =	simm.s32 $0x1F6C0;
	[tilespmem:v27+s22+$0x0] =	vst.idx.msk $0xffff, v32  }
0x314: {  	[spmem:s4] =	stream.indirect.scatter.add.f32 [tilespmem:s22], [sflag:$0x6], $0x10, s23, s31, $0xb8;
	[tilespmem:$0x1FDA0] =	vst v63  }
0x315: {  	v32 =	vld [tilespmem:s5+$0xFFFFFFE0]  }
0x316: {  	s13 =	simm.s32 $0x19CA0  }
0x317: {  	v50 =	vld [tilespmem:s13+$0xFFFFFF60]  }
0x318: {  	v51 =	vld [tilespmem:s13+$0xFFFFFF00]  }
0x319: {  	v52 =	vld [tilespmem:s13+$0xFFFFFF30]  }
0x31a: {  	v53 =	vld [tilespmem:s13+$0xFFFFFF10];
	v54 =	vperm.xlane v32, v31  }
0x31b: {  	v49 =	vld [tilespmem:s13+$0xFFFFFF40];
	v56 =	vperm.xlane v32, v28  }
0x31c: {  	v55 =	vld [tilespmem:s13+$0xFFFFFF70];
	v58 =	vperm.xlane v32, v29;
	v34 =	vmul.f32 v50, v54  }
0x31d: {  	v57 =	vld [tilespmem:s13+$0xFFFFFF20];
	v35 =	vmul.f32 v51, v56  }
0x31e: {  	v59 =	vld [tilespmem:s13+$0xFFFFFF50];
	v32 =	vperm.xlane v32, v30;
	v36 =	vmul.f32 v52, v58;
	[tilespmem:s13+$0xFFFFFF60] =	vst v34  }
0x31f: {  	v60 =	vmul.f32 v53, v56;
	[tilespmem:s13+$0xFFFFFF00] =	vst v35  }
0x320: {  	v33 =	vmul.f32 v49, v32;
	[tilespmem:s13+$0xFFFFFF30] =	vst v36  }
0x321: {  	v61 =	vmul.f32 v55, v54;
	[tilespmem:s13+$0xFFFFFF10] =	vst v60  }
0x322: {  	v62 =	vmul.f32 v57, v58;
	[tilespmem:s13+$0xFFFFFF40] =	vst v33  }
0x323: {  	v63 =	vmul.f32 v59, v32;
	v32 =	vld [tilespmem:s13+$0xFFFFFFF0];
	[tilespmem:s13+$0xFFFFFF70] =	vst v61  }
0x324: {  	[tilespmem:s13+$0xFFFFFF20] =	vst v62;
	v34 =	vld [tilespmem:s13+$0xFFFFFF90]  }
0x325: {  	[tilespmem:s13+$0xFFFFFF50] =	vst v63;
	v33 =	vld [tilespmem:s13+$0xFFFFFFA0]  }
0x326: {  	s25 =	simm.s32 $0x0;
	s24 =	simm.s32 $0x1F6C0;
	s0 =	simm.s32 $0x19CA0;
	v35 =	vld [tilespmem:s5+$0xFFFFFFF0]  }
.LBB2_5:
0x327: {  	s25 =	sadd.s32 $0x4, s25;
	v36 =	vld [tilespmem:s13+$0xFFFFFFD0];
	s5 =	sadd.s32 $0x40, s5;
	s0 =	sadd.s32 $0x200, s0  }
0x328: {  	p0 =	slt.u32 s25, $0x6C;
	v37 =	vld [tilespmem:s13+$0xFFFFFF80]  }
0x329: {  	v38 =	vld [tilespmem:s13+$0xFFFFFFC0]  }
0x32a: {  	v39 =	vld [tilespmem:s13+$0xFFFFFFE0]  }
0x32b: {  	v40 =	vperm.xlane v35, v28;
	v41 =	vperm.xlane v35, v29;
	v42 =	vld [tilespmem:s13+$0xFFFFFFB0]  }
0x32c: {  	v43 =	vperm.xlane v35, v30;
	v35 =	vperm.xlane v35, v31  }
0x32d: {  	v37 =	vmul.f32 v37, v40;
	v34 =	vmul.f32 v34, v40  }
0x32e: {  	v36 =	vmul.f32 v36, v43;
	v38 =	vmul.f32 v38, v43  }
0x32f: {  	v32 =	vmul.f32 v32, v35;
	[tilespmem:s13+$0xFFFFFF90] =	vst v34;
	v34 =	vmul.f32 v39, v35  }
0x330: {  	v33 =	vmul.f32 v33, v41;
	v35 =	vmul.f32 v42, v41;
	[tilespmem:s13+$0xFFFFFFC0] =	vst v38  }
0x331: {  	[tilespmem:s13+$0xFFFFFFD0] =	vst v36  }
0x332: {  	[tilespmem:s13+$0xFFFFFFF0] =	vst v32  }
0x333: {  	[tilespmem:s13+$0xFFFFFFA0] =	vst v33  }
0x334: {  	[tilespmem:s13+$0xFFFFFFE0] =	vst v34;
	v32 =	vld [tilespmem:s13+$0x60]  }
0x335: {  	[tilespmem:s13+$0xFFFFFF80] =	vst v37;
	v33 =	vld [tilespmem:s13+$0x70]  }
0x336: {  	[tilespmem:s13+$0xFFFFFFB0] =	vst v35;
	v34 =	vld [tilespmem:s13+$0x40]  }
0x337: {  	v35 =	vld [tilespmem:s24+$0x0]  }
0x338: {  	v36 =	vld [tilespmem:s13+$0x20]  }
0x339: {  	v37 =	vld [tilespmem:s13+$0x10]  }
0x33a: {  	v38 =	vld [tilespmem:s13+$0x50]  }
0x33b: {  	v39 =	vld [tilespmem:s13+$0x30]  }
0x33c: {  	v40 =	vperm.xlane v35, v28;
	v41 =	vld [tilespmem:s13+$0x0];
	v42 =	vperm.xlane v35, v29  }
0x33d: {  	v43 =	vperm.xlane v35, v30;
	v35 =	vperm.xlane v35, v31  }
0x33e: {  	v37 =	vmul.f32 v37, v40;
	v36 =	vmul.f32 v36, v42  }
0x33f: {  	v34 =	vmul.f32 v34, v43;
	v38 =	vmul.f32 v38, v43  }
0x340: {  	v33 =	vmul.f32 v33, v35;
	[tilespmem:s13+$0x10] =	vst v37;
	v37 =	vmul.f32 v39, v42  }
0x341: {  	v32 =	vmul.f32 v32, v35;
	v39 =	vmul.f32 v41, v40;
	[tilespmem:s13+$0x40] =	vst v34  }
0x342: {  	[tilespmem:s13+$0x30] =	vst v37  }
0x343: {  	[tilespmem:s13+$0x0] =	vst v39  }
0x344: {  	[tilespmem:s13+$0x70] =	vst v33  }
0x345: {  	[tilespmem:s13+$0x60] =	vst v32;
	v32 =	vld [tilespmem:s13+$0xE0]  }
0x346: {  	[tilespmem:s13+$0x20] =	vst v36;
	v33 =	vld [tilespmem:s13+$0x80]  }
0x347: {  	[tilespmem:s13+$0x50] =	vst v38;
	v34 =	vld [tilespmem:s13+$0xA0]  }
0x348: {  	v35 =	vld [tilespmem:s24+$0x10];
	s24 =	smov.u32 s5  }
0x349: {  	v36 =	vld [tilespmem:s13+$0xD0]  }
0x34a: {  	v37 =	vld [tilespmem:s13+$0x90]  }
0x34b: {  	v38 =	vld [tilespmem:s13+$0xC0]  }
0x34c: {  	v39 =	vld [tilespmem:s13+$0xF0]  }
0x34d: {  	v40 =	vperm.xlane v35, v28;
	v41 =	vperm.xlane v35, v29;
	v42 =	vld [tilespmem:s13+$0xB0]  }
0x34e: {  	v43 =	vperm.xlane v35, v30;
	v35 =	vperm.xlane v35, v31  }
0x34f: {  	v33 =	vmul.f32 v33, v40;
	v37 =	vmul.f32 v37, v40  }
0x350: {  	v36 =	vmul.f32 v36, v43;
	v38 =	vmul.f32 v38, v43  }
0x351: {  	v32 =	vmul.f32 v32, v35;
	[tilespmem:s13+$0x80] =	vst v33;
	v33 =	vmul.f32 v39, v35  }
0x352: {  	v34 =	vmul.f32 v34, v41;
	v35 =	vmul.f32 v42, v41;
	[tilespmem:s13+$0xC0] =	vst v38  }
0x353: {  	[tilespmem:s13+$0xD0] =	vst v36  }
0x354: {  	[tilespmem:s13+$0xE0] =	vst v32  }
0x355: {  	[tilespmem:s13+$0xF0] =	vst v33  }
0x356: {  	[tilespmem:s13+$0x90] =	vst v37  }
0x357: {  	v32 =	vld [tilespmem:s0+$0xFFFFFF40];
	[tilespmem:s13+$0xA0] =	vst v34  }
0x358: {  	v33 =	vld [tilespmem:s0+$0xFFFFFF70];
	[tilespmem:s13+$0xB0] =	vst v35;
	s13 =	smov.u32 s0  }
0x359: {  	v34 =	vld [tilespmem:s5+$0xFFFFFFE0]  }
0x35a: {  	v35 =	vld [tilespmem:s0+$0xFFFFFF20]  }
0x35b: {  	v36 =	vld [tilespmem:s0+$0xFFFFFF60]  }
0x35c: {  	v37 =	vld [tilespmem:s0+$0xFFFFFF00]  }
0x35d: {  	v38 =	vld [tilespmem:s0+$0xFFFFFF30]  }
0x35e: {  	v39 =	vld [tilespmem:s0+$0xFFFFFF10];
	v40 =	vperm.xlane v34, v29;
	v41 =	vperm.xlane v34, v31  }
0x35f: {  	v42 =	vperm.xlane v34, v28;
	v34 =	vperm.xlane v34, v30;
	v43 =	vld [tilespmem:s0+$0xFFFFFF50]  }
0x360: {  	v36 =	vmul.f32 v36, v41  }
0x361: {  	v35 =	vmul.f32 v35, v40;
	v37 =	vmul.f32 v37, v42  }
0x362: {  	v33 =	vmul.f32 v33, v41;
	v38 =	vmul.f32 v38, v40;
	[tilespmem:s0+$0xFFFFFF60] =	vst v36  }
0x363: {  	v32 =	vmul.f32 v32, v34;
	[tilespmem:s0+$0xFFFFFF00] =	vst v37;
	v36 =	vmul.f32 v39, v42  }
0x364: {  	[tilespmem:s0+$0xFFFFFF30] =	vst v38;
	v37 =	vmul.f32 v43, v34  }
0x365: {  	[tilespmem:s0+$0xFFFFFF10] =	vst v36  }
.Ltmp1:
0x366: {  	[tilespmem:s0+$0xFFFFFF40] =	vst v32;
	(pc) =	sbr.rel @p0 .LBB2_5-.Ltmp1, $4  }
0x367: {  	[tilespmem:s0+$0xFFFFFF70] =	vst v33;
	v32 =	vld [tilespmem:s0+$0xFFFFFFF0]  }
0x368: {  	[tilespmem:s0+$0xFFFFFF20] =	vst v35;
	v34 =	vld [tilespmem:s0+$0xFFFFFF90]  }
0x369: {  	[tilespmem:s0+$0xFFFFFF50] =	vst v37;
	v33 =	vld [tilespmem:s0+$0xFFFFFFA0]  }
0x36a: {  	v35 =	vld [tilespmem:s5+$0xFFFFFFF0]  }
0x36b: {  	_ =	sdelay $0x1  }
0x36c: {  	v36 =	vld [tilespmem:s13+$0xFFFFFFC0]  }
0x36d: {  	v37 =	vld [tilespmem:s13+$0xFFFFFFD0]  }
0x36e: {  	v38 =	vperm.xlane v35, v28  }
0x36f: {  	v40 =	vperm.xlane v35, v30  }
0x370: {  	v41 =	vld [tilespmem:s13+$0xFFFFFFE0];
	v34 =	vmul.f32 v34, v38  }
0x371: {  	v39 =	vld [tilespmem:s13+$0xFFFFFF80];
	v43 =	vperm.xlane v35, v31;
	v36 =	vmul.f32 v36, v40  }
0x372: {  	v42 =	vld [tilespmem:s13+$0xFFFFFFB0];
	v49 =	vperm.xlane v35, v29;
	v37 =	vmul.f32 v37, v40;
	[tilespmem:s13+$0xFFFFFF90] =	vst v34  }
0x373: {  	v32 =	vmul.f32 v32, v43;
	[tilespmem:s13+$0xFFFFFFC0] =	vst v36  }
0x374: {  	v33 =	vmul.f32 v33, v49;
	[tilespmem:s13+$0xFFFFFFD0] =	vst v37  }
0x375: {  	v50 =	vmul.f32 v41, v43;
	[tilespmem:s13+$0xFFFFFFF0] =	vst v32  }
0x376: {  	v51 =	vmul.f32 v39, v38;
	[tilespmem:s13+$0xFFFFFFA0] =	vst v33  }
0x377: {  	v52 =	vmul.f32 v42, v49;
	[tilespmem:s13+$0xFFFFFFE0] =	vst v50  }
0x378: {  	[tilespmem:s13+$0xFFFFFF80] =	vst v51  }
0x379: {  	[tilespmem:s13+$0xFFFFFFB0] =	vst v52  }
0x37a: {  	v32 =	vld [tilespmem:s24+$0x0];
	_ =	sdelay $0x1  }
0x37b: {  	v53 =	vld [tilespmem:s13+$0x10]  }
0x37c: {  	v54 =	vld [tilespmem:s13+$0x40]  }
0x37d: {  	v55 =	vld [tilespmem:s13+$0x30]  }
0x37e: {  	v57 =	vld [tilespmem:s13+$0x0];
	v56 =	vperm.xlane v32, v28  }
0x37f: {  	v58 =	vld [tilespmem:s13+$0x70];
	v59 =	vperm.xlane v32, v30  }
0x380: {  	v60 =	vld [tilespmem:s13+$0x60];
	v61 =	vperm.xlane v32, v29;
	v33 =	vmul.f32 v53, v56  }
0x381: {  	v62 =	vld [tilespmem:s13+$0x20];
	v34 =	vmul.f32 v54, v59  }
0x382: {  	v63 =	vld [tilespmem:s13+$0x50];
	v32 =	vperm.xlane v32, v31;
	v44 =	vmul.f32 v55, v61;
	[tilespmem:s13+$0x10] =	vst v33  }
0x383: {  	v45 =	vmul.f32 v57, v56;
	[tilespmem:s13+$0x40] =	vst v34  }
0x384: {  	v46 =	vmul.f32 v58, v32;
	[tilespmem:s13+$0x30] =	vst v44  }
0x385: {  	v32 =	vmul.f32 v60, v32;
	[tilespmem:s13+$0x0] =	vst v45  }
0x386: {  	v47 =	vmul.f32 v62, v61;
	[tilespmem:s13+$0x70] =	vst v46  }
0x387: {  	v48 =	vmul.f32 v63, v59;
	[tilespmem:s13+$0x60] =	vst v32  }
0x388: {  	[tilespmem:s13+$0x20] =	vst v47  }
0x389: {  	[tilespmem:s13+$0x50] =	vst v48  }
0x38a: {  	v33 =	vld [tilespmem:s24+$0x10];
	_ =	sdelay $0x1  }
0x38b: {  	v49 =	vld [tilespmem:s13+$0x80]  }
0x38c: {  	v51 =	vld [tilespmem:s13+$0xC0]  }
0x38d: {  	v52 =	vld [tilespmem:s13+$0xD0]  }
0x38e: {  	v50 =	vld [tilespmem:s13+$0xE0];
	v54 =	vperm.xlane v33, v28  }
0x38f: {  	v55 =	vld [tilespmem:s13+$0xF0];
	v56 =	vperm.xlane v33, v30  }
0x390: {  	v57 =	vld [tilespmem:s13+$0x90];
	v32 =	vmul.f32 v49, v54  }
0x391: {  	v53 =	vld [tilespmem:s13+$0xA0];
	v59 =	vperm.xlane v33, v31;
	v35 =	vmul.f32 v51, v56  }
0x392: {  	v58 =	vld [tilespmem:s13+$0xB0];
	v36 =	vmul.f32 v52, v56;
	[tilespmem:s13+$0x80] =	vst v32  }
0x393: {  	v60 =	vmul.f32 v50, v59;
	[tilespmem:s13+$0xC0] =	vst v35  }
0x394: {  	s30 =	sadd.s32 $0x1, s30;
	v33 =	vperm.xlane v33, v29;
	v61 =	vmul.f32 v55, v59;
	[tilespmem:s13+$0xD0] =	vst v36  }
0x395: {  	p0 =	sne.s32 s30, $0x2D;
	v62 =	vmul.f32 v57, v54;
	[tilespmem:s13+$0xE0] =	vst v60  }
.Ltmp2:
0x396: {  	v63 =	vmul.f32 v53, v33;
	[tilespmem:s13+$0xF0] =	vst v61;
	(pc) =	sbr.rel @p0 .LBB2_2-.Ltmp2, $4  }
0x397: {  	v33 =	vmul.f32 v58, v33;
	[tilespmem:s13+$0x90] =	vst v62  }
0x398: {  	[tilespmem:s13+$0xA0] =	vst v63  }
0x399: {  	[tilespmem:s13+$0xB0] =	vst v33  }
0x39a: {  	[spmem:s2] =	stream.indirect.scatter.add.f32 [tilespmem:s14], [sflag:$0x6], $0x80, s23, s31, $0xb8;
	[tilespmem:$0x1FDA0] =	vst v63  }
0x39b: {  	s0 =	simm.s32 $0x6  }
0x39c: {  	_ =	swait.ge [sflag:s0], $0x700  }
0x39d: {  	[sflag:s0] =	ssyncset.done $0x0  }
0x39e: {  	[sflag:s0] =	ssyncadd.s32 $0xFFFFF900  }
0x39f: {  	_ =	swait.ge [sflag:s0], $0x3800  }
0x3a0: {  	[sflag:s0] =	ssyncset.done $0x0  }
0x3a1: {  	[sflag:s0] =	ssyncadd.s32 $0xFFFFC800  }
0x3a2: {  	[bflag:$0x0] =	sbarrier.arrive $0xFFFF  }
0x3a3: {  	s24 =	rddreg [dreg:$0x8]  }
0x3a4: {  	s13 =	rddreg [dreg:$0xe]  }
0x3a5: {  	s5 =	rddreg [dreg:$0x12]  }
0x3a6: {  	[hbm:s13], [sflag:s24] =	dma.local [spmem:s5], $0x2720  }
0x3a7: {  	s5 =	simm.s32 $0x7  }
0x3a8: {  	_ =	swait.ge [sflag:s5], $0x2720  }
0x3a9: {  	[sflag:s5] =	ssyncset.done $0x0;
	s25 =	rddreg [dreg:$0xf]  }
0x3aa: {  	s13 =	rddreg [dreg:$0x13];
	[sflag:s5] =	ssyncadd.s32 $0xFFFFD8E0  }
0x3ab: {  	[hbm:s25], [sflag:s24] =	dma.local [spmem:s13], $0x4E4  }
0x3ac: {  	_ =	swait.ge [sflag:s5], $0x4E4  }
0x3ad: {  	s29 =	rddreg [dreg:$0x11]  }
0x3ae: {  	s30 =	rddreg [dreg:$0x10];
	s13 =	sadd.s32 $0x1, s29  }
0x3af: {  	p0 =	sne.s32 s13, s30  }
.Ltmp3:
0x3b0: {  	_ = 	snop;
	(pc) =	sbr.rel @p0 .LBB2_1-.Ltmp3, $3  }
0x3b1: {  	_ =	sdelay $0x1  }
0x3b2: {  	[sflag:s5] =	ssyncset.done $0x0  }
0x3b3: {  	[sflag:s5] =	ssyncadd.s32 $0xFFFFFB1C  }
0x3b4: {  	_ =	sfence.sel $0x180000  }
0x3b5: {  	[bflag:$0x0] =	sbarrier.arrive $0xFFFF  }
0x3b6: {  	_ =	strace $0x90000047  }
0x3b7: {  	s0 =	stileid.u32;
	[bflag:$0x2] =	sbarrier.arrive $0xFFFF  }
0x3b8: {  	p0 =	sne.s32 s0, $0x0;
	s0 =	rddreg [dreg:$0x4]  }
0x3b9: {  	s0 =	sadd.s32 @!p0 $0x100000, s0  }
0x3ba: {  	[sflag:s0] =	ssyncadd.tile.s32 @!p0 $0x1;
	_ =	shalt  }
.Lfunc_end2:
_tile_overlayer_lowered:
.L_overlay_start_2:
0x3bb: {  	(tag) =	ssettag $0x2  }
0x3bc: {  	s0 =	rddreg [dreg:$0x0];
	s2 =	stileid.u32  }
0x3bd: {  	s1 =	rddreg [dreg:$0x1];
	p0 =	sne.s32 s2, $0x0  }
0x3be: {  	s3 =	rddreg [dreg:$0x2];
	[bflag:$0x3] =	sbarrier.arrive $0xFFFF;
	s2 =	simm.s32 @!p0 $0x1C07  }
0x3bf: {  	[timem:s3], [sflag:s2] =	dma.local @!p0 [hbm:s0], s1  }
0x3c0: {  	s0 =	simm.s32 @!p0 $0x7  }
0x3c1: {  	_ =	swait.ge @!p0 [sflag:s0], s1  }
0x3c2: {  	s1 =	ssub.s32 @!p0 $0x0, s1;
	[sflag:s0] =	ssyncset.done @!p0 $0x0  }
0x3c3: {  	[sflag:s0] =	ssyncadd.s32 @!p0 s1  }
0x3c4: {  	[bflag:$0x3] =	sbarrier.arrive $0xFFFF  }
0x3c5: {  	_ =	shalt  }

</sc_bundles>
